<compile_context>
chip_gen: v7x
topology: tpu7x:2x2x1
jax: 0.10.2.dev20260603
libtpu: 0.0.44.dev20260713+nightly
codegen_flags: <defaults>
</compile_context>

<pallas_src>
import functools

import jax
import jax.numpy as jnp
from jax import lax
from jax.experimental import pallas as pl
from jax.experimental.pallas import tpu as pltpu
from jax.experimental.pallas import tpu_sc as plsc

F_FIELDS = 26
VOCAB = 100000
D = 64
B = 1024
IN_DIM = F_FIELDS * D
N_ROWS = B * F_FIELDS

_NC = 2
_NS = 16
_NW = _NC * _NS

_WIN = 13
_SBUF = 4


def _sc_gather_body(rpw, idx_hbm, t3_hbm, out_hbm, idx_v, outbuf, blks,
                    sem_out, *sems):
    ngrp = rpw // _WIN
    wid = lax.axis_index("s") * _NC + lax.axis_index("c")
    base = wid * rpw

    pltpu.sync_copy(idx_hbm.at[pl.ds(base, rpw)], idx_v.at[pl.ds(0, rpw)])

    d_idx = [lax.iota(jnp.int32, 16) + (16 * k) for k in range(D // 16)]

    def _fetch(j, w):
        v = idx_v[pl.ds(j, 16)][0]
        f = lax.rem(base + j, F_FIELDS)
        voff = pl.multiple_of((v >> 7) << 7, 128)
        pltpu.make_async_copy(
            t3_hbm.at[f, :, pl.ds(voff, 128)], blks.at[w], sems[w]).start()

    for w in range(_WIN):
        _fetch(w, w)

    def _group(g, carry):
        jb = g * _WIN
        obase = (lax.rem(g // 2, _SBUF) * IN_DIM
                 + lax.rem(g, 2) * (_WIN * D))

        @pl.when(jnp.logical_and(lax.rem(g, 2) == 0, g >= 2 * _SBUF))
        def _():
            pltpu.make_async_copy(
                out_hbm.at[0, :], outbuf.at[pl.ds(0, IN_DIM)],
                sem_out).wait()
        for w in range(_WIN):
            j = jb + w
            pltpu.make_async_copy(
                t3_hbm.at[0, :, pl.ds(0, 128)], blks.at[w], sems[w]).wait()
            v = idx_v[pl.ds(j, 16)][0]
            lane = jnp.full((16,), v & 127, dtype=jnp.int32)
            for k in range(D // 16):
                col = plsc.load_gather(blks.at[w], [d_idx[k], lane])
                outbuf[pl.ds(obase + w * D + 16 * k, 16)] = col

            @pl.when(g < ngrp - 1)
            def _():
                _fetch(j + _WIN, w)

        @pl.when(lax.rem(g, 2) == 1)
        def _():
            s = base // F_FIELDS + (g - 1) // 2
            sbase = lax.rem((g - 1) // 2, _SBUF) * IN_DIM
            pltpu.make_async_copy(
                outbuf.at[pl.ds(sbase, IN_DIM)], out_hbm.at[s, :],
                sem_out).start()

        return carry

    lax.fori_loop(0, ngrp, _group, 0)

    for _ in range(_SBUF):
        pltpu.make_async_copy(
            out_hbm.at[0, :], outbuf.at[pl.ds(0, IN_DIM)], sem_out).wait()


@functools.lru_cache(maxsize=2)
def _make_sc_gather(n_rows):
    rpw = n_rows // _NW
    mesh = plsc.VectorSubcoreMesh(
        core_axis_name="c", subcore_axis_name="s", num_cores=_NC)
    return pl.kernel(
        functools.partial(_sc_gather_body, rpw),
        mesh=mesh,
        compiler_params=pltpu.CompilerParams(needs_layout_passes=False),
        out_type=jax.ShapeDtypeStruct((n_rows // F_FIELDS, IN_DIM),
                                      jnp.float32),
        scratch_types=[
            pltpu.VMEM((rpw + 16,), jnp.int32),
            pltpu.VMEM((_SBUF * IN_DIM,), jnp.float32),
            pltpu.VMEM((_WIN, D, 128), jnp.float32),
            pltpu.SemaphoreType.DMA,
        ] + [pltpu.SemaphoreType.DMA] * _WIN,
    )


def _tc_body(c_ref, wk_ref, w1_ref, b1_ref, w2_ref, b2_ref, w3_ref, b3_ref,
             w4_ref, b4_ref, o_ref):
    c = c_ref[...]
    z = jnp.dot(c, wk_ref[...], preferred_element_type=jnp.float32)
    fw = 0.5 * jnp.sum(c * z, axis=1, keepdims=True)
    h = jnp.maximum(
        jnp.dot(c, w1_ref[...], preferred_element_type=jnp.float32)
        + b1_ref[...], 0.0)
    h = jnp.maximum(
        jnp.dot(h, w2_ref[...], preferred_element_type=jnp.float32)
        + b2_ref[...], 0.0)
    h = jnp.maximum(
        jnp.dot(h, w3_ref[...], preferred_element_type=jnp.float32)
        + b3_ref[...], 0.0)
    m = jnp.dot(h, w4_ref[...], preferred_element_type=jnp.float32) + b4_ref[...]
    o_ref[...] = jax.nn.sigmoid(fw + m)


_BB = 256


def _tc_call(c, wk, W1, b1, W2, b2, W3, b3, W4, b4):
    nb = c.shape[0]
    full = lambda i: (0, 0)
    return pl.pallas_call(
        _tc_body,
        grid=(nb // _BB,),
        in_specs=[
            pl.BlockSpec((_BB, IN_DIM), lambda i: (i, 0)),
            pl.BlockSpec((IN_DIM, IN_DIM), full),
            pl.BlockSpec((IN_DIM, 512), full),
            pl.BlockSpec((1, 512), full),
            pl.BlockSpec((512, 256), full),
            pl.BlockSpec((1, 256), full),
            pl.BlockSpec((256, 128), full),
            pl.BlockSpec((1, 128), full),
            pl.BlockSpec((128, 1), full),
            pl.BlockSpec((1, 1), full),
        ],
        out_specs=pl.BlockSpec((_BB, 1), lambda i: (i, 0)),
        out_shape=jax.ShapeDtypeStruct((nb, 1), jnp.float32),
    )(c, wk, W1, b1, W2, b2, W3, b3, W4, b4)


def kernel(x, tables, field_cov_W, W1, b1, W2, b2, W3, b3, W4, b4):
    idx_raw = x.astype(jnp.int32).reshape(-1)
    t3 = jnp.transpose(tables, (0, 2, 1))

    w_sym = (field_cov_W + field_cov_W.T) * 0.5
    w0 = w_sym * (1.0 - jnp.eye(F_FIELDS, dtype=jnp.float32))
    wk = (w0[:, None, :, None]
          * jnp.eye(D, dtype=jnp.float32)[None, :, None, :]
          ).reshape(IN_DIM, IN_DIM)

    c = _make_sc_gather(N_ROWS)(idx_raw, t3)
    out = _tc_call(c, wk, W1, b1.reshape(1, -1), W2, b2.reshape(1, -1),
                   W3, b3.reshape(1, -1), W4, b4.reshape(1, -1))
    return out.reshape(B)

# --- scband reference (transcript-rebuilt; emitter-appended) ---
"""Pipeline reference for scband-deep-field-weighted-factorization-machine-model-22445499089611 (READ-ONLY COPY).

The authoritative reference and input builder live on the scoring server;
editing this copy changes nothing except your own understanding.
"""

import jax, jax.numpy as jnp
import numpy as np

F_FIELDS = 26
VOCAB = 100000
D = 64
B = 1024
IN_DIM = F_FIELDS * D
MLP_DIMS = [512, 256, 128]


def setup_inputs(seed: int = 0) -> dict:
    key = jax.random.key(seed)
    ks = jax.random.split(key, 12)
    x = jax.random.randint(ks[0], (B, F_FIELDS), 0, VOCAB)
    tables = jax.random.normal(ks[1], (F_FIELDS, VOCAB, D), dtype=jnp.float32) * 0.01
    field_cov_W = jax.random.normal(ks[2], (F_FIELDS, F_FIELDS), dtype=jnp.float32) * 0.1
    W1 = jax.random.normal(ks[3], (IN_DIM, MLP_DIMS[0]), dtype=jnp.float32) * (1.0 / np.sqrt(IN_DIM))
    b1 = jnp.zeros((MLP_DIMS[0],), dtype=jnp.float32)
    W2 = jax.random.normal(ks[4], (MLP_DIMS[0], MLP_DIMS[1]), dtype=jnp.float32) * (1.0 / np.sqrt(MLP_DIMS[0]))
    b2 = jnp.zeros((MLP_DIMS[1],), dtype=jnp.float32)
    W3 = jax.random.normal(ks[5], (MLP_DIMS[1], MLP_DIMS[2]), dtype=jnp.float32) * (1.0 / np.sqrt(MLP_DIMS[1]))
    b3 = jnp.zeros((MLP_DIMS[2],), dtype=jnp.float32)
    W4 = jax.random.normal(ks[6], (MLP_DIMS[2], 1), dtype=jnp.float32) * (1.0 / np.sqrt(MLP_DIMS[2]))
    b4 = jnp.zeros((1,), dtype=jnp.float32)
    return {"x": x, "tables": tables, "field_cov_W": field_cov_W,
            "W1": W1, "b1": b1, "W2": W2, "b2": b2, "W3": W3, "b3": b3, "W4": W4, "b4": b4}


def reference(x, tables, field_cov_W, W1, b1, W2, b2, W3, b3, W4, b4):
    # per-field embedding lookup: embed_x[f] = tables[f][x[:, f]] -> [F, B, D]
    X = jax.vmap(lambda t, idx: jnp.take(t, idx, axis=0))(tables, x.T)
    # FieldWeightedFactorizationMachine
    w_sym = (field_cov_W.T + field_cov_W) * 0.5
    outer_fm = jnp.einsum('kij,lij->klij', X, X)
    outer_fwfm = jnp.einsum('klij,kl->klij', outer_fm, w_sym)
    diag = jnp.einsum('kkij->kij', outer_fwfm)
    fwfm_second = (jnp.sum(jnp.sum(outer_fwfm, axis=0), axis=0) - jnp.sum(diag, axis=0)) * 0.5  # [B, D]
    fwfm_second_order = jnp.sum(fwfm_second, axis=1, keepdims=True)  # [B, 1]
    # MLP on concatenated embeddings (dropout=0.0 -> identity)
    concat = jnp.transpose(X, (1, 0, 2)).reshape(B, IN_DIM)
    h = jnp.maximum(concat @ W1 + b1, 0.0)
    h = jnp.maximum(h @ W2 + b2, 0.0)
    h = jnp.maximum(h @ W3 + b3, 0.0)
    mlp_out = h @ W4 + b4  # [B, 1]
    out = fwfm_second_order + mlp_out
    return jax.nn.sigmoid(jnp.squeeze(out, axis=1))

if __name__ == "__main__":
    import jax
    _d = setup_inputs()
    print(jax.jit(kernel)(*tuple(_d.values())))

</pallas_src>

<mosaic_0001>
#map = affine_map<(d0, d1) -> (0)>
#map1 = affine_map<(d0, d1) -> (0, 0, 0)>
#map2 = affine_map<(d0, d1) -> (0, 0)>
module attributes {stable_mosaic.version = 14 : i64} {
  func.func @_sc_gather_body(%arg0: i32, %arg1: i32, %arg2: memref<26624xi32, #tpu.memory_space<hbm>>, %arg3: memref<26x64x100000xf32, #tpu.memory_space<hbm>>, %arg4: memref<1024x1664xf32, #tpu.memory_space<hbm>>, %arg5: memref<848xi32, #tpu.memory_space<vmem>>, %arg6: memref<6656xf32, #tpu.memory_space<vmem>>, %arg7: memref<13x64x128xf32, #tpu.memory_space<vmem>>, %arg8: memref<!tpu.dma_semaphore, #tpu.memory_space<semaphore_mem>>, %arg9: memref<!tpu.dma_semaphore, #tpu.memory_space<semaphore_mem>>, %arg10: memref<!tpu.dma_semaphore, #tpu.memory_space<semaphore_mem>>, %arg11: memref<!tpu.dma_semaphore, #tpu.memory_space<semaphore_mem>>, %arg12: memref<!tpu.dma_semaphore, #tpu.memory_space<semaphore_mem>>, %arg13: memref<!tpu.dma_semaphore, #tpu.memory_space<semaphore_mem>>, %arg14: memref<!tpu.dma_semaphore, #tpu.memory_space<semaphore_mem>>, %arg15: memref<!tpu.dma_semaphore, #tpu.memory_space<semaphore_mem>>, %arg16: memref<!tpu.dma_semaphore, #tpu.memory_space<semaphore_mem>>, %arg17: memref<!tpu.dma_semaphore, #tpu.memory_space<semaphore_mem>>, %arg18: memref<!tpu.dma_semaphore, #tpu.memory_space<semaphore_mem>>, %arg19: memref<!tpu.dma_semaphore, #tpu.memory_space<semaphore_mem>>, %arg20: memref<!tpu.dma_semaphore, #tpu.memory_space<semaphore_mem>>, %arg21: memref<!tpu.dma_semaphore, #tpu.memory_space<semaphore_mem>>) attributes {dimension_semantics = [#tpu.dimension_semantics<core_parallel>, #tpu.dimension_semantics<subcore_parallel>], iteration_bounds = array<i64: 2, 16>, scalar_prefetch = 0 : i64, scratch_operands = 17 : i64, tpu.core_type = #tpu.core_type<sc_vector_subcore>, window_params = [{transform_indices = #map}, {transform_indices = #map1}, {transform_indices = #map2}]} {
    %mul3A = arith.constant 2 : i32
    %mul3A_0 = arith.muli %arg1, %mul3A : i32
    %add3A = arith.addi %mul3A_0, %arg0 : i32
    %mul3A_1 = arith.constant 832 : i32
    %mul3A_2 = arith.muli %add3A, %mul3A_1 : i32
    "tpu.region"() ({
      %run_scoped3A = tpu.sem_alloc : memref<!tpu.dma_semaphore, #tpu.memory_space<semaphore_mem>>
      %dma_start3A_422 = arith.constant 0 : i32
      %dma_start3A_423 = tpu.memref_slice %arg5[%dma_start3A_422] : memref<848xi32, #tpu.memory_space<vmem>> -> memref<832xi32, #tpu.memory_space<vmem>>
      %dma_start3A_424 = tpu.memref_slice %arg2[%mul3A_2] : memref<26624xi32, #tpu.memory_space<hbm>> -> memref<832xi32, #tpu.memory_space<hbm>>
      %dma_start3A_425 = arith.constant 0 : i32
      %dma_start3A_426 = tpu.memref_slice %arg5[%dma_start3A_425] : memref<848xi32, #tpu.memory_space<vmem>> -> memref<832xi32, #tpu.memory_space<vmem>>
      %dma_start3A_427 = tpu.memref_slice %arg2[%mul3A_2] : memref<26624xi32, #tpu.memory_space<hbm>> -> memref<832xi32, #tpu.memory_space<hbm>>
      tpu.enqueue_dma source(%dma_start3A_427 : memref<832xi32, #tpu.memory_space<hbm>>) target(%dma_start3A_426 : memref<832xi32, #tpu.memory_space<vmem>>) target_semaphore(%run_scoped3A : memref<!tpu.dma_semaphore, #tpu.memory_space<semaphore_mem>>)
      %dma_wait3A_428 = arith.constant 0 : i32
      %dma_wait3A_429 = tpu.memref_slice %arg5[%dma_wait3A_428] : memref<848xi32, #tpu.memory_space<vmem>> -> memref<832xi32, #tpu.memory_space<vmem>>
      %dma_wait3A_430 = tpu.memref_slice %arg2[%mul3A_2] : memref<26624xi32, #tpu.memory_space<hbm>> -> memref<832xi32, #tpu.memory_space<hbm>>
      %dma_wait3A_431 = arith.constant 0 : i32
      %dma_wait3A_432 = tpu.memref_slice %arg5[%dma_wait3A_431] : memref<848xi32, #tpu.memory_space<vmem>> -> memref<832xi32, #tpu.memory_space<vmem>>
      %dma_wait3A_433 = tpu.memref_slice %arg2[%mul3A_2] : memref<26624xi32, #tpu.memory_space<hbm>> -> memref<832xi32, #tpu.memory_space<hbm>>
      tpu.wait_dma2 semaphore(%run_scoped3A : memref<!tpu.dma_semaphore, #tpu.memory_space<semaphore_mem>>) src(%dma_wait3A_433 : memref<832xi32, #tpu.memory_space<hbm>>) dst(%dma_wait3A_432 : memref<832xi32, #tpu.memory_space<vmem>>)
      tpu.yield
    }) : () -> ()
    %iota3A = tpu.iota {dimensions = array<i32: 0>} : vector<16xi32>
    %add3A_3 = arith.constant 0 : i32
    %add3A_4 = vector.broadcast %add3A_3 : i32 to vector<16xi32>
    %add3A_5 = arith.addi %iota3A, %add3A_4 : vector<16xi32>
    %iota3A_6 = tpu.iota {dimensions = array<i32: 0>} : vector<16xi32>
    %add3A_7 = arith.constant 16 : i32
    %add3A_8 = vector.broadcast %add3A_7 : i32 to vector<16xi32>
    %add3A_9 = arith.addi %iota3A_6, %add3A_8 : vector<16xi32>
    %iota3A_10 = tpu.iota {dimensions = array<i32: 0>} : vector<16xi32>
    %add3A_11 = arith.constant 32 : i32
    %add3A_12 = vector.broadcast %add3A_11 : i32 to vector<16xi32>
    %add3A_13 = arith.addi %iota3A_10, %add3A_12 : vector<16xi32>
    %iota3A_14 = tpu.iota {dimensions = array<i32: 0>} : vector<16xi32>
    %add3A_15 = arith.constant 48 : i32
    %add3A_16 = vector.broadcast %add3A_15 : i32 to vector<16xi32>
    %add3A_17 = arith.addi %iota3A_14, %add3A_16 : vector<16xi32>
    %get3A = arith.constant 0 : index
    %get3A_18 = tpu.vector_load %arg5[%get3A] {strides = array<i32>} : memref<848xi32, #tpu.memory_space<vmem>>, vector<16xi32>,
    %slice3A = vector.extract_strided_slice %get3A_18 {offsets = [0], sizes = [1], strides = [1]} : vector<16xi32> to vector<1xi32>
    %squeeze3A = vector.extract %slice3A[0] : i32 from vector<1xi32>
    %add3A_19 = arith.constant 0 : i32
    %add3A_20 = arith.addi %mul3A_2, %add3A_19 : i32
    %rem3A = arith.constant 26 : i32
    %rem3A_21 = arith.remsi %add3A_20, %rem3A : i32
    %shift_right_arithmetic3A = arith.constant 7 : i32
    %shift_right_arithmetic3A_22 = arith.shrsi %squeeze3A, %shift_right_arithmetic3A : i32
    %shift_left3A = arith.constant 7 : i32
    %shift_left3A_23 = arith.shli %shift_right_arithmetic3A_22, %shift_left3A : i32
    %multiple_of3A = tpu.assume_multiple %shift_left3A_23, 128 : i32
    %dma_start3A = arith.constant 0 : i32
    %dma_start3A_24 = arith.constant 0 : i32
    %dma_start3A_25 = arith.constant 0 : i32
    %dma_start3A_26 = tpu.memref_slice %arg7[%dma_start3A, %dma_start3A_24, %dma_start3A_25] : memref<13x64x128xf32, #tpu.memory_space<vmem>> -> memref<1x64x128xf32, #tpu.memory_space<vmem>>
    %dma_start3A_27 = tpu.memref_squeeze %dma_start3A_26 : memref<1x64x128xf32, #tpu.memory_space<vmem>> -> memref<64x128xf32, #tpu.memory_space<vmem>>
    %dma_start3A_28 = arith.constant 0 : i32
    %dma_start3A_29 = tpu.memref_slice %arg3[%rem3A_21, %dma_start3A_28, %multiple_of3A] : memref<26x64x100000xf32, #tpu.memory_space<hbm>> -> memref<1x64x128xf32, #tpu.memory_space<hbm>>
    %dma_start3A_30 = tpu.memref_squeeze %dma_start3A_29 : memref<1x64x128xf32, #tpu.memory_space<hbm>> -> memref<64x128xf32, #tpu.memory_space<hbm>>
    %dma_start3A_31 = arith.constant 0 : i32
    %dma_start3A_32 = arith.constant 0 : i32
    %dma_start3A_33 = tpu.memref_slice %arg7[%dma_start3A, %dma_start3A_31, %dma_start3A_32] : memref<13x64x128xf32, #tpu.memory_space<vmem>> -> memref<1x64x128xf32, #tpu.memory_space<vmem>>
    %dma_start3A_34 = tpu.memref_squeeze %dma_start3A_33 : memref<1x64x128xf32, #tpu.memory_space<vmem>> -> memref<64x128xf32, #tpu.memory_space<vmem>>
    %dma_start3A_35 = arith.constant 0 : i32
    %dma_start3A_36 = tpu.memref_slice %arg3[%rem3A_21, %dma_start3A_35, %multiple_of3A] : memref<26x64x100000xf32, #tpu.memory_space<hbm>> -> memref<1x64x128xf32, #tpu.memory_space<hbm>>
    %dma_start3A_37 = tpu.memref_squeeze %dma_start3A_36 : memref<1x64x128xf32, #tpu.memory_space<hbm>> -> memref<64x128xf32, #tpu.memory_space<hbm>>
    tpu.enqueue_dma source(%dma_start3A_37 : memref<64x128xf32, #tpu.memory_space<hbm>>) target(%dma_start3A_34 : memref<64x128xf32, #tpu.memory_space<vmem>>) target_semaphore(%arg9 : memref<!tpu.dma_semaphore, #tpu.memory_space<semaphore_mem>>)
    %get3A_38 = arith.constant 1 : index
    %get3A_39 = tpu.vector_load %arg5[%get3A_38] {strides = array<i32>} : memref<848xi32, #tpu.memory_space<vmem>>, vector<16xi32>,
    %slice3A_40 = vector.extract_strided_slice %get3A_39 {offsets = [0], sizes = [1], strides = [1]} : vector<16xi32> to vector<1xi32>
    %squeeze3A_41 = vector.extract %slice3A_40[0] : i32 from vector<1xi32>
    %add3A_42 = arith.constant 1 : i32
    %add3A_43 = arith.addi %mul3A_2, %add3A_42 : i32
    %rem3A_44 = arith.constant 26 : i32
    %rem3A_45 = arith.remsi %add3A_43, %rem3A_44 : i32
    %shift_right_arithmetic3A_46 = arith.constant 7 : i32
    %shift_right_arithmetic3A_47 = arith.shrsi %squeeze3A_41, %shift_right_arithmetic3A_46 : i32
    %shift_left3A_48 = arith.constant 7 : i32
    %shift_left3A_49 = arith.shli %shift_right_arithmetic3A_47, %shift_left3A_48 : i32
    %multiple_of3A_50 = tpu.assume_multiple %shift_left3A_49, 128 : i32
    %dma_start3A_51 = arith.constant 1 : i32
    %dma_start3A_52 = arith.constant 0 : i32
    %dma_start3A_53 = arith.constant 0 : i32
    %dma_start3A_54 = tpu.memref_slice %arg7[%dma_start3A_51, %dma_start3A_52, %dma_start3A_53] : memref<13x64x128xf32, #tpu.memory_space<vmem>> -> memref<1x64x128xf32, #tpu.memory_space<vmem>>
    %dma_start3A_55 = tpu.memref_squeeze %dma_start3A_54 : memref<1x64x128xf32, #tpu.memory_space<vmem>> -> memref<64x128xf32, #tpu.memory_space<vmem>>
    %dma_start3A_56 = arith.constant 0 : i32
    %dma_start3A_57 = tpu.memref_slice %arg3[%rem3A_45, %dma_start3A_56, %multiple_of3A_50] : memref<26x64x100000xf32, #tpu.memory_space<hbm>> -> memref<1x64x128xf32, #tpu.memory_space<hbm>>
    %dma_start3A_58 = tpu.memref_squeeze %dma_start3A_57 : memref<1x64x128xf32, #tpu.memory_space<hbm>> -> memref<64x128xf32, #tpu.memory_space<hbm>>
    %dma_start3A_59 = arith.constant 0 : i32
    %dma_start3A_60 = arith.constant 0 : i32
    %dma_start3A_61 = tpu.memref_slice %arg7[%dma_start3A_51, %dma_start3A_59, %dma_start3A_60] : memref<13x64x128xf32, #tpu.memory_space<vmem>> -> memref<1x64x128xf32, #tpu.memory_space<vmem>>
    %dma_start3A_62 = tpu.memref_squeeze %dma_start3A_61 : memref<1x64x128xf32, #tpu.memory_space<vmem>> -> memref<64x128xf32, #tpu.memory_space<vmem>>
    %dma_start3A_63 = arith.constant 0 : i32
    %dma_start3A_64 = tpu.memref_slice %arg3[%rem3A_45, %dma_start3A_63, %multiple_of3A_50] : memref<26x64x100000xf32, #tpu.memory_space<hbm>> -> memref<1x64x128xf32, #tpu.memory_space<hbm>>
    %dma_start3A_65 = tpu.memref_squeeze %dma_start3A_64 : memref<1x64x128xf32, #tpu.memory_space<hbm>> -> memref<64x128xf32, #tpu.memory_space<hbm>>
    tpu.enqueue_dma source(%dma_start3A_65 : memref<64x128xf32, #tpu.memory_space<hbm>>) target(%dma_start3A_62 : memref<64x128xf32, #tpu.memory_space<vmem>>) target_semaphore(%arg10 : memref<!tpu.dma_semaphore, #tpu.memory_space<semaphore_mem>>)
    %get3A_66 = arith.constant 2 : index
    %get3A_67 = tpu.vector_load %arg5[%get3A_66] {strides = array<i32>} : memref<848xi32, #tpu.memory_space<vmem>>, vector<16xi32>,
    %slice3A_68 = vector.extract_strided_slice %get3A_67 {offsets = [0], sizes = [1], strides = [1]} : vector<16xi32> to vector<1xi32>
    %squeeze3A_69 = vector.extract %slice3A_68[0] : i32 from vector<1xi32>
    %add3A_70 = arith.constant 2 : i32
    %add3A_71 = arith.addi %mul3A_2, %add3A_70 : i32
    %rem3A_72 = arith.constant 26 : i32
    %rem3A_73 = arith.remsi %add3A_71, %rem3A_72 : i32
    %shift_right_arithmetic3A_74 = arith.constant 7 : i32
    %shift_right_arithmetic3A_75 = arith.shrsi %squeeze3A_69, %shift_right_arithmetic3A_74 : i32
    %shift_left3A_76 = arith.constant 7 : i32
    %shift_left3A_77 = arith.shli %shift_right_arithmetic3A_75, %shift_left3A_76 : i32
    %multiple_of3A_78 = tpu.assume_multiple %shift_left3A_77, 128 : i32
    %dma_start3A_79 = arith.constant 2 : i32
    %dma_start3A_80 = arith.constant 0 : i32
    %dma_start3A_81 = arith.constant 0 : i32
    %dma_start3A_82 = tpu.memref_slice %arg7[%dma_start3A_79, %dma_start3A_80, %dma_start3A_81] : memref<13x64x128xf32, #tpu.memory_space<vmem>> -> memref<1x64x128xf32, #tpu.memory_space<vmem>>
    %dma_start3A_83 = tpu.memref_squeeze %dma_start3A_82 : memref<1x64x128xf32, #tpu.memory_space<vmem>> -> memref<64x128xf32, #tpu.memory_space<vmem>>
    %dma_start3A_84 = arith.constant 0 : i32
    %dma_start3A_85 = tpu.memref_slice %arg3[%rem3A_73, %dma_start3A_84, %multiple_of3A_78] : memref<26x64x100000xf32, #tpu.memory_space<hbm>> -> memref<1x64x128xf32, #tpu.memory_space<hbm>>
    %dma_start3A_86 = tpu.memref_squeeze %dma_start3A_85 : memref<1x64x128xf32, #tpu.memory_space<hbm>> -> memref<64x128xf32, #tpu.memory_space<hbm>>
    %dma_start3A_87 = arith.constant 0 : i32
    %dma_start3A_88 = arith.constant 0 : i32
    %dma_start3A_89 = tpu.memref_slice %arg7[%dma_start3A_79, %dma_start3A_87, %dma_start3A_88] : memref<13x64x128xf32, #tpu.memory_space<vmem>> -> memref<1x64x128xf32, #tpu.memory_space<vmem>>
    %dma_start3A_90 = tpu.memref_squeeze %dma_start3A_89 : memref<1x64x128xf32, #tpu.memory_space<vmem>> -> memref<64x128xf32, #tpu.memory_space<vmem>>
    %dma_start3A_91 = arith.constant 0 : i32
    %dma_start3A_92 = tpu.memref_slice %arg3[%rem3A_73, %dma_start3A_91, %multiple_of3A_78] : memref<26x64x100000xf32, #tpu.memory_space<hbm>> -> memref<1x64x128xf32, #tpu.memory_space<hbm>>
    %dma_start3A_93 = tpu.memref_squeeze %dma_start3A_92 : memref<1x64x128xf32, #tpu.memory_space<hbm>> -> memref<64x128xf32, #tpu.memory_space<hbm>>
    tpu.enqueue_dma source(%dma_start3A_93 : memref<64x128xf32, #tpu.memory_space<hbm>>) target(%dma_start3A_90 : memref<64x128xf32, #tpu.memory_space<vmem>>) target_semaphore(%arg11 : memref<!tpu.dma_semaphore, #tpu.memory_space<semaphore_mem>>)
    %get3A_94 = arith.constant 3 : index
    %get3A_95 = tpu.vector_load %arg5[%get3A_94] {strides = array<i32>} : memref<848xi32, #tpu.memory_space<vmem>>, vector<16xi32>,
    %slice3A_96 = vector.extract_strided_slice %get3A_95 {offsets = [0], sizes = [1], strides = [1]} : vector<16xi32> to vector<1xi32>
    %squeeze3A_97 = vector.extract %slice3A_96[0] : i32 from vector<1xi32>
    %add3A_98 = arith.constant 3 : i32
    %add3A_99 = arith.addi %mul3A_2, %add3A_98 : i32
    %rem3A_100 = arith.constant 26 : i32
    %rem3A_101 = arith.remsi %add3A_99, %rem3A_100 : i32
    %shift_right_arithmetic3A_102 = arith.constant 7 : i32
    %shift_right_arithmetic3A_103 = arith.shrsi %squeeze3A_97, %shift_right_arithmetic3A_102 : i32
    %shift_left3A_104 = arith.constant 7 : i32
    %shift_left3A_105 = arith.shli %shift_right_arithmetic3A_103, %shift_left3A_104 : i32
    %multiple_of3A_106 = tpu.assume_multiple %shift_left3A_105, 128 : i32
    %dma_start3A_107 = arith.constant 3 : i32
    %dma_start3A_108 = arith.constant 0 : i32
    %dma_start3A_109 = arith.constant 0 : i32
    %dma_start3A_110 = tpu.memref_slice %arg7[%dma_start3A_107, %dma_start3A_108, %dma_start3A_109] : memref<13x64x128xf32, #tpu.memory_space<vmem>> -> memref<1x64x128xf32, #tpu.memory_space<vmem>>
    %dma_start3A_111 = tpu.memref_squeeze %dma_start3A_110 : memref<1x64x128xf32, #tpu.memory_space<vmem>> -> memref<64x128xf32, #tpu.memory_space<vmem>>
    %dma_start3A_112 = arith.constant 0 : i32
    %dma_start3A_113 = tpu.memref_slice %arg3[%rem3A_101, %dma_start3A_112, %multiple_of3A_106] : memref<26x64x100000xf32, #tpu.memory_space<hbm>> -> memref<1x64x128xf32, #tpu.memory_space<hbm>>
    %dma_start3A_114 = tpu.memref_squeeze %dma_start3A_113 : memref<1x64x128xf32, #tpu.memory_space<hbm>> -> memref<64x128xf32, #tpu.memory_space<hbm>>
    %dma_start3A_115 = arith.constant 0 : i32
    %dma_start3A_116 = arith.constant 0 : i32
    %dma_start3A_117 = tpu.memref_slice %arg7[%dma_start3A_107, %dma_start3A_115, %dma_start3A_116] : memref<13x64x128xf32, #tpu.memory_space<vmem>> -> memref<1x64x128xf32, #tpu.memory_space<vmem>>
    %dma_start3A_118 = tpu.memref_squeeze %dma_start3A_117 : memref<1x64x128xf32, #tpu.memory_space<vmem>> -> memref<64x128xf32, #tpu.memory_space<vmem>>
    %dma_start3A_119 = arith.constant 0 : i32
    %dma_start3A_120 = tpu.memref_slice %arg3[%rem3A_101, %dma_start3A_119, %multiple_of3A_106] : memref<26x64x100000xf32, #tpu.memory_space<hbm>> -> memref<1x64x128xf32, #tpu.memory_space<hbm>>
    %dma_start3A_121 = tpu.memref_squeeze %dma_start3A_120 : memref<1x64x128xf32, #tpu.memory_space<hbm>> -> memref<64x128xf32, #tpu.memory_space<hbm>>
    tpu.enqueue_dma source(%dma_start3A_121 : memref<64x128xf32, #tpu.memory_space<hbm>>) target(%dma_start3A_118 : memref<64x128xf32, #tpu.memory_space<vmem>>) target_semaphore(%arg12 : memref<!tpu.dma_semaphore, #tpu.memory_space<semaphore_mem>>)
    %get3A_122 = arith.constant 4 : index
    %get3A_123 = tpu.vector_load %arg5[%get3A_122] {strides = array<i32>} : memref<848xi32, #tpu.memory_space<vmem>>, vector<16xi32>,
    %slice3A_124 = vector.extract_strided_slice %get3A_123 {offsets = [0], sizes = [1], strides = [1]} : vector<16xi32> to vector<1xi32>
    %squeeze3A_125 = vector.extract %slice3A_124[0] : i32 from vector<1xi32>
    %add3A_126 = arith.constant 4 : i32
    %add3A_127 = arith.addi %mul3A_2, %add3A_126 : i32
    %rem3A_128 = arith.constant 26 : i32
    %rem3A_129 = arith.remsi %add3A_127, %rem3A_128 : i32
    %shift_right_arithmetic3A_130 = arith.constant 7 : i32
    %shift_right_arithmetic3A_131 = arith.shrsi %squeeze3A_125, %shift_right_arithmetic3A_130 : i32
    %shift_left3A_132 = arith.constant 7 : i32
    %shift_left3A_133 = arith.shli %shift_right_arithmetic3A_131, %shift_left3A_132 : i32
    %multiple_of3A_134 = tpu.assume_multiple %shift_left3A_133, 128 : i32
    %dma_start3A_135 = arith.constant 4 : i32
    %dma_start3A_136 = arith.constant 0 : i32
    %dma_start3A_137 = arith.constant 0 : i32
    %dma_start3A_138 = tpu.memref_slice %arg7[%dma_start3A_135, %dma_start3A_136, %dma_start3A_137] : memref<13x64x128xf32, #tpu.memory_space<vmem>> -> memref<1x64x128xf32, #tpu.memory_space<vmem>>
    %dma_start3A_139 = tpu.memref_squeeze %dma_start3A_138 : memref<1x64x128xf32, #tpu.memory_space<vmem>> -> memref<64x128xf32, #tpu.memory_space<vmem>>
    %dma_start3A_140 = arith.constant 0 : i32
    %dma_start3A_141 = tpu.memref_slice %arg3[%rem3A_129, %dma_start3A_140, %multiple_of3A_134] : memref<26x64x100000xf32, #tpu.memory_space<hbm>> -> memref<1x64x128xf32, #tpu.memory_space<hbm>>
    %dma_start3A_142 = tpu.memref_squeeze %dma_start3A_141 : memref<1x64x128xf32, #tpu.memory_space<hbm>> -> memref<64x128xf32, #tpu.memory_space<hbm>>
    %dma_start3A_143 = arith.constant 0 : i32
    %dma_start3A_144 = arith.constant 0 : i32
    %dma_start3A_145 = tpu.memref_slice %arg7[%dma_start3A_135, %dma_start3A_143, %dma_start3A_144] : memref<13x64x128xf32, #tpu.memory_space<vmem>> -> memref<1x64x128xf32, #tpu.memory_space<vmem>>
    %dma_start3A_146 = tpu.memref_squeeze %dma_start3A_145 : memref<1x64x128xf32, #tpu.memory_space<vmem>> -> memref<64x128xf32, #tpu.memory_space<vmem>>
    %dma_start3A_147 = arith.constant 0 : i32
    %dma_start3A_148 = tpu.memref_slice %arg3[%rem3A_129, %dma_start3A_147, %multiple_of3A_134] : memref<26x64x100000xf32, #tpu.memory_space<hbm>> -> memref<1x64x128xf32, #tpu.memory_space<hbm>>
    %dma_start3A_149 = tpu.memref_squeeze %dma_start3A_148 : memref<1x64x128xf32, #tpu.memory_space<hbm>> -> memref<64x128xf32, #tpu.memory_space<hbm>>
    tpu.enqueue_dma source(%dma_start3A_149 : memref<64x128xf32, #tpu.memory_space<hbm>>) target(%dma_start3A_146 : memref<64x128xf32, #tpu.memory_space<vmem>>) target_semaphore(%arg13 : memref<!tpu.dma_semaphore, #tpu.memory_space<semaphore_mem>>)
    %get3A_150 = arith.constant 5 : index
    %get3A_151 = tpu.vector_load %arg5[%get3A_150] {strides = array<i32>} : memref<848xi32, #tpu.memory_space<vmem>>, vector<16xi32>,
    %slice3A_152 = vector.extract_strided_slice %get3A_151 {offsets = [0], sizes = [1], strides = [1]} : vector<16xi32> to vector<1xi32>
    %squeeze3A_153 = vector.extract %slice3A_152[0] : i32 from vector<1xi32>
    %add3A_154 = arith.constant 5 : i32
    %add3A_155 = arith.addi %mul3A_2, %add3A_154 : i32
    %rem3A_156 = arith.constant 26 : i32
    %rem3A_157 = arith.remsi %add3A_155, %rem3A_156 : i32
    %shift_right_arithmetic3A_158 = arith.constant 7 : i32
    %shift_right_arithmetic3A_159 = arith.shrsi %squeeze3A_153, %shift_right_arithmetic3A_158 : i32
    %shift_left3A_160 = arith.constant 7 : i32
    %shift_left3A_161 = arith.shli %shift_right_arithmetic3A_159, %shift_left3A_160 : i32
    %multiple_of3A_162 = tpu.assume_multiple %shift_left3A_161, 128 : i32
    %dma_start3A_163 = arith.constant 5 : i32
    %dma_start3A_164 = arith.constant 0 : i32
    %dma_start3A_165 = arith.constant 0 : i32
    %dma_start3A_166 = tpu.memref_slice %arg7[%dma_start3A_163, %dma_start3A_164, %dma_start3A_165] : memref<13x64x128xf32, #tpu.memory_space<vmem>> -> memref<1x64x128xf32, #tpu.memory_space<vmem>>
    %dma_start3A_167 = tpu.memref_squeeze %dma_start3A_166 : memref<1x64x128xf32, #tpu.memory_space<vmem>> -> memref<64x128xf32, #tpu.memory_space<vmem>>
    %dma_start3A_168 = arith.constant 0 : i32
    %dma_start3A_169 = tpu.memref_slice %arg3[%rem3A_157, %dma_start3A_168, %multiple_of3A_162] : memref<26x64x100000xf32, #tpu.memory_space<hbm>> -> memref<1x64x128xf32, #tpu.memory_space<hbm>>
    %dma_start3A_170 = tpu.memref_squeeze %dma_start3A_169 : memref<1x64x128xf32, #tpu.memory_space<hbm>> -> memref<64x128xf32, #tpu.memory_space<hbm>>
    %dma_start3A_171 = arith.constant 0 : i32
    %dma_start3A_172 = arith.constant 0 : i32
    %dma_start3A_173 = tpu.memref_slice %arg7[%dma_start3A_163, %dma_start3A_171, %dma_start3A_172] : memref<13x64x128xf32, #tpu.memory_space<vmem>> -> memref<1x64x128xf32, #tpu.memory_space<vmem>>
    %dma_start3A_174 = tpu.memref_squeeze %dma_start3A_173 : memref<1x64x128xf32, #tpu.memory_space<vmem>> -> memref<64x128xf32, #tpu.memory_space<vmem>>
    %dma_start3A_175 = arith.constant 0 : i32
    %dma_start3A_176 = tpu.memref_slice %arg3[%rem3A_157, %dma_start3A_175, %multiple_of3A_162] : memref<26x64x100000xf32, #tpu.memory_space<hbm>> -> memref<1x64x128xf32, #tpu.memory_space<hbm>>
    %dma_start3A_177 = tpu.memref_squeeze %dma_start3A_176 : memref<1x64x128xf32, #tpu.memory_space<hbm>> -> memref<64x128xf32, #tpu.memory_space<hbm>>
    tpu.enqueue_dma source(%dma_start3A_177 : memref<64x128xf32, #tpu.memory_space<hbm>>) target(%dma_start3A_174 : memref<64x128xf32, #tpu.memory_space<vmem>>) target_semaphore(%arg14 : memref<!tpu.dma_semaphore, #tpu.memory_space<semaphore_mem>>)
    %get3A_178 = arith.constant 6 : index
    %get3A_179 = tpu.vector_load %arg5[%get3A_178] {strides = array<i32>} : memref<848xi32, #tpu.memory_space<vmem>>, vector<16xi32>,
    %slice3A_180 = vector.extract_strided_slice %get3A_179 {offsets = [0], sizes = [1], strides = [1]} : vector<16xi32> to vector<1xi32>
    %squeeze3A_181 = vector.extract %slice3A_180[0] : i32 from vector<1xi32>
    %add3A_182 = arith.constant 6 : i32
    %add3A_183 = arith.addi %mul3A_2, %add3A_182 : i32
    %rem3A_184 = arith.constant 26 : i32
    %rem3A_185 = arith.remsi %add3A_183, %rem3A_184 : i32
    %shift_right_arithmetic3A_186 = arith.constant 7 : i32
    %shift_right_arithmetic3A_187 = arith.shrsi %squeeze3A_181, %shift_right_arithmetic3A_186 : i32
    %shift_left3A_188 = arith.constant 7 : i32
    %shift_left3A_189 = arith.shli %shift_right_arithmetic3A_187, %shift_left3A_188 : i32
    %multiple_of3A_190 = tpu.assume_multiple %shift_left3A_189, 128 : i32
    %dma_start3A_191 = arith.constant 6 : i32
    %dma_start3A_192 = arith.constant 0 : i32
    %dma_start3A_193 = arith.constant 0 : i32
    %dma_start3A_194 = tpu.memref_slice %arg7[%dma_start3A_191, %dma_start3A_192, %dma_start3A_193] : memref<13x64x128xf32, #tpu.memory_space<vmem>> -> memref<1x64x128xf32, #tpu.memory_space<vmem>>
    %dma_start3A_195 = tpu.memref_squeeze %dma_start3A_194 : memref<1x64x128xf32, #tpu.memory_space<vmem>> -> memref<64x128xf32, #tpu.memory_space<vmem>>
    %dma_start3A_196 = arith.constant 0 : i32
    %dma_start3A_197 = tpu.memref_slice %arg3[%rem3A_185, %dma_start3A_196, %multiple_of3A_190] : memref<26x64x100000xf32, #tpu.memory_space<hbm>> -> memref<1x64x128xf32, #tpu.memory_space<hbm>>
    %dma_start3A_198 = tpu.memref_squeeze %dma_start3A_197 : memref<1x64x128xf32, #tpu.memory_space<hbm>> -> memref<64x128xf32, #tpu.memory_space<hbm>>
    %dma_start3A_199 = arith.constant 0 : i32
    %dma_start3A_200 = arith.constant 0 : i32
    %dma_start3A_201 = tpu.memref_slice %arg7[%dma_start3A_191, %dma_start3A_199, %dma_start3A_200] : memref<13x64x128xf32, #tpu.memory_space<vmem>> -> memref<1x64x128xf32, #tpu.memory_space<vmem>>
    %dma_start3A_202 = tpu.memref_squeeze %dma_start3A_201 : memref<1x64x128xf32, #tpu.memory_space<vmem>> -> memref<64x128xf32, #tpu.memory_space<vmem>>
    %dma_start3A_203 = arith.constant 0 : i32
    %dma_start3A_204 = tpu.memref_slice %arg3[%rem3A_185, %dma_start3A_203, %multiple_of3A_190] : memref<26x64x100000xf32, #tpu.memory_space<hbm>> -> memref<1x64x128xf32, #tpu.memory_space<hbm>>
    %dma_start3A_205 = tpu.memref_squeeze %dma_start3A_204 : memref<1x64x128xf32, #tpu.memory_space<hbm>> -> memref<64x128xf32, #tpu.memory_space<hbm>>
    tpu.enqueue_dma source(%dma_start3A_205 : memref<64x128xf32, #tpu.memory_space<hbm>>) target(%dma_start3A_202 : memref<64x128xf32, #tpu.memory_space<vmem>>) target_semaphore(%arg15 : memref<!tpu.dma_semaphore, #tpu.memory_space<semaphore_mem>>)
    %get3A_206 = arith.constant 7 : index
    %get3A_207 = tpu.vector_load %arg5[%get3A_206] {strides = array<i32>} : memref<848xi32, #tpu.memory_space<vmem>>, vector<16xi32>,
    %slice3A_208 = vector.extract_strided_slice %get3A_207 {offsets = [0], sizes = [1], strides = [1]} : vector<16xi32> to vector<1xi32>
    %squeeze3A_209 = vector.extract %slice3A_208[0] : i32 from vector<1xi32>
    %add3A_210 = arith.constant 7 : i32
    %add3A_211 = arith.addi %mul3A_2, %add3A_210 : i32
    %rem3A_212 = arith.constant 26 : i32
    %rem3A_213 = arith.remsi %add3A_211, %rem3A_212 : i32
    %shift_right_arithmetic3A_214 = arith.constant 7 : i32
    %shift_right_arithmetic3A_215 = arith.shrsi %squeeze3A_209, %shift_right_arithmetic3A_214 : i32
    %shift_left3A_216 = arith.constant 7 : i32
    %shift_left3A_217 = arith.shli %shift_right_arithmetic3A_215, %shift_left3A_216 : i32
    %multiple_of3A_218 = tpu.assume_multiple %shift_left3A_217, 128 : i32
    %dma_start3A_219 = arith.constant 7 : i32
    %dma_start3A_220 = arith.constant 0 : i32
    %dma_start3A_221 = arith.constant 0 : i32
    %dma_start3A_222 = tpu.memref_slice %arg7[%dma_start3A_219, %dma_start3A_220, %dma_start3A_221] : memref<13x64x128xf32, #tpu.memory_space<vmem>> -> memref<1x64x128xf32, #tpu.memory_space<vmem>>
    %dma_start3A_223 = tpu.memref_squeeze %dma_start3A_222 : memref<1x64x128xf32, #tpu.memory_space<vmem>> -> memref<64x128xf32, #tpu.memory_space<vmem>>
    %dma_start3A_224 = arith.constant 0 : i32
    %dma_start3A_225 = tpu.memref_slice %arg3[%rem3A_213, %dma_start3A_224, %multiple_of3A_218] : memref<26x64x100000xf32, #tpu.memory_space<hbm>> -> memref<1x64x128xf32, #tpu.memory_space<hbm>>
    %dma_start3A_226 = tpu.memref_squeeze %dma_start3A_225 : memref<1x64x128xf32, #tpu.memory_space<hbm>> -> memref<64x128xf32, #tpu.memory_space<hbm>>
    %dma_start3A_227 = arith.constant 0 : i32
    %dma_start3A_228 = arith.constant 0 : i32
    %dma_start3A_229 = tpu.memref_slice %arg7[%dma_start3A_219, %dma_start3A_227, %dma_start3A_228] : memref<13x64x128xf32, #tpu.memory_space<vmem>> -> memref<1x64x128xf32, #tpu.memory_space<vmem>>
    %dma_start3A_230 = tpu.memref_squeeze %dma_start3A_229 : memref<1x64x128xf32, #tpu.memory_space<vmem>> -> memref<64x128xf32, #tpu.memory_space<vmem>>
    %dma_start3A_231 = arith.constant 0 : i32
    %dma_start3A_232 = tpu.memref_slice %arg3[%rem3A_213, %dma_start3A_231, %multiple_of3A_218] : memref<26x64x100000xf32, #tpu.memory_space<hbm>> -> memref<1x64x128xf32, #tpu.memory_space<hbm>>
    %dma_start3A_233 = tpu.memref_squeeze %dma_start3A_232 : memref<1x64x128xf32, #tpu.memory_space<hbm>> -> memref<64x128xf32, #tpu.memory_space<hbm>>
    tpu.enqueue_dma source(%dma_start3A_233 : memref<64x128xf32, #tpu.memory_space<hbm>>) target(%dma_start3A_230 : memref<64x128xf32, #tpu.memory_space<vmem>>) target_semaphore(%arg16 : memref<!tpu.dma_semaphore, #tpu.memory_space<semaphore_mem>>)
    %get3A_234 = arith.constant 8 : index
    %get3A_235 = tpu.vector_load %arg5[%get3A_234] {strides = array<i32>} : memref<848xi32, #tpu.memory_space<vmem>>, vector<16xi32>,
    %slice3A_236 = vector.extract_strided_slice %get3A_235 {offsets = [0], sizes = [1], strides = [1]} : vector<16xi32> to vector<1xi32>
    %squeeze3A_237 = vector.extract %slice3A_236[0] : i32 from vector<1xi32>
    %add3A_238 = arith.constant 8 : i32
    %add3A_239 = arith.addi %mul3A_2, %add3A_238 : i32
    %rem3A_240 = arith.constant 26 : i32
    %rem3A_241 = arith.remsi %add3A_239, %rem3A_240 : i32
    %shift_right_arithmetic3A_242 = arith.constant 7 : i32
    %shift_right_arithmetic3A_243 = arith.shrsi %squeeze3A_237, %shift_right_arithmetic3A_242 : i32
    %shift_left3A_244 = arith.constant 7 : i32
    %shift_left3A_245 = arith.shli %shift_right_arithmetic3A_243, %shift_left3A_244 : i32
    %multiple_of3A_246 = tpu.assume_multiple %shift_left3A_245, 128 : i32
    %dma_start3A_247 = arith.constant 8 : i32
    %dma_start3A_248 = arith.constant 0 : i32
    %dma_start3A_249 = arith.constant 0 : i32
    %dma_start3A_250 = tpu.memref_slice %arg7[%dma_start3A_247, %dma_start3A_248, %dma_start3A_249] : memref<13x64x128xf32, #tpu.memory_space<vmem>> -> memref<1x64x128xf32, #tpu.memory_space<vmem>>
    %dma_start3A_251 = tpu.memref_squeeze %dma_start3A_250 : memref<1x64x128xf32, #tpu.memory_space<vmem>> -> memref<64x128xf32, #tpu.memory_space<vmem>>
    %dma_start3A_252 = arith.constant 0 : i32
    %dma_start3A_253 = tpu.memref_slice %arg3[%rem3A_241, %dma_start3A_252, %multiple_of3A_246] : memref<26x64x100000xf32, #tpu.memory_space<hbm>> -> memref<1x64x128xf32, #tpu.memory_space<hbm>>
    %dma_start3A_254 = tpu.memref_squeeze %dma_start3A_253 : memref<1x64x128xf32, #tpu.memory_space<hbm>> -> memref<64x128xf32, #tpu.memory_space<hbm>>
    %dma_start3A_255 = arith.constant 0 : i32
    %dma_start3A_256 = arith.constant 0 : i32
    %dma_start3A_257 = tpu.memref_slice %arg7[%dma_start3A_247, %dma_start3A_255, %dma_start3A_256] : memref<13x64x128xf32, #tpu.memory_space<vmem>> -> memref<1x64x128xf32, #tpu.memory_space<vmem>>
    %dma_start3A_258 = tpu.memref_squeeze %dma_start3A_257 : memref<1x64x128xf32, #tpu.memory_space<vmem>> -> memref<64x128xf32, #tpu.memory_space<vmem>>
    %dma_start3A_259 = arith.constant 0 : i32
    %dma_start3A_260 = tpu.memref_slice %arg3[%rem3A_241, %dma_start3A_259, %multiple_of3A_246] : memref<26x64x100000xf32, #tpu.memory_space<hbm>> -> memref<1x64x128xf32, #tpu.memory_space<hbm>>
    %dma_start3A_261 = tpu.memref_squeeze %dma_start3A_260 : memref<1x64x128xf32, #tpu.memory_space<hbm>> -> memref<64x128xf32, #tpu.memory_space<hbm>>
    tpu.enqueue_dma source(%dma_start3A_261 : memref<64x128xf32, #tpu.memory_space<hbm>>) target(%dma_start3A_258 : memref<64x128xf32, #tpu.memory_space<vmem>>) target_semaphore(%arg17 : memref<!tpu.dma_semaphore, #tpu.memory_space<semaphore_mem>>)
    %get3A_262 = arith.constant 9 : index
    %get3A_263 = tpu.vector_load %arg5[%get3A_262] {strides = array<i32>} : memref<848xi32, #tpu.memory_space<vmem>>, vector<16xi32>,
    %slice3A_264 = vector.extract_strided_slice %get3A_263 {offsets = [0], sizes = [1], strides = [1]} : vector<16xi32> to vector<1xi32>
    %squeeze3A_265 = vector.extract %slice3A_264[0] : i32 from vector<1xi32>
    %add3A_266 = arith.constant 9 : i32
    %add3A_267 = arith.addi %mul3A_2, %add3A_266 : i32
    %rem3A_268 = arith.constant 26 : i32
    %rem3A_269 = arith.remsi %add3A_267, %rem3A_268 : i32
    %shift_right_arithmetic3A_270 = arith.constant 7 : i32
    %shift_right_arithmetic3A_271 = arith.shrsi %squeeze3A_265, %shift_right_arithmetic3A_270 : i32
    %shift_left3A_272 = arith.constant 7 : i32
    %shift_left3A_273 = arith.shli %shift_right_arithmetic3A_271, %shift_left3A_272 : i32
    %multiple_of3A_274 = tpu.assume_multiple %shift_left3A_273, 128 : i32
    %dma_start3A_275 = arith.constant 9 : i32
    %dma_start3A_276 = arith.constant 0 : i32
    %dma_start3A_277 = arith.constant 0 : i32
    %dma_start3A_278 = tpu.memref_slice %arg7[%dma_start3A_275, %dma_start3A_276, %dma_start3A_277] : memref<13x64x128xf32, #tpu.memory_space<vmem>> -> memref<1x64x128xf32, #tpu.memory_space<vmem>>
    %dma_start3A_279 = tpu.memref_squeeze %dma_start3A_278 : memref<1x64x128xf32, #tpu.memory_space<vmem>> -> memref<64x128xf32, #tpu.memory_space<vmem>>
    %dma_start3A_280 = arith.constant 0 : i32
    %dma_start3A_281 = tpu.memref_slice %arg3[%rem3A_269, %dma_start3A_280, %multiple_of3A_274] : memref<26x64x100000xf32, #tpu.memory_space<hbm>> -> memref<1x64x128xf32, #tpu.memory_space<hbm>>
    %dma_start3A_282 = tpu.memref_squeeze %dma_start3A_281 : memref<1x64x128xf32, #tpu.memory_space<hbm>> -> memref<64x128xf32, #tpu.memory_space<hbm>>
    %dma_start3A_283 = arith.constant 0 : i32
    %dma_start3A_284 = arith.constant 0 : i32
    %dma_start3A_285 = tpu.memref_slice %arg7[%dma_start3A_275, %dma_start3A_283, %dma_start3A_284] : memref<13x64x128xf32, #tpu.memory_space<vmem>> -> memref<1x64x128xf32, #tpu.memory_space<vmem>>
    %dma_start3A_286 = tpu.memref_squeeze %dma_start3A_285 : memref<1x64x128xf32, #tpu.memory_space<vmem>> -> memref<64x128xf32, #tpu.memory_space<vmem>>
    %dma_start3A_287 = arith.constant 0 : i32
    %dma_start3A_288 = tpu.memref_slice %arg3[%rem3A_269, %dma_start3A_287, %multiple_of3A_274] : memref<26x64x100000xf32, #tpu.memory_space<hbm>> -> memref<1x64x128xf32, #tpu.memory_space<hbm>>
    %dma_start3A_289 = tpu.memref_squeeze %dma_start3A_288 : memref<1x64x128xf32, #tpu.memory_space<hbm>> -> memref<64x128xf32, #tpu.memory_space<hbm>>
    tpu.enqueue_dma source(%dma_start3A_289 : memref<64x128xf32, #tpu.memory_space<hbm>>) target(%dma_start3A_286 : memref<64x128xf32, #tpu.memory_space<vmem>>) target_semaphore(%arg18 : memref<!tpu.dma_semaphore, #tpu.memory_space<semaphore_mem>>)
    %get3A_290 = arith.constant 10 : index
    %get3A_291 = tpu.vector_load %arg5[%get3A_290] {strides = array<i32>} : memref<848xi32, #tpu.memory_space<vmem>>, vector<16xi32>,
    %slice3A_292 = vector.extract_strided_slice %get3A_291 {offsets = [0], sizes = [1], strides = [1]} : vector<16xi32> to vector<1xi32>
    %squeeze3A_293 = vector.extract %slice3A_292[0] : i32 from vector<1xi32>
    %add3A_294 = arith.constant 10 : i32
    %add3A_295 = arith.addi %mul3A_2, %add3A_294 : i32
    %rem3A_296 = arith.constant 26 : i32
    %rem3A_297 = arith.remsi %add3A_295, %rem3A_296 : i32
    %shift_right_arithmetic3A_298 = arith.constant 7 : i32
    %shift_right_arithmetic3A_299 = arith.shrsi %squeeze3A_293, %shift_right_arithmetic3A_298 : i32
    %shift_left3A_300 = arith.constant 7 : i32
    %shift_left3A_301 = arith.shli %shift_right_arithmetic3A_299, %shift_left3A_300 : i32
    %multiple_of3A_302 = tpu.assume_multiple %shift_left3A_301, 128 : i32
    %dma_start3A_303 = arith.constant 10 : i32
    %dma_start3A_304 = arith.constant 0 : i32
    %dma_start3A_305 = arith.constant 0 : i32
    %dma_start3A_306 = tpu.memref_slice %arg7[%dma_start3A_303, %dma_start3A_304, %dma_start3A_305] : memref<13x64x128xf32, #tpu.memory_space<vmem>> -> memref<1x64x128xf32, #tpu.memory_space<vmem>>
    %dma_start3A_307 = tpu.memref_squeeze %dma_start3A_306 : memref<1x64x128xf32, #tpu.memory_space<vmem>> -> memref<64x128xf32, #tpu.memory_space<vmem>>
    %dma_start3A_308 = arith.constant 0 : i32
    %dma_start3A_309 = tpu.memref_slice %arg3[%rem3A_297, %dma_start3A_308, %multiple_of3A_302] : memref<26x64x100000xf32, #tpu.memory_space<hbm>> -> memref<1x64x128xf32, #tpu.memory_space<hbm>>
    %dma_start3A_310 = tpu.memref_squeeze %dma_start3A_309 : memref<1x64x128xf32, #tpu.memory_space<hbm>> -> memref<64x128xf32, #tpu.memory_space<hbm>>
    %dma_start3A_311 = arith.constant 0 : i32
    %dma_start3A_312 = arith.constant 0 : i32
    %dma_start3A_313 = tpu.memref_slice %arg7[%dma_start3A_303, %dma_start3A_311, %dma_start3A_312] : memref<13x64x128xf32, #tpu.memory_space<vmem>> -> memref<1x64x128xf32, #tpu.memory_space<vmem>>
    %dma_start3A_314 = tpu.memref_squeeze %dma_start3A_313 : memref<1x64x128xf32, #tpu.memory_space<vmem>> -> memref<64x128xf32, #tpu.memory_space<vmem>>
    %dma_start3A_315 = arith.constant 0 : i32
    %dma_start3A_316 = tpu.memref_slice %arg3[%rem3A_297, %dma_start3A_315, %multiple_of3A_302] : memref<26x64x100000xf32, #tpu.memory_space<hbm>> -> memref<1x64x128xf32, #tpu.memory_space<hbm>>
    %dma_start3A_317 = tpu.memref_squeeze %dma_start3A_316 : memref<1x64x128xf32, #tpu.memory_space<hbm>> -> memref<64x128xf32, #tpu.memory_space<hbm>>
    tpu.enqueue_dma source(%dma_start3A_317 : memref<64x128xf32, #tpu.memory_space<hbm>>) target(%dma_start3A_314 : memref<64x128xf32, #tpu.memory_space<vmem>>) target_semaphore(%arg19 : memref<!tpu.dma_semaphore, #tpu.memory_space<semaphore_mem>>)
    %get3A_318 = arith.constant 11 : index
    %get3A_319 = tpu.vector_load %arg5[%get3A_318] {strides = array<i32>} : memref<848xi32, #tpu.memory_space<vmem>>, vector<16xi32>,
    %slice3A_320 = vector.extract_strided_slice %get3A_319 {offsets = [0], sizes = [1], strides = [1]} : vector<16xi32> to vector<1xi32>
    %squeeze3A_321 = vector.extract %slice3A_320[0] : i32 from vector<1xi32>
    %add3A_322 = arith.constant 11 : i32
    %add3A_323 = arith.addi %mul3A_2, %add3A_322 : i32
    %rem3A_324 = arith.constant 26 : i32
    %rem3A_325 = arith.remsi %add3A_323, %rem3A_324 : i32
    %shift_right_arithmetic3A_326 = arith.constant 7 : i32
    %shift_right_arithmetic3A_327 = arith.shrsi %squeeze3A_321, %shift_right_arithmetic3A_326 : i32
    %shift_left3A_328 = arith.constant 7 : i32
    %shift_left3A_329 = arith.shli %shift_right_arithmetic3A_327, %shift_left3A_328 : i32
    %multiple_of3A_330 = tpu.assume_multiple %shift_left3A_329, 128 : i32
    %dma_start3A_331 = arith.constant 11 : i32
    %dma_start3A_332 = arith.constant 0 : i32
    %dma_start3A_333 = arith.constant 0 : i32
    %dma_start3A_334 = tpu.memref_slice %arg7[%dma_start3A_331, %dma_start3A_332, %dma_start3A_333] : memref<13x64x128xf32, #tpu.memory_space<vmem>> -> memref<1x64x128xf32, #tpu.memory_space<vmem>>
    %dma_start3A_335 = tpu.memref_squeeze %dma_start3A_334 : memref<1x64x128xf32, #tpu.memory_space<vmem>> -> memref<64x128xf32, #tpu.memory_space<vmem>>
    %dma_start3A_336 = arith.constant 0 : i32
    %dma_start3A_337 = tpu.memref_slice %arg3[%rem3A_325, %dma_start3A_336, %multiple_of3A_330] : memref<26x64x100000xf32, #tpu.memory_space<hbm>> -> memref<1x64x128xf32, #tpu.memory_space<hbm>>
    %dma_start3A_338 = tpu.memref_squeeze %dma_start3A_337 : memref<1x64x128xf32, #tpu.memory_space<hbm>> -> memref<64x128xf32, #tpu.memory_space<hbm>>
    %dma_start3A_339 = arith.constant 0 : i32
    %dma_start3A_340 = arith.constant 0 : i32
    %dma_start3A_341 = tpu.memref_slice %arg7[%dma_start3A_331, %dma_start3A_339, %dma_start3A_340] : memref<13x64x128xf32, #tpu.memory_space<vmem>> -> memref<1x64x128xf32, #tpu.memory_space<vmem>>
    %dma_start3A_342 = tpu.memref_squeeze %dma_start3A_341 : memref<1x64x128xf32, #tpu.memory_space<vmem>> -> memref<64x128xf32, #tpu.memory_space<vmem>>
    %dma_start3A_343 = arith.constant 0 : i32
    %dma_start3A_344 = tpu.memref_slice %arg3[%rem3A_325, %dma_start3A_343, %multiple_of3A_330] : memref<26x64x100000xf32, #tpu.memory_space<hbm>> -> memref<1x64x128xf32, #tpu.memory_space<hbm>>
    %dma_start3A_345 = tpu.memref_squeeze %dma_start3A_344 : memref<1x64x128xf32, #tpu.memory_space<hbm>> -> memref<64x128xf32, #tpu.memory_space<hbm>>
    tpu.enqueue_dma source(%dma_start3A_345 : memref<64x128xf32, #tpu.memory_space<hbm>>) target(%dma_start3A_342 : memref<64x128xf32, #tpu.memory_space<vmem>>) target_semaphore(%arg20 : memref<!tpu.dma_semaphore, #tpu.memory_space<semaphore_mem>>)
    %get3A_346 = arith.constant 12 : index
    %get3A_347 = tpu.vector_load %arg5[%get3A_346] {strides = array<i32>} : memref<848xi32, #tpu.memory_space<vmem>>, vector<16xi32>,
    %slice3A_348 = vector.extract_strided_slice %get3A_347 {offsets = [0], sizes = [1], strides = [1]} : vector<16xi32> to vector<1xi32>
    %squeeze3A_349 = vector.extract %slice3A_348[0] : i32 from vector<1xi32>
    %add3A_350 = arith.constant 12 : i32
    %add3A_351 = arith.addi %mul3A_2, %add3A_350 : i32
    %rem3A_352 = arith.constant 26 : i32
    %rem3A_353 = arith.remsi %add3A_351, %rem3A_352 : i32
    %shift_right_arithmetic3A_354 = arith.constant 7 : i32
    %shift_right_arithmetic3A_355 = arith.shrsi %squeeze3A_349, %shift_right_arithmetic3A_354 : i32
    %shift_left3A_356 = arith.constant 7 : i32
    %shift_left3A_357 = arith.shli %shift_right_arithmetic3A_355, %shift_left3A_356 : i32
    %multiple_of3A_358 = tpu.assume_multiple %shift_left3A_357, 128 : i32
    %dma_start3A_359 = arith.constant 12 : i32
    %dma_start3A_360 = arith.constant 0 : i32
    %dma_start3A_361 = arith.constant 0 : i32
    %dma_start3A_362 = tpu.memref_slice %arg7[%dma_start3A_359, %dma_start3A_360, %dma_start3A_361] : memref<13x64x128xf32, #tpu.memory_space<vmem>> -> memref<1x64x128xf32, #tpu.memory_space<vmem>>
    %dma_start3A_363 = tpu.memref_squeeze %dma_start3A_362 : memref<1x64x128xf32, #tpu.memory_space<vmem>> -> memref<64x128xf32, #tpu.memory_space<vmem>>
    %dma_start3A_364 = arith.constant 0 : i32
    %dma_start3A_365 = tpu.memref_slice %arg3[%rem3A_353, %dma_start3A_364, %multiple_of3A_358] : memref<26x64x100000xf32, #tpu.memory_space<hbm>> -> memref<1x64x128xf32, #tpu.memory_space<hbm>>
    %dma_start3A_366 = tpu.memref_squeeze %dma_start3A_365 : memref<1x64x128xf32, #tpu.memory_space<hbm>> -> memref<64x128xf32, #tpu.memory_space<hbm>>
    %dma_start3A_367 = arith.constant 0 : i32
    %dma_start3A_368 = arith.constant 0 : i32
    %dma_start3A_369 = tpu.memref_slice %arg7[%dma_start3A_359, %dma_start3A_367, %dma_start3A_368] : memref<13x64x128xf32, #tpu.memory_space<vmem>> -> memref<1x64x128xf32, #tpu.memory_space<vmem>>
    %dma_start3A_370 = tpu.memref_squeeze %dma_start3A_369 : memref<1x64x128xf32, #tpu.memory_space<vmem>> -> memref<64x128xf32, #tpu.memory_space<vmem>>
    %dma_start3A_371 = arith.constant 0 : i32
    %dma_start3A_372 = tpu.memref_slice %arg3[%rem3A_353, %dma_start3A_371, %multiple_of3A_358] : memref<26x64x100000xf32, #tpu.memory_space<hbm>> -> memref<1x64x128xf32, #tpu.memory_space<hbm>>
    %dma_start3A_373 = tpu.memref_squeeze %dma_start3A_372 : memref<1x64x128xf32, #tpu.memory_space<hbm>> -> memref<64x128xf32, #tpu.memory_space<hbm>>
    tpu.enqueue_dma source(%dma_start3A_373 : memref<64x128xf32, #tpu.memory_space<hbm>>) target(%dma_start3A_370 : memref<64x128xf32, #tpu.memory_space<vmem>>) target_semaphore(%arg21 : memref<!tpu.dma_semaphore, #tpu.memory_space<semaphore_mem>>)
    %scan3A = arith.constant 0 : i32
    %scan3A_374 = arith.constant 0 : i32
    %scan3A_375 = arith.constant 64 : i32
    %scan3A_376 = arith.addi %scan3A_374, %scan3A_375 : i32
    %scan3A_377 = arith.constant 1 : i32
    scf.for %scan3A_422 = %scan3A_374 to %scan3A_376 step %scan3A_377  : i32 {
      %mul3A_423 = arith.constant 13 : i32
      %mul3A_424 = arith.muli %scan3A_422, %mul3A_423 : i32
      %jit3A = arith.constant 2 : i32
      %div3A = arith.divsi %scan3A_422, %jit3A : i32
      %sign3A = arith.constant 0 : i32
      %sign3A_425 = arith.cmpi sgt, %scan3A_422, %sign3A : i32
      %sign3A_426 = arith.extui %sign3A_425 : i1 to i32
      %sign3A_427 = arith.constant 0 : i32
      %sign3A_428 = arith.cmpi slt, %scan3A_422, %sign3A_427 : i32
      %sign3A_429 = arith.extui %sign3A_428 : i1 to i32
      %sign3A_430 = arith.subi %sign3A_426, %sign3A_429 : i32
      %sign3A_431 = arith.constant 0 : i32
      %sign3A_432 = arith.cmpi sgt, %jit3A, %sign3A_431 : i32
      %sign3A_433 = arith.extui %sign3A_432 : i1 to i32
      %sign3A_434 = arith.constant 0 : i32
      %sign3A_435 = arith.cmpi slt, %jit3A, %sign3A_434 : i32
      %sign3A_436 = arith.extui %sign3A_435 : i1 to i32
      %sign3A_437 = arith.subi %sign3A_433, %sign3A_436 : i32
      %ne3A = arith.cmpi ne, %sign3A_430, %sign3A_437 : i32
      %rem3A_438 = arith.remsi %scan3A_422, %jit3A : i32
      %ne3A_439 = arith.constant 0 : i32
      %ne3A_440 = arith.cmpi ne, %rem3A_438, %ne3A_439 : i32
      %and3A = arith.andi %ne3A, %ne3A_440 : i1
      %sub3A = arith.constant 1 : i32
      %sub3A_441 = arith.subi %div3A, %sub3A : i32
      %select_n3A = arith.select %and3A, %sub3A_441, %div3A : i32
      %rem3A_442 = arith.constant 4 : i32
      %rem3A_443 = arith.remsi %select_n3A, %rem3A_442 : i32
      %mul3A_444 = arith.constant 1664 : i32
      %mul3A_445 = arith.muli %rem3A_443, %mul3A_444 : i32
      %rem3A_446 = arith.constant 2 : i32
      %rem3A_447 = arith.remsi %scan3A_422, %rem3A_446 : i32
      %mul3A_448 = arith.constant 832 : i32
      %mul3A_449 = arith.muli %rem3A_447, %mul3A_448 : i32
      %add3A_450 = arith.addi %mul3A_445, %mul3A_449 : i32
      %rem3A_451 = arith.constant 2 : i32
      %rem3A_452 = arith.remsi %scan3A_422, %rem3A_451 : i32
      %eq3A = arith.constant 0 : i32
      %eq3A_453 = arith.cmpi eq, %rem3A_452, %eq3A : i32
      %ge3A = arith.constant 8 : i32
      %ge3A_454 = arith.cmpi sge, %scan3A_422, %ge3A : i32
      %and3A_455 = arith.andi %eq3A_453, %ge3A_454 : i1
      %convert_element_type3A = arith.extui %and3A_455 : i1 to i32
      %cond3A = arith.constant 0 : i32
      %cond3A_456 = arith.cmpi ne, %convert_element_type3A, %cond3A : i32
      scf.if %cond3A_456 {
        %dma_wait3A_1500 = arith.constant 0 : i32
        %dma_wait3A_1501 = arith.constant 0 : i32
        %dma_wait3A_1502 = tpu.memref_slice %arg6[%dma_wait3A_1501] : memref<6656xf32, #tpu.memory_space<vmem>> -> memref<1664xf32, #tpu.memory_space<vmem>>
        %dma_wait3A_1503 = arith.constant 0 : i32
        %dma_wait3A_1504 = tpu.memref_slice %arg4[%dma_wait3A_1500, %dma_wait3A_1503] : memref<1024x1664xf32, #tpu.memory_space<hbm>> -> memref<1x1664xf32, #tpu.memory_space<hbm>>
        %dma_wait3A_1505 = tpu.memref_squeeze %dma_wait3A_1504 : memref<1x1664xf32, #tpu.memory_space<hbm>> -> memref<1664xf32, #tpu.memory_space<hbm>>
        %dma_wait3A_1506 = arith.constant 0 : i32
        %dma_wait3A_1507 = tpu.memref_slice %arg6[%dma_wait3A_1506] : memref<6656xf32, #tpu.memory_space<vmem>> -> memref<1664xf32, #tpu.memory_space<vmem>>
        %dma_wait3A_1508 = arith.constant 0 : i32
        %dma_wait3A_1509 = tpu.memref_slice %arg4[%dma_wait3A_1500, %dma_wait3A_1508] : memref<1024x1664xf32, #tpu.memory_space<hbm>> -> memref<1x1664xf32, #tpu.memory_space<hbm>>
        %dma_wait3A_1510 = tpu.memref_squeeze %dma_wait3A_1509 : memref<1x1664xf32, #tpu.memory_space<hbm>> -> memref<1664xf32, #tpu.memory_space<hbm>>
        tpu.wait_dma2 semaphore(%arg8 : memref<!tpu.dma_semaphore, #tpu.memory_space<semaphore_mem>>) src(%dma_wait3A_1510 : memref<1664xf32, #tpu.memory_space<hbm>>) dst(%dma_wait3A_1507 : memref<1664xf32, #tpu.memory_space<vmem>>)
      } else {
      }
      %add3A_457 = arith.constant 0 : i32
      %add3A_458 = arith.addi %mul3A_424, %add3A_457 : i32
      %dma_wait3A_459 = arith.constant 0 : i32
      %dma_wait3A_460 = arith.constant 0 : i32
      %dma_wait3A_461 = arith.constant 0 : i32
      %dma_wait3A_462 = arith.constant 0 : i32
      %dma_wait3A_463 = tpu.memref_slice %arg7[%dma_wait3A_460, %dma_wait3A_461, %dma_wait3A_462] : memref<13x64x128xf32, #tpu.memory_space<vmem>> -> memref<1x64x128xf32, #tpu.memory_space<vmem>>
      %dma_wait3A_464 = tpu.memref_squeeze %dma_wait3A_463 : memref<1x64x128xf32, #tpu.memory_space<vmem>> -> memref<64x128xf32, #tpu.memory_space<vmem>>
      %dma_wait3A_465 = arith.constant 0 : i32
      %dma_wait3A_466 = arith.constant 0 : i32
      %dma_wait3A_467 = tpu.memref_slice %arg3[%dma_wait3A_459, %dma_wait3A_465, %dma_wait3A_466] : memref<26x64x100000xf32, #tpu.memory_space<hbm>> -> memref<1x64x128xf32, #tpu.memory_space<hbm>>
      %dma_wait3A_468 = tpu.memref_squeeze %dma_wait3A_467 : memref<1x64x128xf32, #tpu.memory_space<hbm>> -> memref<64x128xf32, #tpu.memory_space<hbm>>
      %dma_wait3A_469 = arith.constant 0 : i32
      %dma_wait3A_470 = arith.constant 0 : i32
      %dma_wait3A_471 = tpu.memref_slice %arg7[%dma_wait3A_460, %dma_wait3A_469, %dma_wait3A_470] : memref<13x64x128xf32, #tpu.memory_space<vmem>> -> memref<1x64x128xf32, #tpu.memory_space<vmem>>
      %dma_wait3A_472 = tpu.memref_squeeze %dma_wait3A_471 : memref<1x64x128xf32, #tpu.memory_space<vmem>> -> memref<64x128xf32, #tpu.memory_space<vmem>>
      %dma_wait3A_473 = arith.constant 0 : i32
      %dma_wait3A_474 = arith.constant 0 : i32
      %dma_wait3A_475 = tpu.memref_slice %arg3[%dma_wait3A_459, %dma_wait3A_473, %dma_wait3A_474] : memref<26x64x100000xf32, #tpu.memory_space<hbm>> -> memref<1x64x128xf32, #tpu.memory_space<hbm>>
      %dma_wait3A_476 = tpu.memref_squeeze %dma_wait3A_475 : memref<1x64x128xf32, #tpu.memory_space<hbm>> -> memref<64x128xf32, #tpu.memory_space<hbm>>
      tpu.wait_dma2 semaphore(%arg9 : memref<!tpu.dma_semaphore, #tpu.memory_space<semaphore_mem>>) src(%dma_wait3A_476 : memref<64x128xf32, #tpu.memory_space<hbm>>) dst(%dma_wait3A_472 : memref<64x128xf32, #tpu.memory_space<vmem>>)
      %get3A_477 = arith.index_cast %add3A_458 : i32 to index
      %get3A_478 = tpu.vector_load %arg5[%get3A_477] {strides = array<i32>} : memref<848xi32, #tpu.memory_space<vmem>>, vector<16xi32>,
      %slice3A_479 = vector.extract_strided_slice %get3A_478 {offsets = [0], sizes = [1], strides = [1]} : vector<16xi32> to vector<1xi32>
      %squeeze3A_480 = vector.extract %slice3A_479[0] : i32 from vector<1xi32>
      %and3A_481 = arith.constant 127 : i32
      %and3A_482 = arith.andi %squeeze3A_480, %and3A_481 : i32
      %broadcast_in_dim3A = vector.broadcast %and3A_482 : i32 to vector<16xi32>
      %gather3A = arith.constant 0 : i32
      %gather3A_483 = arith.constant 0 : i32
      %gather3A_484 = arith.constant 0 : i32
      %gather3A_485 = tpu.memref_slice %arg7[%gather3A, %gather3A_483, %gather3A_484] : memref<13x64x128xf32, #tpu.memory_space<vmem>> -> memref<1x64x128xf32, #tpu.memory_space<vmem>>
      %gather3A_486 = tpu.memref_squeeze %gather3A_485 : memref<1x64x128xf32, #tpu.memory_space<vmem>> -> memref<64x128xf32, #tpu.memory_space<vmem>>
      %gather3A_487 = tpu.vector_load_idx %gather3A_486[%add3A_5, %broadcast_in_dim3A] : memref<64x128xf32, #tpu.memory_space<vmem>>[vector<16xi32>, vector<16xi32>], vector<16xf32>,
      %add3A_488 = arith.constant 0 : i32
      %add3A_489 = arith.addi %add3A_450, %add3A_488 : i32
      %add3A_490 = arith.constant 0 : i32
      %add3A_491 = arith.addi %add3A_489, %add3A_490 : i32
      %swap3A = arith.index_cast %add3A_491 : i32 to index
      %swap3A_492 = tpu.vector_load %arg6[%swap3A] {strides = array<i32>} : memref<6656xf32, #tpu.memory_space<vmem>>, vector<16xf32>,
      tpu.vector_store %arg6[%swap3A], %gather3A_487 {strides = array<i32>} : memref<6656xf32, #tpu.memory_space<vmem>>, vector<16xf32>,
      %gather3A_493 = arith.constant 0 : i32
      %gather3A_494 = arith.constant 0 : i32
      %gather3A_495 = arith.constant 0 : i32
      %gather3A_496 = tpu.memref_slice %arg7[%gather3A_493, %gather3A_494, %gather3A_495] : memref<13x64x128xf32, #tpu.memory_space<vmem>> -> memref<1x64x128xf32, #tpu.memory_space<vmem>>
      %gather3A_497 = tpu.memref_squeeze %gather3A_496 : memref<1x64x128xf32, #tpu.memory_space<vmem>> -> memref<64x128xf32, #tpu.memory_space<vmem>>
      %gather3A_498 = tpu.vector_load_idx %gather3A_497[%add3A_9, %broadcast_in_dim3A] : memref<64x128xf32, #tpu.memory_space<vmem>>[vector<16xi32>, vector<16xi32>], vector<16xf32>,
      %add3A_499 = arith.constant 0 : i32
      %add3A_500 = arith.addi %add3A_450, %add3A_499 : i32
      %add3A_501 = arith.constant 16 : i32
      %add3A_502 = arith.addi %add3A_500, %add3A_501 : i32
      %swap3A_503 = arith.index_cast %add3A_502 : i32 to index
      %swap3A_504 = tpu.vector_load %arg6[%swap3A_503] {strides = array<i32>} : memref<6656xf32, #tpu.memory_space<vmem>>, vector<16xf32>,
      tpu.vector_store %arg6[%swap3A_503], %gather3A_498 {strides = array<i32>} : memref<6656xf32, #tpu.memory_space<vmem>>, vector<16xf32>,
      %gather3A_505 = arith.constant 0 : i32
      %gather3A_506 = arith.constant 0 : i32
      %gather3A_507 = arith.constant 0 : i32
      %gather3A_508 = tpu.memref_slice %arg7[%gather3A_505, %gather3A_506, %gather3A_507] : memref<13x64x128xf32, #tpu.memory_space<vmem>> -> memref<1x64x128xf32, #tpu.memory_space<vmem>>
      %gather3A_509 = tpu.memref_squeeze %gather3A_508 : memref<1x64x128xf32, #tpu.memory_space<vmem>> -> memref<64x128xf32, #tpu.memory_space<vmem>>
      %gather3A_510 = tpu.vector_load_idx %gather3A_509[%add3A_13, %broadcast_in_dim3A] : memref<64x128xf32, #tpu.memory_space<vmem>>[vector<16xi32>, vector<16xi32>], vector<16xf32>,
      %add3A_511 = arith.constant 0 : i32
      %add3A_512 = arith.addi %add3A_450, %add3A_511 : i32
      %add3A_513 = arith.constant 32 : i32
      %add3A_514 = arith.addi %add3A_512, %add3A_513 : i32
      %swap3A_515 = arith.index_cast %add3A_514 : i32 to index
      %swap3A_516 = tpu.vector_load %arg6[%swap3A_515] {strides = array<i32>} : memref<6656xf32, #tpu.memory_space<vmem>>, vector<16xf32>,
      tpu.vector_store %arg6[%swap3A_515], %gather3A_510 {strides = array<i32>} : memref<6656xf32, #tpu.memory_space<vmem>>, vector<16xf32>,
      %gather3A_517 = arith.constant 0 : i32
      %gather3A_518 = arith.constant 0 : i32
      %gather3A_519 = arith.constant 0 : i32
      %gather3A_520 = tpu.memref_slice %arg7[%gather3A_517, %gather3A_518, %gather3A_519] : memref<13x64x128xf32, #tpu.memory_space<vmem>> -> memref<1x64x128xf32, #tpu.memory_space<vmem>>
      %gather3A_521 = tpu.memref_squeeze %gather3A_520 : memref<1x64x128xf32, #tpu.memory_space<vmem>> -> memref<64x128xf32, #tpu.memory_space<vmem>>
      %gather3A_522 = tpu.vector_load_idx %gather3A_521[%add3A_17, %broadcast_in_dim3A] : memref<64x128xf32, #tpu.memory_space<vmem>>[vector<16xi32>, vector<16xi32>], vector<16xf32>,
      %add3A_523 = arith.constant 0 : i32
      %add3A_524 = arith.addi %add3A_450, %add3A_523 : i32
      %add3A_525 = arith.constant 48 : i32
      %add3A_526 = arith.addi %add3A_524, %add3A_525 : i32
      %swap3A_527 = arith.index_cast %add3A_526 : i32 to index
      %swap3A_528 = tpu.vector_load %arg6[%swap3A_527] {strides = array<i32>} : memref<6656xf32, #tpu.memory_space<vmem>>, vector<16xf32>,
      tpu.vector_store %arg6[%swap3A_527], %gather3A_522 {strides = array<i32>} : memref<6656xf32, #tpu.memory_space<vmem>>, vector<16xf32>,
      %lt3A = arith.constant 63 : i32
      %lt3A_529 = arith.cmpi slt, %scan3A_422, %lt3A : i32
      %convert_element_type3A_530 = arith.extui %lt3A_529 : i1 to i32
      %cond3A_531 = arith.constant 0 : i32
      %cond3A_532 = arith.cmpi ne, %convert_element_type3A_530, %cond3A_531 : i32
      scf.if %cond3A_532 {
        %add3A_1500 = arith.constant 13 : i32
        %add3A_1501 = arith.addi %add3A_458, %add3A_1500 : i32
        %get3A_1502 = arith.index_cast %add3A_1501 : i32 to index
        %get3A_1503 = tpu.vector_load %arg5[%get3A_1502] {strides = array<i32>} : memref<848xi32, #tpu.memory_space<vmem>>, vector<16xi32>,
        %slice3A_1504 = vector.extract_strided_slice %get3A_1503 {offsets = [0], sizes = [1], strides = [1]} : vector<16xi32> to vector<1xi32>
        %squeeze3A_1505 = vector.extract %slice3A_1504[0] : i32 from vector<1xi32>
        %add3A_1506 = arith.addi %mul3A_2, %add3A_1501 : i32
        %rem3A_1507 = arith.constant 26 : i32
        %rem3A_1508 = arith.remsi %add3A_1506, %rem3A_1507 : i32
        %shift_right_arithmetic3A_1509 = arith.constant 7 : i32
        %shift_right_arithmetic3A_1510 = arith.shrsi %squeeze3A_1505, %shift_right_arithmetic3A_1509 : i32
        %shift_left3A_1511 = arith.constant 7 : i32
        %shift_left3A_1512 = arith.shli %shift_right_arithmetic3A_1510, %shift_left3A_1511 : i32
        %multiple_of3A_1513 = tpu.assume_multiple %shift_left3A_1512, 128 : i32
        %dma_start3A_1514 = arith.constant 0 : i32
        %dma_start3A_1515 = arith.constant 0 : i32
        %dma_start3A_1516 = arith.constant 0 : i32
        %dma_start3A_1517 = tpu.memref_slice %arg7[%dma_start3A_1514, %dma_start3A_1515, %dma_start3A_1516] : memref<13x64x128xf32, #tpu.memory_space<vmem>> -> memref<1x64x128xf32, #tpu.memory_space<vmem>>
        %dma_start3A_1518 = tpu.memref_squeeze %dma_start3A_1517 : memref<1x64x128xf32, #tpu.memory_space<vmem>> -> memref<64x128xf32, #tpu.memory_space<vmem>>
        %dma_start3A_1519 = arith.constant 0 : i32
        %dma_start3A_1520 = tpu.memref_slice %arg3[%rem3A_1508, %dma_start3A_1519, %multiple_of3A_1513] : memref<26x64x100000xf32, #tpu.memory_space<hbm>> -> memref<1x64x128xf32, #tpu.memory_space<hbm>>
        %dma_start3A_1521 = tpu.memref_squeeze %dma_start3A_1520 : memref<1x64x128xf32, #tpu.memory_space<hbm>> -> memref<64x128xf32, #tpu.memory_space<hbm>>
        %dma_start3A_1522 = arith.constant 0 : i32
        %dma_start3A_1523 = arith.constant 0 : i32
        %dma_start3A_1524 = tpu.memref_slice %arg7[%dma_start3A_1514, %dma_start3A_1522, %dma_start3A_1523] : memref<13x64x128xf32, #tpu.memory_space<vmem>> -> memref<1x64x128xf32, #tpu.memory_space<vmem>>
        %dma_start3A_1525 = tpu.memref_squeeze %dma_start3A_1524 : memref<1x64x128xf32, #tpu.memory_space<vmem>> -> memref<64x128xf32, #tpu.memory_space<vmem>>
        %dma_start3A_1526 = arith.constant 0 : i32
        %dma_start3A_1527 = tpu.memref_slice %arg3[%rem3A_1508, %dma_start3A_1526, %multiple_of3A_1513] : memref<26x64x100000xf32, #tpu.memory_space<hbm>> -> memref<1x64x128xf32, #tpu.memory_space<hbm>>
        %dma_start3A_1528 = tpu.memref_squeeze %dma_start3A_1527 : memref<1x64x128xf32, #tpu.memory_space<hbm>> -> memref<64x128xf32, #tpu.memory_space<hbm>>
        tpu.enqueue_dma source(%dma_start3A_1528 : memref<64x128xf32, #tpu.memory_space<hbm>>) target(%dma_start3A_1525 : memref<64x128xf32, #tpu.memory_space<vmem>>) target_semaphore(%arg9 : memref<!tpu.dma_semaphore, #tpu.memory_space<semaphore_mem>>)
      } else {
      }
      %add3A_533 = arith.constant 1 : i32
      %add3A_534 = arith.addi %mul3A_424, %add3A_533 : i32
      %dma_wait3A_535 = arith.constant 0 : i32
      %dma_wait3A_536 = arith.constant 1 : i32
      %dma_wait3A_537 = arith.constant 0 : i32
      %dma_wait3A_538 = arith.constant 0 : i32
      %dma_wait3A_539 = tpu.memref_slice %arg7[%dma_wait3A_536, %dma_wait3A_537, %dma_wait3A_538] : memref<13x64x128xf32, #tpu.memory_space<vmem>> -> memref<1x64x128xf32, #tpu.memory_space<vmem>>
      %dma_wait3A_540 = tpu.memref_squeeze %dma_wait3A_539 : memref<1x64x128xf32, #tpu.memory_space<vmem>> -> memref<64x128xf32, #tpu.memory_space<vmem>>
      %dma_wait3A_541 = arith.constant 0 : i32
      %dma_wait3A_542 = arith.constant 0 : i32
      %dma_wait3A_543 = tpu.memref_slice %arg3[%dma_wait3A_535, %dma_wait3A_541, %dma_wait3A_542] : memref<26x64x100000xf32, #tpu.memory_space<hbm>> -> memref<1x64x128xf32, #tpu.memory_space<hbm>>
      %dma_wait3A_544 = tpu.memref_squeeze %dma_wait3A_543 : memref<1x64x128xf32, #tpu.memory_space<hbm>> -> memref<64x128xf32, #tpu.memory_space<hbm>>
      %dma_wait3A_545 = arith.constant 0 : i32
      %dma_wait3A_546 = arith.constant 0 : i32
      %dma_wait3A_547 = tpu.memref_slice %arg7[%dma_wait3A_536, %dma_wait3A_545, %dma_wait3A_546] : memref<13x64x128xf32, #tpu.memory_space<vmem>> -> memref<1x64x128xf32, #tpu.memory_space<vmem>>
      %dma_wait3A_548 = tpu.memref_squeeze %dma_wait3A_547 : memref<1x64x128xf32, #tpu.memory_space<vmem>> -> memref<64x128xf32, #tpu.memory_space<vmem>>
      %dma_wait3A_549 = arith.constant 0 : i32
      %dma_wait3A_550 = arith.constant 0 : i32
      %dma_wait3A_551 = tpu.memref_slice %arg3[%dma_wait3A_535, %dma_wait3A_549, %dma_wait3A_550] : memref<26x64x100000xf32, #tpu.memory_space<hbm>> -> memref<1x64x128xf32, #tpu.memory_space<hbm>>
      %dma_wait3A_552 = tpu.memref_squeeze %dma_wait3A_551 : memref<1x64x128xf32, #tpu.memory_space<hbm>> -> memref<64x128xf32, #tpu.memory_space<hbm>>
      tpu.wait_dma2 semaphore(%arg10 : memref<!tpu.dma_semaphore, #tpu.memory_space<semaphore_mem>>) src(%dma_wait3A_552 : memref<64x128xf32, #tpu.memory_space<hbm>>) dst(%dma_wait3A_548 : memref<64x128xf32, #tpu.memory_space<vmem>>)
      %get3A_553 = arith.index_cast %add3A_534 : i32 to index
      %get3A_554 = tpu.vector_load %arg5[%get3A_553] {strides = array<i32>} : memref<848xi32, #tpu.memory_space<vmem>>, vector<16xi32>,
      %slice3A_555 = vector.extract_strided_slice %get3A_554 {offsets = [0], sizes = [1], strides = [1]} : vector<16xi32> to vector<1xi32>
      %squeeze3A_556 = vector.extract %slice3A_555[0] : i32 from vector<1xi32>
      %and3A_557 = arith.constant 127 : i32
      %and3A_558 = arith.andi %squeeze3A_556, %and3A_557 : i32
      %broadcast_in_dim3A_559 = vector.broadcast %and3A_558 : i32 to vector<16xi32>
      %gather3A_560 = arith.constant 1 : i32
      %gather3A_561 = arith.constant 0 : i32
      %gather3A_562 = arith.constant 0 : i32
      %gather3A_563 = tpu.memref_slice %arg7[%gather3A_560, %gather3A_561, %gather3A_562] : memref<13x64x128xf32, #tpu.memory_space<vmem>> -> memref<1x64x128xf32, #tpu.memory_space<vmem>>
      %gather3A_564 = tpu.memref_squeeze %gather3A_563 : memref<1x64x128xf32, #tpu.memory_space<vmem>> -> memref<64x128xf32, #tpu.memory_space<vmem>>
      %gather3A_565 = tpu.vector_load_idx %gather3A_564[%add3A_5, %broadcast_in_dim3A_559] : memref<64x128xf32, #tpu.memory_space<vmem>>[vector<16xi32>, vector<16xi32>], vector<16xf32>,
      %add3A_566 = arith.constant 64 : i32
      %add3A_567 = arith.addi %add3A_450, %add3A_566 : i32
      %add3A_568 = arith.constant 0 : i32
      %add3A_569 = arith.addi %add3A_567, %add3A_568 : i32
      %swap3A_570 = arith.index_cast %add3A_569 : i32 to index
      %swap3A_571 = tpu.vector_load %arg6[%swap3A_570] {strides = array<i32>} : memref<6656xf32, #tpu.memory_space<vmem>>, vector<16xf32>,
      tpu.vector_store %arg6[%swap3A_570], %gather3A_565 {strides = array<i32>} : memref<6656xf32, #tpu.memory_space<vmem>>, vector<16xf32>,
      %gather3A_572 = arith.constant 1 : i32
      %gather3A_573 = arith.constant 0 : i32
      %gather3A_574 = arith.constant 0 : i32
      %gather3A_575 = tpu.memref_slice %arg7[%gather3A_572, %gather3A_573, %gather3A_574] : memref<13x64x128xf32, #tpu.memory_space<vmem>> -> memref<1x64x128xf32, #tpu.memory_space<vmem>>
      %gather3A_576 = tpu.memref_squeeze %gather3A_575 : memref<1x64x128xf32, #tpu.memory_space<vmem>> -> memref<64x128xf32, #tpu.memory_space<vmem>>
      %gather3A_577 = tpu.vector_load_idx %gather3A_576[%add3A_9, %broadcast_in_dim3A_559] : memref<64x128xf32, #tpu.memory_space<vmem>>[vector<16xi32>, vector<16xi32>], vector<16xf32>,
      %add3A_578 = arith.constant 64 : i32
      %add3A_579 = arith.addi %add3A_450, %add3A_578 : i32
      %add3A_580 = arith.constant 16 : i32
      %add3A_581 = arith.addi %add3A_579, %add3A_580 : i32
      %swap3A_582 = arith.index_cast %add3A_581 : i32 to index
      %swap3A_583 = tpu.vector_load %arg6[%swap3A_582] {strides = array<i32>} : memref<6656xf32, #tpu.memory_space<vmem>>, vector<16xf32>,
      tpu.vector_store %arg6[%swap3A_582], %gather3A_577 {strides = array<i32>} : memref<6656xf32, #tpu.memory_space<vmem>>, vector<16xf32>,
      %gather3A_584 = arith.constant 1 : i32
      %gather3A_585 = arith.constant 0 : i32
      %gather3A_586 = arith.constant 0 : i32
      %gather3A_587 = tpu.memref_slice %arg7[%gather3A_584, %gather3A_585, %gather3A_586] : memref<13x64x128xf32, #tpu.memory_space<vmem>> -> memref<1x64x128xf32, #tpu.memory_space<vmem>>
      %gather3A_588 = tpu.memref_squeeze %gather3A_587 : memref<1x64x128xf32, #tpu.memory_space<vmem>> -> memref<64x128xf32, #tpu.memory_space<vmem>>
      %gather3A_589 = tpu.vector_load_idx %gather3A_588[%add3A_13, %broadcast_in_dim3A_559] : memref<64x128xf32, #tpu.memory_space<vmem>>[vector<16xi32>, vector<16xi32>], vector<16xf32>,
      %add3A_590 = arith.constant 64 : i32
      %add3A_591 = arith.addi %add3A_450, %add3A_590 : i32
      %add3A_592 = arith.constant 32 : i32
      %add3A_593 = arith.addi %add3A_591, %add3A_592 : i32
      %swap3A_594 = arith.index_cast %add3A_593 : i32 to index
      %swap3A_595 = tpu.vector_load %arg6[%swap3A_594] {strides = array<i32>} : memref<6656xf32, #tpu.memory_space<vmem>>, vector<16xf32>,
      tpu.vector_store %arg6[%swap3A_594], %gather3A_589 {strides = array<i32>} : memref<6656xf32, #tpu.memory_space<vmem>>, vector<16xf32>,
      %gather3A_596 = arith.constant 1 : i32
      %gather3A_597 = arith.constant 0 : i32
      %gather3A_598 = arith.constant 0 : i32
      %gather3A_599 = tpu.memref_slice %arg7[%gather3A_596, %gather3A_597, %gather3A_598] : memref<13x64x128xf32, #tpu.memory_space<vmem>> -> memref<1x64x128xf32, #tpu.memory_space<vmem>>
      %gather3A_600 = tpu.memref_squeeze %gather3A_599 : memref<1x64x128xf32, #tpu.memory_space<vmem>> -> memref<64x128xf32, #tpu.memory_space<vmem>>
      %gather3A_601 = tpu.vector_load_idx %gather3A_600[%add3A_17, %broadcast_in_dim3A_559] : memref<64x128xf32, #tpu.memory_space<vmem>>[vector<16xi32>, vector<16xi32>], vector<16xf32>,
      %add3A_602 = arith.constant 64 : i32
      %add3A_603 = arith.addi %add3A_450, %add3A_602 : i32
      %add3A_604 = arith.constant 48 : i32
      %add3A_605 = arith.addi %add3A_603, %add3A_604 : i32
      %swap3A_606 = arith.index_cast %add3A_605 : i32 to index
      %swap3A_607 = tpu.vector_load %arg6[%swap3A_606] {strides = array<i32>} : memref<6656xf32, #tpu.memory_space<vmem>>, vector<16xf32>,
      tpu.vector_store %arg6[%swap3A_606], %gather3A_601 {strides = array<i32>} : memref<6656xf32, #tpu.memory_space<vmem>>, vector<16xf32>,
      %lt3A_608 = arith.constant 63 : i32
      %lt3A_609 = arith.cmpi slt, %scan3A_422, %lt3A_608 : i32
      %convert_element_type3A_610 = arith.extui %lt3A_609 : i1 to i32
      %cond3A_611 = arith.constant 0 : i32
      %cond3A_612 = arith.cmpi ne, %convert_element_type3A_610, %cond3A_611 : i32
      scf.if %cond3A_612 {
        %add3A_1500 = arith.constant 13 : i32
        %add3A_1501 = arith.addi %add3A_534, %add3A_1500 : i32
        %get3A_1502 = arith.index_cast %add3A_1501 : i32 to index
        %get3A_1503 = tpu.vector_load %arg5[%get3A_1502] {strides = array<i32>} : memref<848xi32, #tpu.memory_space<vmem>>, vector<16xi32>,
        %slice3A_1504 = vector.extract_strided_slice %get3A_1503 {offsets = [0], sizes = [1], strides = [1]} : vector<16xi32> to vector<1xi32>
        %squeeze3A_1505 = vector.extract %slice3A_1504[0] : i32 from vector<1xi32>
        %add3A_1506 = arith.addi %mul3A_2, %add3A_1501 : i32
        %rem3A_1507 = arith.constant 26 : i32
        %rem3A_1508 = arith.remsi %add3A_1506, %rem3A_1507 : i32
        %shift_right_arithmetic3A_1509 = arith.constant 7 : i32
        %shift_right_arithmetic3A_1510 = arith.shrsi %squeeze3A_1505, %shift_right_arithmetic3A_1509 : i32
        %shift_left3A_1511 = arith.constant 7 : i32
        %shift_left3A_1512 = arith.shli %shift_right_arithmetic3A_1510, %shift_left3A_1511 : i32
        %multiple_of3A_1513 = tpu.assume_multiple %shift_left3A_1512, 128 : i32
        %dma_start3A_1514 = arith.constant 1 : i32
        %dma_start3A_1515 = arith.constant 0 : i32
        %dma_start3A_1516 = arith.constant 0 : i32
        %dma_start3A_1517 = tpu.memref_slice %arg7[%dma_start3A_1514, %dma_start3A_1515, %dma_start3A_1516] : memref<13x64x128xf32, #tpu.memory_space<vmem>> -> memref<1x64x128xf32, #tpu.memory_space<vmem>>
        %dma_start3A_1518 = tpu.memref_squeeze %dma_start3A_1517 : memref<1x64x128xf32, #tpu.memory_space<vmem>> -> memref<64x128xf32, #tpu.memory_space<vmem>>
        %dma_start3A_1519 = arith.constant 0 : i32
        %dma_start3A_1520 = tpu.memref_slice %arg3[%rem3A_1508, %dma_start3A_1519, %multiple_of3A_1513] : memref<26x64x100000xf32, #tpu.memory_space<hbm>> -> memref<1x64x128xf32, #tpu.memory_space<hbm>>
        %dma_start3A_1521 = tpu.memref_squeeze %dma_start3A_1520 : memref<1x64x128xf32, #tpu.memory_space<hbm>> -> memref<64x128xf32, #tpu.memory_space<hbm>>
        %dma_start3A_1522 = arith.constant 0 : i32
        %dma_start3A_1523 = arith.constant 0 : i32
        %dma_start3A_1524 = tpu.memref_slice %arg7[%dma_start3A_1514, %dma_start3A_1522, %dma_start3A_1523] : memref<13x64x128xf32, #tpu.memory_space<vmem>> -> memref<1x64x128xf32, #tpu.memory_space<vmem>>
        %dma_start3A_1525 = tpu.memref_squeeze %dma_start3A_1524 : memref<1x64x128xf32, #tpu.memory_space<vmem>> -> memref<64x128xf32, #tpu.memory_space<vmem>>
        %dma_start3A_1526 = arith.constant 0 : i32
        %dma_start3A_1527 = tpu.memref_slice %arg3[%rem3A_1508, %dma_start3A_1526, %multiple_of3A_1513] : memref<26x64x100000xf32, #tpu.memory_space<hbm>> -> memref<1x64x128xf32, #tpu.memory_space<hbm>>
        %dma_start3A_1528 = tpu.memref_squeeze %dma_start3A_1527 : memref<1x64x128xf32, #tpu.memory_space<hbm>> -> memref<64x128xf32, #tpu.memory_space<hbm>>
        tpu.enqueue_dma source(%dma_start3A_1528 : memref<64x128xf32, #tpu.memory_space<hbm>>) target(%dma_start3A_1525 : memref<64x128xf32, #tpu.memory_space<vmem>>) target_semaphore(%arg10 : memref<!tpu.dma_semaphore, #tpu.memory_space<semaphore_mem>>)
      } else {
      }
      %add3A_613 = arith.constant 2 : i32
      %add3A_614 = arith.addi %mul3A_424, %add3A_613 : i32
      %dma_wait3A_615 = arith.constant 0 : i32
      %dma_wait3A_616 = arith.constant 2 : i32
      %dma_wait3A_617 = arith.constant 0 : i32
      %dma_wait3A_618 = arith.constant 0 : i32
      %dma_wait3A_619 = tpu.memref_slice %arg7[%dma_wait3A_616, %dma_wait3A_617, %dma_wait3A_618] : memref<13x64x128xf32, #tpu.memory_space<vmem>> -> memref<1x64x128xf32, #tpu.memory_space<vmem>>
      %dma_wait3A_620 = tpu.memref_squeeze %dma_wait3A_619 : memref<1x64x128xf32, #tpu.memory_space<vmem>> -> memref<64x128xf32, #tpu.memory_space<vmem>>
      %dma_wait3A_621 = arith.constant 0 : i32
      %dma_wait3A_622 = arith.constant 0 : i32
      %dma_wait3A_623 = tpu.memref_slice %arg3[%dma_wait3A_615, %dma_wait3A_621, %dma_wait3A_622] : memref<26x64x100000xf32, #tpu.memory_space<hbm>> -> memref<1x64x128xf32, #tpu.memory_space<hbm>>
      %dma_wait3A_624 = tpu.memref_squeeze %dma_wait3A_623 : memref<1x64x128xf32, #tpu.memory_space<hbm>> -> memref<64x128xf32, #tpu.memory_space<hbm>>
      %dma_wait3A_625 = arith.constant 0 : i32
      %dma_wait3A_626 = arith.constant 0 : i32
      %dma_wait3A_627 = tpu.memref_slice %arg7[%dma_wait3A_616, %dma_wait3A_625, %dma_wait3A_626] : memref<13x64x128xf32, #tpu.memory_space<vmem>> -> memref<1x64x128xf32, #tpu.memory_space<vmem>>
      %dma_wait3A_628 = tpu.memref_squeeze %dma_wait3A_627 : memref<1x64x128xf32, #tpu.memory_space<vmem>> -> memref<64x128xf32, #tpu.memory_space<vmem>>
      %dma_wait3A_629 = arith.constant 0 : i32
      %dma_wait3A_630 = arith.constant 0 : i32
      %dma_wait3A_631 = tpu.memref_slice %arg3[%dma_wait3A_615, %dma_wait3A_629, %dma_wait3A_630] : memref<26x64x100000xf32, #tpu.memory_space<hbm>> -> memref<1x64x128xf32, #tpu.memory_space<hbm>>
      %dma_wait3A_632 = tpu.memref_squeeze %dma_wait3A_631 : memref<1x64x128xf32, #tpu.memory_space<hbm>> -> memref<64x128xf32, #tpu.memory_space<hbm>>
      tpu.wait_dma2 semaphore(%arg11 : memref<!tpu.dma_semaphore, #tpu.memory_space<semaphore_mem>>) src(%dma_wait3A_632 : memref<64x128xf32, #tpu.memory_space<hbm>>) dst(%dma_wait3A_628 : memref<64x128xf32, #tpu.memory_space<vmem>>)
      %get3A_633 = arith.index_cast %add3A_614 : i32 to index
      %get3A_634 = tpu.vector_load %arg5[%get3A_633] {strides = array<i32>} : memref<848xi32, #tpu.memory_space<vmem>>, vector<16xi32>,
      %slice3A_635 = vector.extract_strided_slice %get3A_634 {offsets = [0], sizes = [1], strides = [1]} : vector<16xi32> to vector<1xi32>
      %squeeze3A_636 = vector.extract %slice3A_635[0] : i32 from vector<1xi32>
      %and3A_637 = arith.constant 127 : i32
      %and3A_638 = arith.andi %squeeze3A_636, %and3A_637 : i32
      %broadcast_in_dim3A_639 = vector.broadcast %and3A_638 : i32 to vector<16xi32>
      %gather3A_640 = arith.constant 2 : i32
      %gather3A_641 = arith.constant 0 : i32
      %gather3A_642 = arith.constant 0 : i32
      %gather3A_643 = tpu.memref_slice %arg7[%gather3A_640, %gather3A_641, %gather3A_642] : memref<13x64x128xf32, #tpu.memory_space<vmem>> -> memref<1x64x128xf32, #tpu.memory_space<vmem>>
      %gather3A_644 = tpu.memref_squeeze %gather3A_643 : memref<1x64x128xf32, #tpu.memory_space<vmem>> -> memref<64x128xf32, #tpu.memory_space<vmem>>
      %gather3A_645 = tpu.vector_load_idx %gather3A_644[%add3A_5, %broadcast_in_dim3A_639] : memref<64x128xf32, #tpu.memory_space<vmem>>[vector<16xi32>, vector<16xi32>], vector<16xf32>,
      %add3A_646 = arith.constant 128 : i32
      %add3A_647 = arith.addi %add3A_450, %add3A_646 : i32
      %add3A_648 = arith.constant 0 : i32
      %add3A_649 = arith.addi %add3A_647, %add3A_648 : i32
      %swap3A_650 = arith.index_cast %add3A_649 : i32 to index
      %swap3A_651 = tpu.vector_load %arg6[%swap3A_650] {strides = array<i32>} : memref<6656xf32, #tpu.memory_space<vmem>>, vector<16xf32>,
      tpu.vector_store %arg6[%swap3A_650], %gather3A_645 {strides = array<i32>} : memref<6656xf32, #tpu.memory_space<vmem>>, vector<16xf32>,
      %gather3A_652 = arith.constant 2 : i32
      %gather3A_653 = arith.constant 0 : i32
      %gather3A_654 = arith.constant 0 : i32
      %gather3A_655 = tpu.memref_slice %arg7[%gather3A_652, %gather3A_653, %gather3A_654] : memref<13x64x128xf32, #tpu.memory_space<vmem>> -> memref<1x64x128xf32, #tpu.memory_space<vmem>>
      %gather3A_656 = tpu.memref_squeeze %gather3A_655 : memref<1x64x128xf32, #tpu.memory_space<vmem>> -> memref<64x128xf32, #tpu.memory_space<vmem>>
      %gather3A_657 = tpu.vector_load_idx %gather3A_656[%add3A_9, %broadcast_in_dim3A_639] : memref<64x128xf32, #tpu.memory_space<vmem>>[vector<16xi32>, vector<16xi32>], vector<16xf32>,
      %add3A_658 = arith.constant 128 : i32
      %add3A_659 = arith.addi %add3A_450, %add3A_658 : i32
      %add3A_660 = arith.constant 16 : i32
      %add3A_661 = arith.addi %add3A_659, %add3A_660 : i32
      %swap3A_662 = arith.index_cast %add3A_661 : i32 to index
      %swap3A_663 = tpu.vector_load %arg6[%swap3A_662] {strides = array<i32>} : memref<6656xf32, #tpu.memory_space<vmem>>, vector<16xf32>,
      tpu.vector_store %arg6[%swap3A_662], %gather3A_657 {strides = array<i32>} : memref<6656xf32, #tpu.memory_space<vmem>>, vector<16xf32>,
      %gather3A_664 = arith.constant 2 : i32
      %gather3A_665 = arith.constant 0 : i32
      %gather3A_666 = arith.constant 0 : i32
      %gather3A_667 = tpu.memref_slice %arg7[%gather3A_664, %gather3A_665, %gather3A_666] : memref<13x64x128xf32, #tpu.memory_space<vmem>> -> memref<1x64x128xf32, #tpu.memory_space<vmem>>
      %gather3A_668 = tpu.memref_squeeze %gather3A_667 : memref<1x64x128xf32, #tpu.memory_space<vmem>> -> memref<64x128xf32, #tpu.memory_space<vmem>>
      %gather3A_669 = tpu.vector_load_idx %gather3A_668[%add3A_13, %broadcast_in_dim3A_639] : memref<64x128xf32, #tpu.memory_space<vmem>>[vector<16xi32>, vector<16xi32>], vector<16xf32>,
      %add3A_670 = arith.constant 128 : i32
      %add3A_671 = arith.addi %add3A_450, %add3A_670 : i32
      %add3A_672 = arith.constant 32 : i32
      %add3A_673 = arith.addi %add3A_671, %add3A_672 : i32
      %swap3A_674 = arith.index_cast %add3A_673 : i32 to index
      %swap3A_675 = tpu.vector_load %arg6[%swap3A_674] {strides = array<i32>} : memref<6656xf32, #tpu.memory_space<vmem>>, vector<16xf32>,
      tpu.vector_store %arg6[%swap3A_674], %gather3A_669 {strides = array<i32>} : memref<6656xf32, #tpu.memory_space<vmem>>, vector<16xf32>,
      %gather3A_676 = arith.constant 2 : i32
      %gather3A_677 = arith.constant 0 : i32
      %gather3A_678 = arith.constant 0 : i32
      %gather3A_679 = tpu.memref_slice %arg7[%gather3A_676, %gather3A_677, %gather3A_678] : memref<13x64x128xf32, #tpu.memory_space<vmem>> -> memref<1x64x128xf32, #tpu.memory_space<vmem>>
      %gather3A_680 = tpu.memref_squeeze %gather3A_679 : memref<1x64x128xf32, #tpu.memory_space<vmem>> -> memref<64x128xf32, #tpu.memory_space<vmem>>
      %gather3A_681 = tpu.vector_load_idx %gather3A_680[%add3A_17, %broadcast_in_dim3A_639] : memref<64x128xf32, #tpu.memory_space<vmem>>[vector<16xi32>, vector<16xi32>], vector<16xf32>,
      %add3A_682 = arith.constant 128 : i32
      %add3A_683 = arith.addi %add3A_450, %add3A_682 : i32
      %add3A_684 = arith.constant 48 : i32
      %add3A_685 = arith.addi %add3A_683, %add3A_684 : i32
      %swap3A_686 = arith.index_cast %add3A_685 : i32 to index
      %swap3A_687 = tpu.vector_load %arg6[%swap3A_686] {strides = array<i32>} : memref<6656xf32, #tpu.memory_space<vmem>>, vector<16xf32>,
      tpu.vector_store %arg6[%swap3A_686], %gather3A_681 {strides = array<i32>} : memref<6656xf32, #tpu.memory_space<vmem>>, vector<16xf32>,
      %lt3A_688 = arith.constant 63 : i32
      %lt3A_689 = arith.cmpi slt, %scan3A_422, %lt3A_688 : i32
      %convert_element_type3A_690 = arith.extui %lt3A_689 : i1 to i32
      %cond3A_691 = arith.constant 0 : i32
      %cond3A_692 = arith.cmpi ne, %convert_element_type3A_690, %cond3A_691 : i32
      scf.if %cond3A_692 {
        %add3A_1500 = arith.constant 13 : i32
        %add3A_1501 = arith.addi %add3A_614, %add3A_1500 : i32
        %get3A_1502 = arith.index_cast %add3A_1501 : i32 to index
        %get3A_1503 = tpu.vector_load %arg5[%get3A_1502] {strides = array<i32>} : memref<848xi32, #tpu.memory_space<vmem>>, vector<16xi32>,
        %slice3A_1504 = vector.extract_strided_slice %get3A_1503 {offsets = [0], sizes = [1], strides = [1]} : vector<16xi32> to vector<1xi32>
        %squeeze3A_1505 = vector.extract %slice3A_1504[0] : i32 from vector<1xi32>
        %add3A_1506 = arith.addi %mul3A_2, %add3A_1501 : i32
        %rem3A_1507 = arith.constant 26 : i32
        %rem3A_1508 = arith.remsi %add3A_1506, %rem3A_1507 : i32
        %shift_right_arithmetic3A_1509 = arith.constant 7 : i32
        %shift_right_arithmetic3A_1510 = arith.shrsi %squeeze3A_1505, %shift_right_arithmetic3A_1509 : i32
        %shift_left3A_1511 = arith.constant 7 : i32
        %shift_left3A_1512 = arith.shli %shift_right_arithmetic3A_1510, %shift_left3A_1511 : i32
        %multiple_of3A_1513 = tpu.assume_multiple %shift_left3A_1512, 128 : i32
        %dma_start3A_1514 = arith.constant 2 : i32
        %dma_start3A_1515 = arith.constant 0 : i32
        %dma_start3A_1516 = arith.constant 0 : i32
        %dma_start3A_1517 = tpu.memref_slice %arg7[%dma_start3A_1514, %dma_start3A_1515, %dma_start3A_1516] : memref<13x64x128xf32, #tpu.memory_space<vmem>> -> memref<1x64x128xf32, #tpu.memory_space<vmem>>
        %dma_start3A_1518 = tpu.memref_squeeze %dma_start3A_1517 : memref<1x64x128xf32, #tpu.memory_space<vmem>> -> memref<64x128xf32, #tpu.memory_space<vmem>>
        %dma_start3A_1519 = arith.constant 0 : i32
        %dma_start3A_1520 = tpu.memref_slice %arg3[%rem3A_1508, %dma_start3A_1519, %multiple_of3A_1513] : memref<26x64x100000xf32, #tpu.memory_space<hbm>> -> memref<1x64x128xf32, #tpu.memory_space<hbm>>
        %dma_start3A_1521 = tpu.memref_squeeze %dma_start3A_1520 : memref<1x64x128xf32, #tpu.memory_space<hbm>> -> memref<64x128xf32, #tpu.memory_space<hbm>>
        %dma_start3A_1522 = arith.constant 0 : i32
        %dma_start3A_1523 = arith.constant 0 : i32
        %dma_start3A_1524 = tpu.memref_slice %arg7[%dma_start3A_1514, %dma_start3A_1522, %dma_start3A_1523] : memref<13x64x128xf32, #tpu.memory_space<vmem>> -> memref<1x64x128xf32, #tpu.memory_space<vmem>>
        %dma_start3A_1525 = tpu.memref_squeeze %dma_start3A_1524 : memref<1x64x128xf32, #tpu.memory_space<vmem>> -> memref<64x128xf32, #tpu.memory_space<vmem>>
        %dma_start3A_1526 = arith.constant 0 : i32
        %dma_start3A_1527 = tpu.memref_slice %arg3[%rem3A_1508, %dma_start3A_1526, %multiple_of3A_1513] : memref<26x64x100000xf32, #tpu.memory_space<hbm>> -> memref<1x64x128xf32, #tpu.memory_space<hbm>>
        %dma_start3A_1528 = tpu.memref_squeeze %dma_start3A_1527 : memref<1x64x128xf32, #tpu.memory_space<hbm>> -> memref<64x128xf32, #tpu.memory_space<hbm>>
        tpu.enqueue_dma source(%dma_start3A_1528 : memref<64x128xf32, #tpu.memory_space<hbm>>) target(%dma_start3A_1525 : memref<64x128xf32, #tpu.memory_space<vmem>>) target_semaphore(%arg11 : memref<!tpu.dma_semaphore, #tpu.memory_space<semaphore_mem>>)
      } else {
      }
      %add3A_693 = arith.constant 3 : i32
      %add3A_694 = arith.addi %mul3A_424, %add3A_693 : i32
      %dma_wait3A_695 = arith.constant 0 : i32
      %dma_wait3A_696 = arith.constant 3 : i32
      %dma_wait3A_697 = arith.constant 0 : i32
      %dma_wait3A_698 = arith.constant 0 : i32
      %dma_wait3A_699 = tpu.memref_slice %arg7[%dma_wait3A_696, %dma_wait3A_697, %dma_wait3A_698] : memref<13x64x128xf32, #tpu.memory_space<vmem>> -> memref<1x64x128xf32, #tpu.memory_space<vmem>>
      %dma_wait3A_700 = tpu.memref_squeeze %dma_wait3A_699 : memref<1x64x128xf32, #tpu.memory_space<vmem>> -> memref<64x128xf32, #tpu.memory_space<vmem>>
      %dma_wait3A_701 = arith.constant 0 : i32
      %dma_wait3A_702 = arith.constant 0 : i32
      %dma_wait3A_703 = tpu.memref_slice %arg3[%dma_wait3A_695, %dma_wait3A_701, %dma_wait3A_702] : memref<26x64x100000xf32, #tpu.memory_space<hbm>> -> memref<1x64x128xf32, #tpu.memory_space<hbm>>
      %dma_wait3A_704 = tpu.memref_squeeze %dma_wait3A_703 : memref<1x64x128xf32, #tpu.memory_space<hbm>> -> memref<64x128xf32, #tpu.memory_space<hbm>>
      %dma_wait3A_705 = arith.constant 0 : i32
      %dma_wait3A_706 = arith.constant 0 : i32
      %dma_wait3A_707 = tpu.memref_slice %arg7[%dma_wait3A_696, %dma_wait3A_705, %dma_wait3A_706] : memref<13x64x128xf32, #tpu.memory_space<vmem>> -> memref<1x64x128xf32, #tpu.memory_space<vmem>>
      %dma_wait3A_708 = tpu.memref_squeeze %dma_wait3A_707 : memref<1x64x128xf32, #tpu.memory_space<vmem>> -> memref<64x128xf32, #tpu.memory_space<vmem>>
      %dma_wait3A_709 = arith.constant 0 : i32
      %dma_wait3A_710 = arith.constant 0 : i32
      %dma_wait3A_711 = tpu.memref_slice %arg3[%dma_wait3A_695, %dma_wait3A_709, %dma_wait3A_710] : memref<26x64x100000xf32, #tpu.memory_space<hbm>> -> memref<1x64x128xf32, #tpu.memory_space<hbm>>
      %dma_wait3A_712 = tpu.memref_squeeze %dma_wait3A_711 : memref<1x64x128xf32, #tpu.memory_space<hbm>> -> memref<64x128xf32, #tpu.memory_space<hbm>>
      tpu.wait_dma2 semaphore(%arg12 : memref<!tpu.dma_semaphore, #tpu.memory_space<semaphore_mem>>) src(%dma_wait3A_712 : memref<64x128xf32, #tpu.memory_space<hbm>>) dst(%dma_wait3A_708 : memref<64x128xf32, #tpu.memory_space<vmem>>)
      %get3A_713 = arith.index_cast %add3A_694 : i32 to index
      %get3A_714 = tpu.vector_load %arg5[%get3A_713] {strides = array<i32>} : memref<848xi32, #tpu.memory_space<vmem>>, vector<16xi32>,
      %slice3A_715 = vector.extract_strided_slice %get3A_714 {offsets = [0], sizes = [1], strides = [1]} : vector<16xi32> to vector<1xi32>
      %squeeze3A_716 = vector.extract %slice3A_715[0] : i32 from vector<1xi32>
      %and3A_717 = arith.constant 127 : i32
      %and3A_718 = arith.andi %squeeze3A_716, %and3A_717 : i32
      %broadcast_in_dim3A_719 = vector.broadcast %and3A_718 : i32 to vector<16xi32>
      %gather3A_720 = arith.constant 3 : i32
      %gather3A_721 = arith.constant 0 : i32
      %gather3A_722 = arith.constant 0 : i32
      %gather3A_723 = tpu.memref_slice %arg7[%gather3A_720, %gather3A_721, %gather3A_722] : memref<13x64x128xf32, #tpu.memory_space<vmem>> -> memref<1x64x128xf32, #tpu.memory_space<vmem>>
      %gather3A_724 = tpu.memref_squeeze %gather3A_723 : memref<1x64x128xf32, #tpu.memory_space<vmem>> -> memref<64x128xf32, #tpu.memory_space<vmem>>
      %gather3A_725 = tpu.vector_load_idx %gather3A_724[%add3A_5, %broadcast_in_dim3A_719] : memref<64x128xf32, #tpu.memory_space<vmem>>[vector<16xi32>, vector<16xi32>], vector<16xf32>,
      %add3A_726 = arith.constant 192 : i32
      %add3A_727 = arith.addi %add3A_450, %add3A_726 : i32
      %add3A_728 = arith.constant 0 : i32
      %add3A_729 = arith.addi %add3A_727, %add3A_728 : i32
      %swap3A_730 = arith.index_cast %add3A_729 : i32 to index
      %swap3A_731 = tpu.vector_load %arg6[%swap3A_730] {strides = array<i32>} : memref<6656xf32, #tpu.memory_space<vmem>>, vector<16xf32>,
      tpu.vector_store %arg6[%swap3A_730], %gather3A_725 {strides = array<i32>} : memref<6656xf32, #tpu.memory_space<vmem>>, vector<16xf32>,
      %gather3A_732 = arith.constant 3 : i32
      %gather3A_733 = arith.constant 0 : i32
      %gather3A_734 = arith.constant 0 : i32
      %gather3A_735 = tpu.memref_slice %arg7[%gather3A_732, %gather3A_733, %gather3A_734] : memref<13x64x128xf32, #tpu.memory_space<vmem>> -> memref<1x64x128xf32, #tpu.memory_space<vmem>>
      %gather3A_736 = tpu.memref_squeeze %gather3A_735 : memref<1x64x128xf32, #tpu.memory_space<vmem>> -> memref<64x128xf32, #tpu.memory_space<vmem>>
      %gather3A_737 = tpu.vector_load_idx %gather3A_736[%add3A_9, %broadcast_in_dim3A_719] : memref<64x128xf32, #tpu.memory_space<vmem>>[vector<16xi32>, vector<16xi32>], vector<16xf32>,
      %add3A_738 = arith.constant 192 : i32
      %add3A_739 = arith.addi %add3A_450, %add3A_738 : i32
      %add3A_740 = arith.constant 16 : i32
      %add3A_741 = arith.addi %add3A_739, %add3A_740 : i32
      %swap3A_742 = arith.index_cast %add3A_741 : i32 to index
      %swap3A_743 = tpu.vector_load %arg6[%swap3A_742] {strides = array<i32>} : memref<6656xf32, #tpu.memory_space<vmem>>, vector<16xf32>,
      tpu.vector_store %arg6[%swap3A_742], %gather3A_737 {strides = array<i32>} : memref<6656xf32, #tpu.memory_space<vmem>>, vector<16xf32>,
      %gather3A_744 = arith.constant 3 : i32
      %gather3A_745 = arith.constant 0 : i32
      %gather3A_746 = arith.constant 0 : i32
      %gather3A_747 = tpu.memref_slice %arg7[%gather3A_744, %gather3A_745, %gather3A_746] : memref<13x64x128xf32, #tpu.memory_space<vmem>> -> memref<1x64x128xf32, #tpu.memory_space<vmem>>
      %gather3A_748 = tpu.memref_squeeze %gather3A_747 : memref<1x64x128xf32, #tpu.memory_space<vmem>> -> memref<64x128xf32, #tpu.memory_space<vmem>>
      %gather3A_749 = tpu.vector_load_idx %gather3A_748[%add3A_13, %broadcast_in_dim3A_719] : memref<64x128xf32, #tpu.memory_space<vmem>>[vector<16xi32>, vector<16xi32>], vector<16xf32>,
      %add3A_750 = arith.constant 192 : i32
      %add3A_751 = arith.addi %add3A_450, %add3A_750 : i32
      %add3A_752 = arith.constant 32 : i32
      %add3A_753 = arith.addi %add3A_751, %add3A_752 : i32
      %swap3A_754 = arith.index_cast %add3A_753 : i32 to index
      %swap3A_755 = tpu.vector_load %arg6[%swap3A_754] {strides = array<i32>} : memref<6656xf32, #tpu.memory_space<vmem>>, vector<16xf32>,
      tpu.vector_store %arg6[%swap3A_754], %gather3A_749 {strides = array<i32>} : memref<6656xf32, #tpu.memory_space<vmem>>, vector<16xf32>,
      %gather3A_756 = arith.constant 3 : i32
      %gather3A_757 = arith.constant 0 : i32
      %gather3A_758 = arith.constant 0 : i32
      %gather3A_759 = tpu.memref_slice %arg7[%gather3A_756, %gather3A_757, %gather3A_758] : memref<13x64x128xf32, #tpu.memory_space<vmem>> -> memref<1x64x128xf32, #tpu.memory_space<vmem>>
      %gather3A_760 = tpu.memref_squeeze %gather3A_759 : memref<1x64x128xf32, #tpu.memory_space<vmem>> -> memref<64x128xf32, #tpu.memory_space<vmem>>
      %gather3A_761 = tpu.vector_load_idx %gather3A_760[%add3A_17, %broadcast_in_dim3A_719] : memref<64x128xf32, #tpu.memory_space<vmem>>[vector<16xi32>, vector<16xi32>], vector<16xf32>,
      %add3A_762 = arith.constant 192 : i32
      %add3A_763 = arith.addi %add3A_450, %add3A_762 : i32
      %add3A_764 = arith.constant 48 : i32
      %add3A_765 = arith.addi %add3A_763, %add3A_764 : i32
      %swap3A_766 = arith.index_cast %add3A_765 : i32 to index
      %swap3A_767 = tpu.vector_load %arg6[%swap3A_766] {strides = array<i32>} : memref<6656xf32, #tpu.memory_space<vmem>>, vector<16xf32>,
      tpu.vector_store %arg6[%swap3A_766], %gather3A_761 {strides = array<i32>} : memref<6656xf32, #tpu.memory_space<vmem>>, vector<16xf32>,
      %lt3A_768 = arith.constant 63 : i32
      %lt3A_769 = arith.cmpi slt, %scan3A_422, %lt3A_768 : i32
      %convert_element_type3A_770 = arith.extui %lt3A_769 : i1 to i32
      %cond3A_771 = arith.constant 0 : i32
      %cond3A_772 = arith.cmpi ne, %convert_element_type3A_770, %cond3A_771 : i32
      scf.if %cond3A_772 {
        %add3A_1500 = arith.constant 13 : i32
        %add3A_1501 = arith.addi %add3A_694, %add3A_1500 : i32
        %get3A_1502 = arith.index_cast %add3A_1501 : i32 to index
        %get3A_1503 = tpu.vector_load %arg5[%get3A_1502] {strides = array<i32>} : memref<848xi32, #tpu.memory_space<vmem>>, vector<16xi32>,
        %slice3A_1504 = vector.extract_strided_slice %get3A_1503 {offsets = [0], sizes = [1], strides = [1]} : vector<16xi32> to vector<1xi32>
        %squeeze3A_1505 = vector.extract %slice3A_1504[0] : i32 from vector<1xi32>
        %add3A_1506 = arith.addi %mul3A_2, %add3A_1501 : i32
        %rem3A_1507 = arith.constant 26 : i32
        %rem3A_1508 = arith.remsi %add3A_1506, %rem3A_1507 : i32
        %shift_right_arithmetic3A_1509 = arith.constant 7 : i32
        %shift_right_arithmetic3A_1510 = arith.shrsi %squeeze3A_1505, %shift_right_arithmetic3A_1509 : i32
        %shift_left3A_1511 = arith.constant 7 : i32
        %shift_left3A_1512 = arith.shli %shift_right_arithmetic3A_1510, %shift_left3A_1511 : i32
        %multiple_of3A_1513 = tpu.assume_multiple %shift_left3A_1512, 128 : i32
        %dma_start3A_1514 = arith.constant 3 : i32
        %dma_start3A_1515 = arith.constant 0 : i32
        %dma_start3A_1516 = arith.constant 0 : i32
        %dma_start3A_1517 = tpu.memref_slice %arg7[%dma_start3A_1514, %dma_start3A_1515, %dma_start3A_1516] : memref<13x64x128xf32, #tpu.memory_space<vmem>> -> memref<1x64x128xf32, #tpu.memory_space<vmem>>
        %dma_start3A_1518 = tpu.memref_squeeze %dma_start3A_1517 : memref<1x64x128xf32, #tpu.memory_space<vmem>> -> memref<64x128xf32, #tpu.memory_space<vmem>>
        %dma_start3A_1519 = arith.constant 0 : i32
        %dma_start3A_1520 = tpu.memref_slice %arg3[%rem3A_1508, %dma_start3A_1519, %multiple_of3A_1513] : memref<26x64x100000xf32, #tpu.memory_space<hbm>> -> memref<1x64x128xf32, #tpu.memory_space<hbm>>
        %dma_start3A_1521 = tpu.memref_squeeze %dma_start3A_1520 : memref<1x64x128xf32, #tpu.memory_space<hbm>> -> memref<64x128xf32, #tpu.memory_space<hbm>>
        %dma_start3A_1522 = arith.constant 0 : i32
        %dma_start3A_1523 = arith.constant 0 : i32
        %dma_start3A_1524 = tpu.memref_slice %arg7[%dma_start3A_1514, %dma_start3A_1522, %dma_start3A_1523] : memref<13x64x128xf32, #tpu.memory_space<vmem>> -> memref<1x64x128xf32, #tpu.memory_space<vmem>>
        %dma_start3A_1525 = tpu.memref_squeeze %dma_start3A_1524 : memref<1x64x128xf32, #tpu.memory_space<vmem>> -> memref<64x128xf32, #tpu.memory_space<vmem>>
        %dma_start3A_1526 = arith.constant 0 : i32
        %dma_start3A_1527 = tpu.memref_slice %arg3[%rem3A_1508, %dma_start3A_1526, %multiple_of3A_1513] : memref<26x64x100000xf32, #tpu.memory_space<hbm>> -> memref<1x64x128xf32, #tpu.memory_space<hbm>>
        %dma_start3A_1528 = tpu.memref_squeeze %dma_start3A_1527 : memref<1x64x128xf32, #tpu.memory_space<hbm>> -> memref<64x128xf32, #tpu.memory_space<hbm>>
        tpu.enqueue_dma source(%dma_start3A_1528 : memref<64x128xf32, #tpu.memory_space<hbm>>) target(%dma_start3A_1525 : memref<64x128xf32, #tpu.memory_space<vmem>>) target_semaphore(%arg12 : memref<!tpu.dma_semaphore, #tpu.memory_space<semaphore_mem>>)
      } else {
      }
      %add3A_773 = arith.constant 4 : i32
      %add3A_774 = arith.addi %mul3A_424, %add3A_773 : i32
      %dma_wait3A_775 = arith.constant 0 : i32
      %dma_wait3A_776 = arith.constant 4 : i32
      %dma_wait3A_777 = arith.constant 0 : i32
      %dma_wait3A_778 = arith.constant 0 : i32
      %dma_wait3A_779 = tpu.memref_slice %arg7[%dma_wait3A_776, %dma_wait3A_777, %dma_wait3A_778] : memref<13x64x128xf32, #tpu.memory_space<vmem>> -> memref<1x64x128xf32, #tpu.memory_space<vmem>>
      %dma_wait3A_780 = tpu.memref_squeeze %dma_wait3A_779 : memref<1x64x128xf32, #tpu.memory_space<vmem>> -> memref<64x128xf32, #tpu.memory_space<vmem>>
      %dma_wait3A_781 = arith.constant 0 : i32
      %dma_wait3A_782 = arith.constant 0 : i32
      %dma_wait3A_783 = tpu.memref_slice %arg3[%dma_wait3A_775, %dma_wait3A_781, %dma_wait3A_782] : memref<26x64x100000xf32, #tpu.memory_space<hbm>> -> memref<1x64x128xf32, #tpu.memory_space<hbm>>
      %dma_wait3A_784 = tpu.memref_squeeze %dma_wait3A_783 : memref<1x64x128xf32, #tpu.memory_space<hbm>> -> memref<64x128xf32, #tpu.memory_space<hbm>>
      %dma_wait3A_785 = arith.constant 0 : i32
      %dma_wait3A_786 = arith.constant 0 : i32
      %dma_wait3A_787 = tpu.memref_slice %arg7[%dma_wait3A_776, %dma_wait3A_785, %dma_wait3A_786] : memref<13x64x128xf32, #tpu.memory_space<vmem>> -> memref<1x64x128xf32, #tpu.memory_space<vmem>>
      %dma_wait3A_788 = tpu.memref_squeeze %dma_wait3A_787 : memref<1x64x128xf32, #tpu.memory_space<vmem>> -> memref<64x128xf32, #tpu.memory_space<vmem>>
      %dma_wait3A_789 = arith.constant 0 : i32
      %dma_wait3A_790 = arith.constant 0 : i32
      %dma_wait3A_791 = tpu.memref_slice %arg3[%dma_wait3A_775, %dma_wait3A_789, %dma_wait3A_790] : memref<26x64x100000xf32, #tpu.memory_space<hbm>> -> memref<1x64x128xf32, #tpu.memory_space<hbm>>
      %dma_wait3A_792 = tpu.memref_squeeze %dma_wait3A_791 : memref<1x64x128xf32, #tpu.memory_space<hbm>> -> memref<64x128xf32, #tpu.memory_space<hbm>>
      tpu.wait_dma2 semaphore(%arg13 : memref<!tpu.dma_semaphore, #tpu.memory_space<semaphore_mem>>) src(%dma_wait3A_792 : memref<64x128xf32, #tpu.memory_space<hbm>>) dst(%dma_wait3A_788 : memref<64x128xf32, #tpu.memory_space<vmem>>)
      %get3A_793 = arith.index_cast %add3A_774 : i32 to index
      %get3A_794 = tpu.vector_load %arg5[%get3A_793] {strides = array<i32>} : memref<848xi32, #tpu.memory_space<vmem>>, vector<16xi32>,
      %slice3A_795 = vector.extract_strided_slice %get3A_794 {offsets = [0], sizes = [1], strides = [1]} : vector<16xi32> to vector<1xi32>
      %squeeze3A_796 = vector.extract %slice3A_795[0] : i32 from vector<1xi32>
      %and3A_797 = arith.constant 127 : i32
      %and3A_798 = arith.andi %squeeze3A_796, %and3A_797 : i32
      %broadcast_in_dim3A_799 = vector.broadcast %and3A_798 : i32 to vector<16xi32>
      %gather3A_800 = arith.constant 4 : i32
      %gather3A_801 = arith.constant 0 : i32
      %gather3A_802 = arith.constant 0 : i32
      %gather3A_803 = tpu.memref_slice %arg7[%gather3A_800, %gather3A_801, %gather3A_802] : memref<13x64x128xf32, #tpu.memory_space<vmem>> -> memref<1x64x128xf32, #tpu.memory_space<vmem>>
      %gather3A_804 = tpu.memref_squeeze %gather3A_803 : memref<1x64x128xf32, #tpu.memory_space<vmem>> -> memref<64x128xf32, #tpu.memory_space<vmem>>
      %gather3A_805 = tpu.vector_load_idx %gather3A_804[%add3A_5, %broadcast_in_dim3A_799] : memref<64x128xf32, #tpu.memory_space<vmem>>[vector<16xi32>, vector<16xi32>], vector<16xf32>,
      %add3A_806 = arith.constant 256 : i32
      %add3A_807 = arith.addi %add3A_450, %add3A_806 : i32
      %add3A_808 = arith.constant 0 : i32
      %add3A_809 = arith.addi %add3A_807, %add3A_808 : i32
      %swap3A_810 = arith.index_cast %add3A_809 : i32 to index
      %swap3A_811 = tpu.vector_load %arg6[%swap3A_810] {strides = array<i32>} : memref<6656xf32, #tpu.memory_space<vmem>>, vector<16xf32>,
      tpu.vector_store %arg6[%swap3A_810], %gather3A_805 {strides = array<i32>} : memref<6656xf32, #tpu.memory_space<vmem>>, vector<16xf32>,
      %gather3A_812 = arith.constant 4 : i32
      %gather3A_813 = arith.constant 0 : i32
      %gather3A_814 = arith.constant 0 : i32
      %gather3A_815 = tpu.memref_slice %arg7[%gather3A_812, %gather3A_813, %gather3A_814] : memref<13x64x128xf32, #tpu.memory_space<vmem>> -> memref<1x64x128xf32, #tpu.memory_space<vmem>>
      %gather3A_816 = tpu.memref_squeeze %gather3A_815 : memref<1x64x128xf32, #tpu.memory_space<vmem>> -> memref<64x128xf32, #tpu.memory_space<vmem>>
      %gather3A_817 = tpu.vector_load_idx %gather3A_816[%add3A_9, %broadcast_in_dim3A_799] : memref<64x128xf32, #tpu.memory_space<vmem>>[vector<16xi32>, vector<16xi32>], vector<16xf32>,
      %add3A_818 = arith.constant 256 : i32
      %add3A_819 = arith.addi %add3A_450, %add3A_818 : i32
      %add3A_820 = arith.constant 16 : i32
      %add3A_821 = arith.addi %add3A_819, %add3A_820 : i32
      %swap3A_822 = arith.index_cast %add3A_821 : i32 to index
      %swap3A_823 = tpu.vector_load %arg6[%swap3A_822] {strides = array<i32>} : memref<6656xf32, #tpu.memory_space<vmem>>, vector<16xf32>,
      tpu.vector_store %arg6[%swap3A_822], %gather3A_817 {strides = array<i32>} : memref<6656xf32, #tpu.memory_space<vmem>>, vector<16xf32>,
      %gather3A_824 = arith.constant 4 : i32
      %gather3A_825 = arith.constant 0 : i32
      %gather3A_826 = arith.constant 0 : i32
      %gather3A_827 = tpu.memref_slice %arg7[%gather3A_824, %gather3A_825, %gather3A_826] : memref<13x64x128xf32, #tpu.memory_space<vmem>> -> memref<1x64x128xf32, #tpu.memory_space<vmem>>
      %gather3A_828 = tpu.memref_squeeze %gather3A_827 : memref<1x64x128xf32, #tpu.memory_space<vmem>> -> memref<64x128xf32, #tpu.memory_space<vmem>>
      %gather3A_829 = tpu.vector_load_idx %gather3A_828[%add3A_13, %broadcast_in_dim3A_799] : memref<64x128xf32, #tpu.memory_space<vmem>>[vector<16xi32>, vector<16xi32>], vector<16xf32>,
      %add3A_830 = arith.constant 256 : i32
      %add3A_831 = arith.addi %add3A_450, %add3A_830 : i32
      %add3A_832 = arith.constant 32 : i32
      %add3A_833 = arith.addi %add3A_831, %add3A_832 : i32
      %swap3A_834 = arith.index_cast %add3A_833 : i32 to index
      %swap3A_835 = tpu.vector_load %arg6[%swap3A_834] {strides = array<i32>} : memref<6656xf32, #tpu.memory_space<vmem>>, vector<16xf32>,
      tpu.vector_store %arg6[%swap3A_834], %gather3A_829 {strides = array<i32>} : memref<6656xf32, #tpu.memory_space<vmem>>, vector<16xf32>,
      %gather3A_836 = arith.constant 4 : i32
      %gather3A_837 = arith.constant 0 : i32
      %gather3A_838 = arith.constant 0 : i32
      %gather3A_839 = tpu.memref_slice %arg7[%gather3A_836, %gather3A_837, %gather3A_838] : memref<13x64x128xf32, #tpu.memory_space<vmem>> -> memref<1x64x128xf32, #tpu.memory_space<vmem>>
      %gather3A_840 = tpu.memref_squeeze %gather3A_839 : memref<1x64x128xf32, #tpu.memory_space<vmem>> -> memref<64x128xf32, #tpu.memory_space<vmem>>
      %gather3A_841 = tpu.vector_load_idx %gather3A_840[%add3A_17, %broadcast_in_dim3A_799] : memref<64x128xf32, #tpu.memory_space<vmem>>[vector<16xi32>, vector<16xi32>], vector<16xf32>,
      %add3A_842 = arith.constant 256 : i32
      %add3A_843 = arith.addi %add3A_450, %add3A_842 : i32
      %add3A_844 = arith.constant 48 : i32
      %add3A_845 = arith.addi %add3A_843, %add3A_844 : i32
      %swap3A_846 = arith.index_cast %add3A_845 : i32 to index
      %swap3A_847 = tpu.vector_load %arg6[%swap3A_846] {strides = array<i32>} : memref<6656xf32, #tpu.memory_space<vmem>>, vector<16xf32>,
      tpu.vector_store %arg6[%swap3A_846], %gather3A_841 {strides = array<i32>} : memref<6656xf32, #tpu.memory_space<vmem>>, vector<16xf32>,
      %lt3A_848 = arith.constant 63 : i32
      %lt3A_849 = arith.cmpi slt, %scan3A_422, %lt3A_848 : i32
      %convert_element_type3A_850 = arith.extui %lt3A_849 : i1 to i32
      %cond3A_851 = arith.constant 0 : i32
      %cond3A_852 = arith.cmpi ne, %convert_element_type3A_850, %cond3A_851 : i32
      scf.if %cond3A_852 {
        %add3A_1500 = arith.constant 13 : i32
        %add3A_1501 = arith.addi %add3A_774, %add3A_1500 : i32
        %get3A_1502 = arith.index_cast %add3A_1501 : i32 to index
        %get3A_1503 = tpu.vector_load %arg5[%get3A_1502] {strides = array<i32>} : memref<848xi32, #tpu.memory_space<vmem>>, vector<16xi32>,
        %slice3A_1504 = vector.extract_strided_slice %get3A_1503 {offsets = [0], sizes = [1], strides = [1]} : vector<16xi32> to vector<1xi32>
        %squeeze3A_1505 = vector.extract %slice3A_1504[0] : i32 from vector<1xi32>
        %add3A_1506 = arith.addi %mul3A_2, %add3A_1501 : i32
        %rem3A_1507 = arith.constant 26 : i32
        %rem3A_1508 = arith.remsi %add3A_1506, %rem3A_1507 : i32
        %shift_right_arithmetic3A_1509 = arith.constant 7 : i32
        %shift_right_arithmetic3A_1510 = arith.shrsi %squeeze3A_1505, %shift_right_arithmetic3A_1509 : i32
        %shift_left3A_1511 = arith.constant 7 : i32
        %shift_left3A_1512 = arith.shli %shift_right_arithmetic3A_1510, %shift_left3A_1511 : i32
        %multiple_of3A_1513 = tpu.assume_multiple %shift_left3A_1512, 128 : i32
        %dma_start3A_1514 = arith.constant 4 : i32
        %dma_start3A_1515 = arith.constant 0 : i32
        %dma_start3A_1516 = arith.constant 0 : i32
        %dma_start3A_1517 = tpu.memref_slice %arg7[%dma_start3A_1514, %dma_start3A_1515, %dma_start3A_1516] : memref<13x64x128xf32, #tpu.memory_space<vmem>> -> memref<1x64x128xf32, #tpu.memory_space<vmem>>
        %dma_start3A_1518 = tpu.memref_squeeze %dma_start3A_1517 : memref<1x64x128xf32, #tpu.memory_space<vmem>> -> memref<64x128xf32, #tpu.memory_space<vmem>>
        %dma_start3A_1519 = arith.constant 0 : i32
        %dma_start3A_1520 = tpu.memref_slice %arg3[%rem3A_1508, %dma_start3A_1519, %multiple_of3A_1513] : memref<26x64x100000xf32, #tpu.memory_space<hbm>> -> memref<1x64x128xf32, #tpu.memory_space<hbm>>
        %dma_start3A_1521 = tpu.memref_squeeze %dma_start3A_1520 : memref<1x64x128xf32, #tpu.memory_space<hbm>> -> memref<64x128xf32, #tpu.memory_space<hbm>>
        %dma_start3A_1522 = arith.constant 0 : i32
        %dma_start3A_1523 = arith.constant 0 : i32
        %dma_start3A_1524 = tpu.memref_slice %arg7[%dma_start3A_1514, %dma_start3A_1522, %dma_start3A_1523] : memref<13x64x128xf32, #tpu.memory_space<vmem>> -> memref<1x64x128xf32, #tpu.memory_space<vmem>>
        %dma_start3A_1525 = tpu.memref_squeeze %dma_start3A_1524 : memref<1x64x128xf32, #tpu.memory_space<vmem>> -> memref<64x128xf32, #tpu.memory_space<vmem>>
        %dma_start3A_1526 = arith.constant 0 : i32
        %dma_start3A_1527 = tpu.memref_slice %arg3[%rem3A_1508, %dma_start3A_1526, %multiple_of3A_1513] : memref<26x64x100000xf32, #tpu.memory_space<hbm>> -> memref<1x64x128xf32, #tpu.memory_space<hbm>>
        %dma_start3A_1528 = tpu.memref_squeeze %dma_start3A_1527 : memref<1x64x128xf32, #tpu.memory_space<hbm>> -> memref<64x128xf32, #tpu.memory_space<hbm>>
        tpu.enqueue_dma source(%dma_start3A_1528 : memref<64x128xf32, #tpu.memory_space<hbm>>) target(%dma_start3A_1525 : memref<64x128xf32, #tpu.memory_space<vmem>>) target_semaphore(%arg13 : memref<!tpu.dma_semaphore, #tpu.memory_space<semaphore_mem>>)
      } else {
      }
      %add3A_853 = arith.constant 5 : i32
      %add3A_854 = arith.addi %mul3A_424, %add3A_853 : i32
      %dma_wait3A_855 = arith.constant 0 : i32
      %dma_wait3A_856 = arith.constant 5 : i32
      %dma_wait3A_857 = arith.constant 0 : i32
      %dma_wait3A_858 = arith.constant 0 : i32
      %dma_wait3A_859 = tpu.memref_slice %arg7[%dma_wait3A_856, %dma_wait3A_857, %dma_wait3A_858] : memref<13x64x128xf32, #tpu.memory_space<vmem>> -> memref<1x64x128xf32, #tpu.memory_space<vmem>>
      %dma_wait3A_860 = tpu.memref_squeeze %dma_wait3A_859 : memref<1x64x128xf32, #tpu.memory_space<vmem>> -> memref<64x128xf32, #tpu.memory_space<vmem>>
      %dma_wait3A_861 = arith.constant 0 : i32
      %dma_wait3A_862 = arith.constant 0 : i32
      %dma_wait3A_863 = tpu.memref_slice %arg3[%dma_wait3A_855, %dma_wait3A_861, %dma_wait3A_862] : memref<26x64x100000xf32, #tpu.memory_space<hbm>> -> memref<1x64x128xf32, #tpu.memory_space<hbm>>
      %dma_wait3A_864 = tpu.memref_squeeze %dma_wait3A_863 : memref<1x64x128xf32, #tpu.memory_space<hbm>> -> memref<64x128xf32, #tpu.memory_space<hbm>>
      %dma_wait3A_865 = arith.constant 0 : i32
      %dma_wait3A_866 = arith.constant 0 : i32
      %dma_wait3A_867 = tpu.memref_slice %arg7[%dma_wait3A_856, %dma_wait3A_865, %dma_wait3A_866] : memref<13x64x128xf32, #tpu.memory_space<vmem>> -> memref<1x64x128xf32, #tpu.memory_space<vmem>>
      %dma_wait3A_868 = tpu.memref_squeeze %dma_wait3A_867 : memref<1x64x128xf32, #tpu.memory_space<vmem>> -> memref<64x128xf32, #tpu.memory_space<vmem>>
      %dma_wait3A_869 = arith.constant 0 : i32
      %dma_wait3A_870 = arith.constant 0 : i32
      %dma_wait3A_871 = tpu.memref_slice %arg3[%dma_wait3A_855, %dma_wait3A_869, %dma_wait3A_870] : memref<26x64x100000xf32, #tpu.memory_space<hbm>> -> memref<1x64x128xf32, #tpu.memory_space<hbm>>
      %dma_wait3A_872 = tpu.memref_squeeze %dma_wait3A_871 : memref<1x64x128xf32, #tpu.memory_space<hbm>> -> memref<64x128xf32, #tpu.memory_space<hbm>>
      tpu.wait_dma2 semaphore(%arg14 : memref<!tpu.dma_semaphore, #tpu.memory_space<semaphore_mem>>) src(%dma_wait3A_872 : memref<64x128xf32, #tpu.memory_space<hbm>>) dst(%dma_wait3A_868 : memref<64x128xf32, #tpu.memory_space<vmem>>)
      %get3A_873 = arith.index_cast %add3A_854 : i32 to index
      %get3A_874 = tpu.vector_load %arg5[%get3A_873] {strides = array<i32>} : memref<848xi32, #tpu.memory_space<vmem>>, vector<16xi32>,
      %slice3A_875 = vector.extract_strided_slice %get3A_874 {offsets = [0], sizes = [1], strides = [1]} : vector<16xi32> to vector<1xi32>
      %squeeze3A_876 = vector.extract %slice3A_875[0] : i32 from vector<1xi32>
      %and3A_877 = arith.constant 127 : i32
      %and3A_878 = arith.andi %squeeze3A_876, %and3A_877 : i32
      %broadcast_in_dim3A_879 = vector.broadcast %and3A_878 : i32 to vector<16xi32>
      %gather3A_880 = arith.constant 5 : i32
      %gather3A_881 = arith.constant 0 : i32
      %gather3A_882 = arith.constant 0 : i32
      %gather3A_883 = tpu.memref_slice %arg7[%gather3A_880, %gather3A_881, %gather3A_882] : memref<13x64x128xf32, #tpu.memory_space<vmem>> -> memref<1x64x128xf32, #tpu.memory_space<vmem>>
      %gather3A_884 = tpu.memref_squeeze %gather3A_883 : memref<1x64x128xf32, #tpu.memory_space<vmem>> -> memref<64x128xf32, #tpu.memory_space<vmem>>
      %gather3A_885 = tpu.vector_load_idx %gather3A_884[%add3A_5, %broadcast_in_dim3A_879] : memref<64x128xf32, #tpu.memory_space<vmem>>[vector<16xi32>, vector<16xi32>], vector<16xf32>,
      %add3A_886 = arith.constant 320 : i32
      %add3A_887 = arith.addi %add3A_450, %add3A_886 : i32
      %add3A_888 = arith.constant 0 : i32
      %add3A_889 = arith.addi %add3A_887, %add3A_888 : i32
      %swap3A_890 = arith.index_cast %add3A_889 : i32 to index
      %swap3A_891 = tpu.vector_load %arg6[%swap3A_890] {strides = array<i32>} : memref<6656xf32, #tpu.memory_space<vmem>>, vector<16xf32>,
      tpu.vector_store %arg6[%swap3A_890], %gather3A_885 {strides = array<i32>} : memref<6656xf32, #tpu.memory_space<vmem>>, vector<16xf32>,
      %gather3A_892 = arith.constant 5 : i32
      %gather3A_893 = arith.constant 0 : i32
      %gather3A_894 = arith.constant 0 : i32
      %gather3A_895 = tpu.memref_slice %arg7[%gather3A_892, %gather3A_893, %gather3A_894] : memref<13x64x128xf32, #tpu.memory_space<vmem>> -> memref<1x64x128xf32, #tpu.memory_space<vmem>>
      %gather3A_896 = tpu.memref_squeeze %gather3A_895 : memref<1x64x128xf32, #tpu.memory_space<vmem>> -> memref<64x128xf32, #tpu.memory_space<vmem>>
      %gather3A_897 = tpu.vector_load_idx %gather3A_896[%add3A_9, %broadcast_in_dim3A_879] : memref<64x128xf32, #tpu.memory_space<vmem>>[vector<16xi32>, vector<16xi32>], vector<16xf32>,
      %add3A_898 = arith.constant 320 : i32
      %add3A_899 = arith.addi %add3A_450, %add3A_898 : i32
      %add3A_900 = arith.constant 16 : i32
      %add3A_901 = arith.addi %add3A_899, %add3A_900 : i32
      %swap3A_902 = arith.index_cast %add3A_901 : i32 to index
      %swap3A_903 = tpu.vector_load %arg6[%swap3A_902] {strides = array<i32>} : memref<6656xf32, #tpu.memory_space<vmem>>, vector<16xf32>,
      tpu.vector_store %arg6[%swap3A_902], %gather3A_897 {strides = array<i32>} : memref<6656xf32, #tpu.memory_space<vmem>>, vector<16xf32>,
      %gather3A_904 = arith.constant 5 : i32
      %gather3A_905 = arith.constant 0 : i32
      %gather3A_906 = arith.constant 0 : i32
      %gather3A_907 = tpu.memref_slice %arg7[%gather3A_904, %gather3A_905, %gather3A_906] : memref<13x64x128xf32, #tpu.memory_space<vmem>> -> memref<1x64x128xf32, #tpu.memory_space<vmem>>
      %gather3A_908 = tpu.memref_squeeze %gather3A_907 : memref<1x64x128xf32, #tpu.memory_space<vmem>> -> memref<64x128xf32, #tpu.memory_space<vmem>>
      %gather3A_909 = tpu.vector_load_idx %gather3A_908[%add3A_13, %broadcast_in_dim3A_879] : memref<64x128xf32, #tpu.memory_space<vmem>>[vector<16xi32>, vector<16xi32>], vector<16xf32>,
      %add3A_910 = arith.constant 320 : i32
      %add3A_911 = arith.addi %add3A_450, %add3A_910 : i32
      %add3A_912 = arith.constant 32 : i32
      %add3A_913 = arith.addi %add3A_911, %add3A_912 : i32
      %swap3A_914 = arith.index_cast %add3A_913 : i32 to index
      %swap3A_915 = tpu.vector_load %arg6[%swap3A_914] {strides = array<i32>} : memref<6656xf32, #tpu.memory_space<vmem>>, vector<16xf32>,
      tpu.vector_store %arg6[%swap3A_914], %gather3A_909 {strides = array<i32>} : memref<6656xf32, #tpu.memory_space<vmem>>, vector<16xf32>,
      %gather3A_916 = arith.constant 5 : i32
      %gather3A_917 = arith.constant 0 : i32
      %gather3A_918 = arith.constant 0 : i32
      %gather3A_919 = tpu.memref_slice %arg7[%gather3A_916, %gather3A_917, %gather3A_918] : memref<13x64x128xf32, #tpu.memory_space<vmem>> -> memref<1x64x128xf32, #tpu.memory_space<vmem>>
      %gather3A_920 = tpu.memref_squeeze %gather3A_919 : memref<1x64x128xf32, #tpu.memory_space<vmem>> -> memref<64x128xf32, #tpu.memory_space<vmem>>
      %gather3A_921 = tpu.vector_load_idx %gather3A_920[%add3A_17, %broadcast_in_dim3A_879] : memref<64x128xf32, #tpu.memory_space<vmem>>[vector<16xi32>, vector<16xi32>], vector<16xf32>,
      %add3A_922 = arith.constant 320 : i32
      %add3A_923 = arith.addi %add3A_450, %add3A_922 : i32
      %add3A_924 = arith.constant 48 : i32
      %add3A_925 = arith.addi %add3A_923, %add3A_924 : i32
      %swap3A_926 = arith.index_cast %add3A_925 : i32 to index
      %swap3A_927 = tpu.vector_load %arg6[%swap3A_926] {strides = array<i32>} : memref<6656xf32, #tpu.memory_space<vmem>>, vector<16xf32>,
      tpu.vector_store %arg6[%swap3A_926], %gather3A_921 {strides = array<i32>} : memref<6656xf32, #tpu.memory_space<vmem>>, vector<16xf32>,
      %lt3A_928 = arith.constant 63 : i32
      %lt3A_929 = arith.cmpi slt, %scan3A_422, %lt3A_928 : i32
      %convert_element_type3A_930 = arith.extui %lt3A_929 : i1 to i32
      %cond3A_931 = arith.constant 0 : i32
      %cond3A_932 = arith.cmpi ne, %convert_element_type3A_930, %cond3A_931 : i32
      scf.if %cond3A_932 {
        %add3A_1500 = arith.constant 13 : i32
        %add3A_1501 = arith.addi %add3A_854, %add3A_1500 : i32
        %get3A_1502 = arith.index_cast %add3A_1501 : i32 to index
        %get3A_1503 = tpu.vector_load %arg5[%get3A_1502] {strides = array<i32>} : memref<848xi32, #tpu.memory_space<vmem>>, vector<16xi32>,
        %slice3A_1504 = vector.extract_strided_slice %get3A_1503 {offsets = [0], sizes = [1], strides = [1]} : vector<16xi32> to vector<1xi32>
        %squeeze3A_1505 = vector.extract %slice3A_1504[0] : i32 from vector<1xi32>
        %add3A_1506 = arith.addi %mul3A_2, %add3A_1501 : i32
        %rem3A_1507 = arith.constant 26 : i32
        %rem3A_1508 = arith.remsi %add3A_1506, %rem3A_1507 : i32
        %shift_right_arithmetic3A_1509 = arith.constant 7 : i32
        %shift_right_arithmetic3A_1510 = arith.shrsi %squeeze3A_1505, %shift_right_arithmetic3A_1509 : i32
        %shift_left3A_1511 = arith.constant 7 : i32
        %shift_left3A_1512 = arith.shli %shift_right_arithmetic3A_1510, %shift_left3A_1511 : i32
        %multiple_of3A_1513 = tpu.assume_multiple %shift_left3A_1512, 128 : i32
        %dma_start3A_1514 = arith.constant 5 : i32
        %dma_start3A_1515 = arith.constant 0 : i32
        %dma_start3A_1516 = arith.constant 0 : i32
        %dma_start3A_1517 = tpu.memref_slice %arg7[%dma_start3A_1514, %dma_start3A_1515, %dma_start3A_1516] : memref<13x64x128xf32, #tpu.memory_space<vmem>> -> memref<1x64x128xf32, #tpu.memory_space<vmem>>
        %dma_start3A_1518 = tpu.memref_squeeze %dma_start3A_1517 : memref<1x64x128xf32, #tpu.memory_space<vmem>> -> memref<64x128xf32, #tpu.memory_space<vmem>>
        %dma_start3A_1519 = arith.constant 0 : i32
        %dma_start3A_1520 = tpu.memref_slice %arg3[%rem3A_1508, %dma_start3A_1519, %multiple_of3A_1513] : memref<26x64x100000xf32, #tpu.memory_space<hbm>> -> memref<1x64x128xf32, #tpu.memory_space<hbm>>
        %dma_start3A_1521 = tpu.memref_squeeze %dma_start3A_1520 : memref<1x64x128xf32, #tpu.memory_space<hbm>> -> memref<64x128xf32, #tpu.memory_space<hbm>>
        %dma_start3A_1522 = arith.constant 0 : i32
        %dma_start3A_1523 = arith.constant 0 : i32
        %dma_start3A_1524 = tpu.memref_slice %arg7[%dma_start3A_1514, %dma_start3A_1522, %dma_start3A_1523] : memref<13x64x128xf32, #tpu.memory_space<vmem>> -> memref<1x64x128xf32, #tpu.memory_space<vmem>>
        %dma_start3A_1525 = tpu.memref_squeeze %dma_start3A_1524 : memref<1x64x128xf32, #tpu.memory_space<vmem>> -> memref<64x128xf32, #tpu.memory_space<vmem>>
        %dma_start3A_1526 = arith.constant 0 : i32
        %dma_start3A_1527 = tpu.memref_slice %arg3[%rem3A_1508, %dma_start3A_1526, %multiple_of3A_1513] : memref<26x64x100000xf32, #tpu.memory_space<hbm>> -> memref<1x64x128xf32, #tpu.memory_space<hbm>>
        %dma_start3A_1528 = tpu.memref_squeeze %dma_start3A_1527 : memref<1x64x128xf32, #tpu.memory_space<hbm>> -> memref<64x128xf32, #tpu.memory_space<hbm>>
        tpu.enqueue_dma source(%dma_start3A_1528 : memref<64x128xf32, #tpu.memory_space<hbm>>) target(%dma_start3A_1525 : memref<64x128xf32, #tpu.memory_space<vmem>>) target_semaphore(%arg14 : memref<!tpu.dma_semaphore, #tpu.memory_space<semaphore_mem>>)
      } else {
      }
      %add3A_933 = arith.constant 6 : i32
      %add3A_934 = arith.addi %mul3A_424, %add3A_933 : i32
      %dma_wait3A_935 = arith.constant 0 : i32
      %dma_wait3A_936 = arith.constant 6 : i32
      %dma_wait3A_937 = arith.constant 0 : i32
      %dma_wait3A_938 = arith.constant 0 : i32
      %dma_wait3A_939 = tpu.memref_slice %arg7[%dma_wait3A_936, %dma_wait3A_937, %dma_wait3A_938] : memref<13x64x128xf32, #tpu.memory_space<vmem>> -> memref<1x64x128xf32, #tpu.memory_space<vmem>>
      %dma_wait3A_940 = tpu.memref_squeeze %dma_wait3A_939 : memref<1x64x128xf32, #tpu.memory_space<vmem>> -> memref<64x128xf32, #tpu.memory_space<vmem>>
      %dma_wait3A_941 = arith.constant 0 : i32
      %dma_wait3A_942 = arith.constant 0 : i32
      %dma_wait3A_943 = tpu.memref_slice %arg3[%dma_wait3A_935, %dma_wait3A_941, %dma_wait3A_942] : memref<26x64x100000xf32, #tpu.memory_space<hbm>> -> memref<1x64x128xf32, #tpu.memory_space<hbm>>
      %dma_wait3A_944 = tpu.memref_squeeze %dma_wait3A_943 : memref<1x64x128xf32, #tpu.memory_space<hbm>> -> memref<64x128xf32, #tpu.memory_space<hbm>>
      %dma_wait3A_945 = arith.constant 0 : i32
      %dma_wait3A_946 = arith.constant 0 : i32
      %dma_wait3A_947 = tpu.memref_slice %arg7[%dma_wait3A_936, %dma_wait3A_945, %dma_wait3A_946] : memref<13x64x128xf32, #tpu.memory_space<vmem>> -> memref<1x64x128xf32, #tpu.memory_space<vmem>>
      %dma_wait3A_948 = tpu.memref_squeeze %dma_wait3A_947 : memref<1x64x128xf32, #tpu.memory_space<vmem>> -> memref<64x128xf32, #tpu.memory_space<vmem>>
      %dma_wait3A_949 = arith.constant 0 : i32
      %dma_wait3A_950 = arith.constant 0 : i32
      %dma_wait3A_951 = tpu.memref_slice %arg3[%dma_wait3A_935, %dma_wait3A_949, %dma_wait3A_950] : memref<26x64x100000xf32, #tpu.memory_space<hbm>> -> memref<1x64x128xf32, #tpu.memory_space<hbm>>
      %dma_wait3A_952 = tpu.memref_squeeze %dma_wait3A_951 : memref<1x64x128xf32, #tpu.memory_space<hbm>> -> memref<64x128xf32, #tpu.memory_space<hbm>>
      tpu.wait_dma2 semaphore(%arg15 : memref<!tpu.dma_semaphore, #tpu.memory_space<semaphore_mem>>) src(%dma_wait3A_952 : memref<64x128xf32, #tpu.memory_space<hbm>>) dst(%dma_wait3A_948 : memref<64x128xf32, #tpu.memory_space<vmem>>)
      %get3A_953 = arith.index_cast %add3A_934 : i32 to index
      %get3A_954 = tpu.vector_load %arg5[%get3A_953] {strides = array<i32>} : memref<848xi32, #tpu.memory_space<vmem>>, vector<16xi32>,
      %slice3A_955 = vector.extract_strided_slice %get3A_954 {offsets = [0], sizes = [1], strides = [1]} : vector<16xi32> to vector<1xi32>
      %squeeze3A_956 = vector.extract %slice3A_955[0] : i32 from vector<1xi32>
      %and3A_957 = arith.constant 127 : i32
      %and3A_958 = arith.andi %squeeze3A_956, %and3A_957 : i32
      %broadcast_in_dim3A_959 = vector.broadcast %and3A_958 : i32 to vector<16xi32>
      %gather3A_960 = arith.constant 6 : i32
      %gather3A_961 = arith.constant 0 : i32
      %gather3A_962 = arith.constant 0 : i32
      %gather3A_963 = tpu.memref_slice %arg7[%gather3A_960, %gather3A_961, %gather3A_962] : memref<13x64x128xf32, #tpu.memory_space<vmem>> -> memref<1x64x128xf32, #tpu.memory_space<vmem>>
      %gather3A_964 = tpu.memref_squeeze %gather3A_963 : memref<1x64x128xf32, #tpu.memory_space<vmem>> -> memref<64x128xf32, #tpu.memory_space<vmem>>
      %gather3A_965 = tpu.vector_load_idx %gather3A_964[%add3A_5, %broadcast_in_dim3A_959] : memref<64x128xf32, #tpu.memory_space<vmem>>[vector<16xi32>, vector<16xi32>], vector<16xf32>,
      %add3A_966 = arith.constant 384 : i32
      %add3A_967 = arith.addi %add3A_450, %add3A_966 : i32
      %add3A_968 = arith.constant 0 : i32
      %add3A_969 = arith.addi %add3A_967, %add3A_968 : i32
      %swap3A_970 = arith.index_cast %add3A_969 : i32 to index
      %swap3A_971 = tpu.vector_load %arg6[%swap3A_970] {strides = array<i32>} : memref<6656xf32, #tpu.memory_space<vmem>>, vector<16xf32>,
      tpu.vector_store %arg6[%swap3A_970], %gather3A_965 {strides = array<i32>} : memref<6656xf32, #tpu.memory_space<vmem>>, vector<16xf32>,
      %gather3A_972 = arith.constant 6 : i32
      %gather3A_973 = arith.constant 0 : i32
      %gather3A_974 = arith.constant 0 : i32
      %gather3A_975 = tpu.memref_slice %arg7[%gather3A_972, %gather3A_973, %gather3A_974] : memref<13x64x128xf32, #tpu.memory_space<vmem>> -> memref<1x64x128xf32, #tpu.memory_space<vmem>>
      %gather3A_976 = tpu.memref_squeeze %gather3A_975 : memref<1x64x128xf32, #tpu.memory_space<vmem>> -> memref<64x128xf32, #tpu.memory_space<vmem>>
      %gather3A_977 = tpu.vector_load_idx %gather3A_976[%add3A_9, %broadcast_in_dim3A_959] : memref<64x128xf32, #tpu.memory_space<vmem>>[vector<16xi32>, vector<16xi32>], vector<16xf32>,
      %add3A_978 = arith.constant 384 : i32
      %add3A_979 = arith.addi %add3A_450, %add3A_978 : i32
      %add3A_980 = arith.constant 16 : i32
      %add3A_981 = arith.addi %add3A_979, %add3A_980 : i32
      %swap3A_982 = arith.index_cast %add3A_981 : i32 to index
      %swap3A_983 = tpu.vector_load %arg6[%swap3A_982] {strides = array<i32>} : memref<6656xf32, #tpu.memory_space<vmem>>, vector<16xf32>,
      tpu.vector_store %arg6[%swap3A_982], %gather3A_977 {strides = array<i32>} : memref<6656xf32, #tpu.memory_space<vmem>>, vector<16xf32>,
      %gather3A_984 = arith.constant 6 : i32
      %gather3A_985 = arith.constant 0 : i32
      %gather3A_986 = arith.constant 0 : i32
      %gather3A_987 = tpu.memref_slice %arg7[%gather3A_984, %gather3A_985, %gather3A_986] : memref<13x64x128xf32, #tpu.memory_space<vmem>> -> memref<1x64x128xf32, #tpu.memory_space<vmem>>
      %gather3A_988 = tpu.memref_squeeze %gather3A_987 : memref<1x64x128xf32, #tpu.memory_space<vmem>> -> memref<64x128xf32, #tpu.memory_space<vmem>>
      %gather3A_989 = tpu.vector_load_idx %gather3A_988[%add3A_13, %broadcast_in_dim3A_959] : memref<64x128xf32, #tpu.memory_space<vmem>>[vector<16xi32>, vector<16xi32>], vector<16xf32>,
      %add3A_990 = arith.constant 384 : i32
      %add3A_991 = arith.addi %add3A_450, %add3A_990 : i32
      %add3A_992 = arith.constant 32 : i32
      %add3A_993 = arith.addi %add3A_991, %add3A_992 : i32
      %swap3A_994 = arith.index_cast %add3A_993 : i32 to index
      %swap3A_995 = tpu.vector_load %arg6[%swap3A_994] {strides = array<i32>} : memref<6656xf32, #tpu.memory_space<vmem>>, vector<16xf32>,
      tpu.vector_store %arg6[%swap3A_994], %gather3A_989 {strides = array<i32>} : memref<6656xf32, #tpu.memory_space<vmem>>, vector<16xf32>,
      %gather3A_996 = arith.constant 6 : i32
      %gather3A_997 = arith.constant 0 : i32
      %gather3A_998 = arith.constant 0 : i32
      %gather3A_999 = tpu.memref_slice %arg7[%gather3A_996, %gather3A_997, %gather3A_998] : memref<13x64x128xf32, #tpu.memory_space<vmem>> -> memref<1x64x128xf32, #tpu.memory_space<vmem>>
      %gather3A_1000 = tpu.memref_squeeze %gather3A_999 : memref<1x64x128xf32, #tpu.memory_space<vmem>> -> memref<64x128xf32, #tpu.memory_space<vmem>>
      %gather3A_1001 = tpu.vector_load_idx %gather3A_1000[%add3A_17, %broadcast_in_dim3A_959] : memref<64x128xf32, #tpu.memory_space<vmem>>[vector<16xi32>, vector<16xi32>], vector<16xf32>,
      %add3A_1002 = arith.constant 384 : i32
      %add3A_1003 = arith.addi %add3A_450, %add3A_1002 : i32
      %add3A_1004 = arith.constant 48 : i32
      %add3A_1005 = arith.addi %add3A_1003, %add3A_1004 : i32
      %swap3A_1006 = arith.index_cast %add3A_1005 : i32 to index
      %swap3A_1007 = tpu.vector_load %arg6[%swap3A_1006] {strides = array<i32>} : memref<6656xf32, #tpu.memory_space<vmem>>, vector<16xf32>,
      tpu.vector_store %arg6[%swap3A_1006], %gather3A_1001 {strides = array<i32>} : memref<6656xf32, #tpu.memory_space<vmem>>, vector<16xf32>,
      %lt3A_1008 = arith.constant 63 : i32
      %lt3A_1009 = arith.cmpi slt, %scan3A_422, %lt3A_1008 : i32
      %convert_element_type3A_1010 = arith.extui %lt3A_1009 : i1 to i32
      %cond3A_1011 = arith.constant 0 : i32
      %cond3A_1012 = arith.cmpi ne, %convert_element_type3A_1010, %cond3A_1011 : i32
      scf.if %cond3A_1012 {
        %add3A_1500 = arith.constant 13 : i32
        %add3A_1501 = arith.addi %add3A_934, %add3A_1500 : i32
        %get3A_1502 = arith.index_cast %add3A_1501 : i32 to index
        %get3A_1503 = tpu.vector_load %arg5[%get3A_1502] {strides = array<i32>} : memref<848xi32, #tpu.memory_space<vmem>>, vector<16xi32>,
        %slice3A_1504 = vector.extract_strided_slice %get3A_1503 {offsets = [0], sizes = [1], strides = [1]} : vector<16xi32> to vector<1xi32>
        %squeeze3A_1505 = vector.extract %slice3A_1504[0] : i32 from vector<1xi32>
        %add3A_1506 = arith.addi %mul3A_2, %add3A_1501 : i32
        %rem3A_1507 = arith.constant 26 : i32
        %rem3A_1508 = arith.remsi %add3A_1506, %rem3A_1507 : i32
        %shift_right_arithmetic3A_1509 = arith.constant 7 : i32
        %shift_right_arithmetic3A_1510 = arith.shrsi %squeeze3A_1505, %shift_right_arithmetic3A_1509 : i32
        %shift_left3A_1511 = arith.constant 7 : i32
        %shift_left3A_1512 = arith.shli %shift_right_arithmetic3A_1510, %shift_left3A_1511 : i32
        %multiple_of3A_1513 = tpu.assume_multiple %shift_left3A_1512, 128 : i32
        %dma_start3A_1514 = arith.constant 6 : i32
        %dma_start3A_1515 = arith.constant 0 : i32
        %dma_start3A_1516 = arith.constant 0 : i32
        %dma_start3A_1517 = tpu.memref_slice %arg7[%dma_start3A_1514, %dma_start3A_1515, %dma_start3A_1516] : memref<13x64x128xf32, #tpu.memory_space<vmem>> -> memref<1x64x128xf32, #tpu.memory_space<vmem>>
        %dma_start3A_1518 = tpu.memref_squeeze %dma_start3A_1517 : memref<1x64x128xf32, #tpu.memory_space<vmem>> -> memref<64x128xf32, #tpu.memory_space<vmem>>
        %dma_start3A_1519 = arith.constant 0 : i32
        %dma_start3A_1520 = tpu.memref_slice %arg3[%rem3A_1508, %dma_start3A_1519, %multiple_of3A_1513] : memref<26x64x100000xf32, #tpu.memory_space<hbm>> -> memref<1x64x128xf32, #tpu.memory_space<hbm>>
        %dma_start3A_1521 = tpu.memref_squeeze %dma_start3A_1520 : memref<1x64x128xf32, #tpu.memory_space<hbm>> -> memref<64x128xf32, #tpu.memory_space<hbm>>
        %dma_start3A_1522 = arith.constant 0 : i32
        %dma_start3A_1523 = arith.constant 0 : i32
        %dma_start3A_1524 = tpu.memref_slice %arg7[%dma_start3A_1514, %dma_start3A_1522, %dma_start3A_1523] : memref<13x64x128xf32, #tpu.memory_space<vmem>> -> memref<1x64x128xf32, #tpu.memory_space<vmem>>
        %dma_start3A_1525 = tpu.memref_squeeze %dma_start3A_1524 : memref<1x64x128xf32, #tpu.memory_space<vmem>> -> memref<64x128xf32, #tpu.memory_space<vmem>>
        %dma_start3A_1526 = arith.constant 0 : i32
        %dma_start3A_1527 = tpu.memref_slice %arg3[%rem3A_1508, %dma_start3A_1526, %multiple_of3A_1513] : memref<26x64x100000xf32, #tpu.memory_space<hbm>> -> memref<1x64x128xf32, #tpu.memory_space<hbm>>
        %dma_start3A_1528 = tpu.memref_squeeze %dma_start3A_1527 : memref<1x64x128xf32, #tpu.memory_space<hbm>> -> memref<64x128xf32, #tpu.memory_space<hbm>>
        tpu.enqueue_dma source(%dma_start3A_1528 : memref<64x128xf32, #tpu.memory_space<hbm>>) target(%dma_start3A_1525 : memref<64x128xf32, #tpu.memory_space<vmem>>) target_semaphore(%arg15 : memref<!tpu.dma_semaphore, #tpu.memory_space<semaphore_mem>>)
      } else {
      }
      %add3A_1013 = arith.constant 7 : i32
      %add3A_1014 = arith.addi %mul3A_424, %add3A_1013 : i32
      %dma_wait3A_1015 = arith.constant 0 : i32
      %dma_wait3A_1016 = arith.constant 7 : i32
      %dma_wait3A_1017 = arith.constant 0 : i32
      %dma_wait3A_1018 = arith.constant 0 : i32
      %dma_wait3A_1019 = tpu.memref_slice %arg7[%dma_wait3A_1016, %dma_wait3A_1017, %dma_wait3A_1018] : memref<13x64x128xf32, #tpu.memory_space<vmem>> -> memref<1x64x128xf32, #tpu.memory_space<vmem>>
      %dma_wait3A_1020 = tpu.memref_squeeze %dma_wait3A_1019 : memref<1x64x128xf32, #tpu.memory_space<vmem>> -> memref<64x128xf32, #tpu.memory_space<vmem>>
      %dma_wait3A_1021 = arith.constant 0 : i32
      %dma_wait3A_1022 = arith.constant 0 : i32
      %dma_wait3A_1023 = tpu.memref_slice %arg3[%dma_wait3A_1015, %dma_wait3A_1021, %dma_wait3A_1022] : memref<26x64x100000xf32, #tpu.memory_space<hbm>> -> memref<1x64x128xf32, #tpu.memory_space<hbm>>
      %dma_wait3A_1024 = tpu.memref_squeeze %dma_wait3A_1023 : memref<1x64x128xf32, #tpu.memory_space<hbm>> -> memref<64x128xf32, #tpu.memory_space<hbm>>
      %dma_wait3A_1025 = arith.constant 0 : i32
      %dma_wait3A_1026 = arith.constant 0 : i32
      %dma_wait3A_1027 = tpu.memref_slice %arg7[%dma_wait3A_1016, %dma_wait3A_1025, %dma_wait3A_1026] : memref<13x64x128xf32, #tpu.memory_space<vmem>> -> memref<1x64x128xf32, #tpu.memory_space<vmem>>
      %dma_wait3A_1028 = tpu.memref_squeeze %dma_wait3A_1027 : memref<1x64x128xf32, #tpu.memory_space<vmem>> -> memref<64x128xf32, #tpu.memory_space<vmem>>
      %dma_wait3A_1029 = arith.constant 0 : i32
      %dma_wait3A_1030 = arith.constant 0 : i32
      %dma_wait3A_1031 = tpu.memref_slice %arg3[%dma_wait3A_1015, %dma_wait3A_1029, %dma_wait3A_1030] : memref<26x64x100000xf32, #tpu.memory_space<hbm>> -> memref<1x64x128xf32, #tpu.memory_space<hbm>>
      %dma_wait3A_1032 = tpu.memref_squeeze %dma_wait3A_1031 : memref<1x64x128xf32, #tpu.memory_space<hbm>> -> memref<64x128xf32, #tpu.memory_space<hbm>>
      tpu.wait_dma2 semaphore(%arg16 : memref<!tpu.dma_semaphore, #tpu.memory_space<semaphore_mem>>) src(%dma_wait3A_1032 : memref<64x128xf32, #tpu.memory_space<hbm>>) dst(%dma_wait3A_1028 : memref<64x128xf32, #tpu.memory_space<vmem>>)
      %get3A_1033 = arith.index_cast %add3A_1014 : i32 to index
      %get3A_1034 = tpu.vector_load %arg5[%get3A_1033] {strides = array<i32>} : memref<848xi32, #tpu.memory_space<vmem>>, vector<16xi32>,
      %slice3A_1035 = vector.extract_strided_slice %get3A_1034 {offsets = [0], sizes = [1], strides = [1]} : vector<16xi32> to vector<1xi32>
      %squeeze3A_1036 = vector.extract %slice3A_1035[0] : i32 from vector<1xi32>
      %and3A_1037 = arith.constant 127 : i32
      %and3A_1038 = arith.andi %squeeze3A_1036, %and3A_1037 : i32
      %broadcast_in_dim3A_1039 = vector.broadcast %and3A_1038 : i32 to vector<16xi32>
      %gather3A_1040 = arith.constant 7 : i32
      %gather3A_1041 = arith.constant 0 : i32
      %gather3A_1042 = arith.constant 0 : i32
      %gather3A_1043 = tpu.memref_slice %arg7[%gather3A_1040, %gather3A_1041, %gather3A_1042] : memref<13x64x128xf32, #tpu.memory_space<vmem>> -> memref<1x64x128xf32, #tpu.memory_space<vmem>>
      %gather3A_1044 = tpu.memref_squeeze %gather3A_1043 : memref<1x64x128xf32, #tpu.memory_space<vmem>> -> memref<64x128xf32, #tpu.memory_space<vmem>>
      %gather3A_1045 = tpu.vector_load_idx %gather3A_1044[%add3A_5, %broadcast_in_dim3A_1039] : memref<64x128xf32, #tpu.memory_space<vmem>>[vector<16xi32>, vector<16xi32>], vector<16xf32>,
      %add3A_1046 = arith.constant 448 : i32
      %add3A_1047 = arith.addi %add3A_450, %add3A_1046 : i32
      %add3A_1048 = arith.constant 0 : i32
      %add3A_1049 = arith.addi %add3A_1047, %add3A_1048 : i32
      %swap3A_1050 = arith.index_cast %add3A_1049 : i32 to index
      %swap3A_1051 = tpu.vector_load %arg6[%swap3A_1050] {strides = array<i32>} : memref<6656xf32, #tpu.memory_space<vmem>>, vector<16xf32>,
      tpu.vector_store %arg6[%swap3A_1050], %gather3A_1045 {strides = array<i32>} : memref<6656xf32, #tpu.memory_space<vmem>>, vector<16xf32>,
      %gather3A_1052 = arith.constant 7 : i32
      %gather3A_1053 = arith.constant 0 : i32
      %gather3A_1054 = arith.constant 0 : i32
      %gather3A_1055 = tpu.memref_slice %arg7[%gather3A_1052, %gather3A_1053, %gather3A_1054] : memref<13x64x128xf32, #tpu.memory_space<vmem>> -> memref<1x64x128xf32, #tpu.memory_space<vmem>>
      %gather3A_1056 = tpu.memref_squeeze %gather3A_1055 : memref<1x64x128xf32, #tpu.memory_space<vmem>> -> memref<64x128xf32, #tpu.memory_space<vmem>>
      %gather3A_1057 = tpu.vector_load_idx %gather3A_1056[%add3A_9, %broadcast_in_dim3A_1039] : memref<64x128xf32, #tpu.memory_space<vmem>>[vector<16xi32>, vector<16xi32>], vector<16xf32>,
      %add3A_1058 = arith.constant 448 : i32
      %add3A_1059 = arith.addi %add3A_450, %add3A_1058 : i32
      %add3A_1060 = arith.constant 16 : i32
      %add3A_1061 = arith.addi %add3A_1059, %add3A_1060 : i32
      %swap3A_1062 = arith.index_cast %add3A_1061 : i32 to index
      %swap3A_1063 = tpu.vector_load %arg6[%swap3A_1062] {strides = array<i32>} : memref<6656xf32, #tpu.memory_space<vmem>>, vector<16xf32>,
      tpu.vector_store %arg6[%swap3A_1062], %gather3A_1057 {strides = array<i32>} : memref<6656xf32, #tpu.memory_space<vmem>>, vector<16xf32>,
      %gather3A_1064 = arith.constant 7 : i32
      %gather3A_1065 = arith.constant 0 : i32
      %gather3A_1066 = arith.constant 0 : i32
      %gather3A_1067 = tpu.memref_slice %arg7[%gather3A_1064, %gather3A_1065, %gather3A_1066] : memref<13x64x128xf32, #tpu.memory_space<vmem>> -> memref<1x64x128xf32, #tpu.memory_space<vmem>>
      %gather3A_1068 = tpu.memref_squeeze %gather3A_1067 : memref<1x64x128xf32, #tpu.memory_space<vmem>> -> memref<64x128xf32, #tpu.memory_space<vmem>>
      %gather3A_1069 = tpu.vector_load_idx %gather3A_1068[%add3A_13, %broadcast_in_dim3A_1039] : memref<64x128xf32, #tpu.memory_space<vmem>>[vector<16xi32>, vector<16xi32>], vector<16xf32>,
      %add3A_1070 = arith.constant 448 : i32
      %add3A_1071 = arith.addi %add3A_450, %add3A_1070 : i32
      %add3A_1072 = arith.constant 32 : i32
      %add3A_1073 = arith.addi %add3A_1071, %add3A_1072 : i32
      %swap3A_1074 = arith.index_cast %add3A_1073 : i32 to index
      %swap3A_1075 = tpu.vector_load %arg6[%swap3A_1074] {strides = array<i32>} : memref<6656xf32, #tpu.memory_space<vmem>>, vector<16xf32>,
      tpu.vector_store %arg6[%swap3A_1074], %gather3A_1069 {strides = array<i32>} : memref<6656xf32, #tpu.memory_space<vmem>>, vector<16xf32>,
      %gather3A_1076 = arith.constant 7 : i32
      %gather3A_1077 = arith.constant 0 : i32
      %gather3A_1078 = arith.constant 0 : i32
      %gather3A_1079 = tpu.memref_slice %arg7[%gather3A_1076, %gather3A_1077, %gather3A_1078] : memref<13x64x128xf32, #tpu.memory_space<vmem>> -> memref<1x64x128xf32, #tpu.memory_space<vmem>>
      %gather3A_1080 = tpu.memref_squeeze %gather3A_1079 : memref<1x64x128xf32, #tpu.memory_space<vmem>> -> memref<64x128xf32, #tpu.memory_space<vmem>>
      %gather3A_1081 = tpu.vector_load_idx %gather3A_1080[%add3A_17, %broadcast_in_dim3A_1039] : memref<64x128xf32, #tpu.memory_space<vmem>>[vector<16xi32>, vector<16xi32>], vector<16xf32>,
      %add3A_1082 = arith.constant 448 : i32
      %add3A_1083 = arith.addi %add3A_450, %add3A_1082 : i32
      %add3A_1084 = arith.constant 48 : i32
      %add3A_1085 = arith.addi %add3A_1083, %add3A_1084 : i32
      %swap3A_1086 = arith.index_cast %add3A_1085 : i32 to index
      %swap3A_1087 = tpu.vector_load %arg6[%swap3A_1086] {strides = array<i32>} : memref<6656xf32, #tpu.memory_space<vmem>>, vector<16xf32>,
      tpu.vector_store %arg6[%swap3A_1086], %gather3A_1081 {strides = array<i32>} : memref<6656xf32, #tpu.memory_space<vmem>>, vector<16xf32>,
      %lt3A_1088 = arith.constant 63 : i32
      %lt3A_1089 = arith.cmpi slt, %scan3A_422, %lt3A_1088 : i32
      %convert_element_type3A_1090 = arith.extui %lt3A_1089 : i1 to i32
      %cond3A_1091 = arith.constant 0 : i32
      %cond3A_1092 = arith.cmpi ne, %convert_element_type3A_1090, %cond3A_1091 : i32
      scf.if %cond3A_1092 {
        %add3A_1500 = arith.constant 13 : i32
        %add3A_1501 = arith.addi %add3A_1014, %add3A_1500 : i32
        %get3A_1502 = arith.index_cast %add3A_1501 : i32 to index
        %get3A_1503 = tpu.vector_load %arg5[%get3A_1502] {strides = array<i32>} : memref<848xi32, #tpu.memory_space<vmem>>, vector<16xi32>,
        %slice3A_1504 = vector.extract_strided_slice %get3A_1503 {offsets = [0], sizes = [1], strides = [1]} : vector<16xi32> to vector<1xi32>
        %squeeze3A_1505 = vector.extract %slice3A_1504[0] : i32 from vector<1xi32>
        %add3A_1506 = arith.addi %mul3A_2, %add3A_1501 : i32
        %rem3A_1507 = arith.constant 26 : i32
        %rem3A_1508 = arith.remsi %add3A_1506, %rem3A_1507 : i32
        %shift_right_arithmetic3A_1509 = arith.constant 7 : i32
        %shift_right_arithmetic3A_1510 = arith.shrsi %squeeze3A_1505, %shift_right_arithmetic3A_1509 : i32
        %shift_left3A_1511 = arith.constant 7 : i32
        %shift_left3A_1512 = arith.shli %shift_right_arithmetic3A_1510, %shift_left3A_1511 : i32
        %multiple_of3A_1513 = tpu.assume_multiple %shift_left3A_1512, 128 : i32
        %dma_start3A_1514 = arith.constant 7 : i32
        %dma_start3A_1515 = arith.constant 0 : i32
        %dma_start3A_1516 = arith.constant 0 : i32
        %dma_start3A_1517 = tpu.memref_slice %arg7[%dma_start3A_1514, %dma_start3A_1515, %dma_start3A_1516] : memref<13x64x128xf32, #tpu.memory_space<vmem>> -> memref<1x64x128xf32, #tpu.memory_space<vmem>>
        %dma_start3A_1518 = tpu.memref_squeeze %dma_start3A_1517 : memref<1x64x128xf32, #tpu.memory_space<vmem>> -> memref<64x128xf32, #tpu.memory_space<vmem>>
        %dma_start3A_1519 = arith.constant 0 : i32
        %dma_start3A_1520 = tpu.memref_slice %arg3[%rem3A_1508, %dma_start3A_1519, %multiple_of3A_1513] : memref<26x64x100000xf32, #tpu.memory_space<hbm>> -> memref<1x64x128xf32, #tpu.memory_space<hbm>>
        %dma_start3A_1521 = tpu.memref_squeeze %dma_start3A_1520 : memref<1x64x128xf32, #tpu.memory_space<hbm>> -> memref<64x128xf32, #tpu.memory_space<hbm>>
        %dma_start3A_1522 = arith.constant 0 : i32
        %dma_start3A_1523 = arith.constant 0 : i32
        %dma_start3A_1524 = tpu.memref_slice %arg7[%dma_start3A_1514, %dma_start3A_1522, %dma_start3A_1523] : memref<13x64x128xf32, #tpu.memory_space<vmem>> -> memref<1x64x128xf32, #tpu.memory_space<vmem>>
        %dma_start3A_1525 = tpu.memref_squeeze %dma_start3A_1524 : memref<1x64x128xf32, #tpu.memory_space<vmem>> -> memref<64x128xf32, #tpu.memory_space<vmem>>
        %dma_start3A_1526 = arith.constant 0 : i32
        %dma_start3A_1527 = tpu.memref_slice %arg3[%rem3A_1508, %dma_start3A_1526, %multiple_of3A_1513] : memref<26x64x100000xf32, #tpu.memory_space<hbm>> -> memref<1x64x128xf32, #tpu.memory_space<hbm>>
        %dma_start3A_1528 = tpu.memref_squeeze %dma_start3A_1527 : memref<1x64x128xf32, #tpu.memory_space<hbm>> -> memref<64x128xf32, #tpu.memory_space<hbm>>
        tpu.enqueue_dma source(%dma_start3A_1528 : memref<64x128xf32, #tpu.memory_space<hbm>>) target(%dma_start3A_1525 : memref<64x128xf32, #tpu.memory_space<vmem>>) target_semaphore(%arg16 : memref<!tpu.dma_semaphore, #tpu.memory_space<semaphore_mem>>)
      } else {
      }
      %add3A_1093 = arith.constant 8 : i32
      %add3A_1094 = arith.addi %mul3A_424, %add3A_1093 : i32
      %dma_wait3A_1095 = arith.constant 0 : i32
      %dma_wait3A_1096 = arith.constant 8 : i32
      %dma_wait3A_1097 = arith.constant 0 : i32
      %dma_wait3A_1098 = arith.constant 0 : i32
      %dma_wait3A_1099 = tpu.memref_slice %arg7[%dma_wait3A_1096, %dma_wait3A_1097, %dma_wait3A_1098] : memref<13x64x128xf32, #tpu.memory_space<vmem>> -> memref<1x64x128xf32, #tpu.memory_space<vmem>>
      %dma_wait3A_1100 = tpu.memref_squeeze %dma_wait3A_1099 : memref<1x64x128xf32, #tpu.memory_space<vmem>> -> memref<64x128xf32, #tpu.memory_space<vmem>>
      %dma_wait3A_1101 = arith.constant 0 : i32
      %dma_wait3A_1102 = arith.constant 0 : i32
      %dma_wait3A_1103 = tpu.memref_slice %arg3[%dma_wait3A_1095, %dma_wait3A_1101, %dma_wait3A_1102] : memref<26x64x100000xf32, #tpu.memory_space<hbm>> -> memref<1x64x128xf32, #tpu.memory_space<hbm>>
      %dma_wait3A_1104 = tpu.memref_squeeze %dma_wait3A_1103 : memref<1x64x128xf32, #tpu.memory_space<hbm>> -> memref<64x128xf32, #tpu.memory_space<hbm>>
      %dma_wait3A_1105 = arith.constant 0 : i32
      %dma_wait3A_1106 = arith.constant 0 : i32
      %dma_wait3A_1107 = tpu.memref_slice %arg7[%dma_wait3A_1096, %dma_wait3A_1105, %dma_wait3A_1106] : memref<13x64x128xf32, #tpu.memory_space<vmem>> -> memref<1x64x128xf32, #tpu.memory_space<vmem>>
      %dma_wait3A_1108 = tpu.memref_squeeze %dma_wait3A_1107 : memref<1x64x128xf32, #tpu.memory_space<vmem>> -> memref<64x128xf32, #tpu.memory_space<vmem>>
      %dma_wait3A_1109 = arith.constant 0 : i32
      %dma_wait3A_1110 = arith.constant 0 : i32
      %dma_wait3A_1111 = tpu.memref_slice %arg3[%dma_wait3A_1095, %dma_wait3A_1109, %dma_wait3A_1110] : memref<26x64x100000xf32, #tpu.memory_space<hbm>> -> memref<1x64x128xf32, #tpu.memory_space<hbm>>
      %dma_wait3A_1112 = tpu.memref_squeeze %dma_wait3A_1111 : memref<1x64x128xf32, #tpu.memory_space<hbm>> -> memref<64x128xf32, #tpu.memory_space<hbm>>
      tpu.wait_dma2 semaphore(%arg17 : memref<!tpu.dma_semaphore, #tpu.memory_space<semaphore_mem>>) src(%dma_wait3A_1112 : memref<64x128xf32, #tpu.memory_space<hbm>>) dst(%dma_wait3A_1108 : memref<64x128xf32, #tpu.memory_space<vmem>>)
      %get3A_1113 = arith.index_cast %add3A_1094 : i32 to index
      %get3A_1114 = tpu.vector_load %arg5[%get3A_1113] {strides = array<i32>} : memref<848xi32, #tpu.memory_space<vmem>>, vector<16xi32>,
      %slice3A_1115 = vector.extract_strided_slice %get3A_1114 {offsets = [0], sizes = [1], strides = [1]} : vector<16xi32> to vector<1xi32>
      %squeeze3A_1116 = vector.extract %slice3A_1115[0] : i32 from vector<1xi32>
      %and3A_1117 = arith.constant 127 : i32
      %and3A_1118 = arith.andi %squeeze3A_1116, %and3A_1117 : i32
      %broadcast_in_dim3A_1119 = vector.broadcast %and3A_1118 : i32 to vector<16xi32>
      %gather3A_1120 = arith.constant 8 : i32
      %gather3A_1121 = arith.constant 0 : i32
      %gather3A_1122 = arith.constant 0 : i32
      %gather3A_1123 = tpu.memref_slice %arg7[%gather3A_1120, %gather3A_1121, %gather3A_1122] : memref<13x64x128xf32, #tpu.memory_space<vmem>> -> memref<1x64x128xf32, #tpu.memory_space<vmem>>
      %gather3A_1124 = tpu.memref_squeeze %gather3A_1123 : memref<1x64x128xf32, #tpu.memory_space<vmem>> -> memref<64x128xf32, #tpu.memory_space<vmem>>
      %gather3A_1125 = tpu.vector_load_idx %gather3A_1124[%add3A_5, %broadcast_in_dim3A_1119] : memref<64x128xf32, #tpu.memory_space<vmem>>[vector<16xi32>, vector<16xi32>], vector<16xf32>,
      %add3A_1126 = arith.constant 512 : i32
      %add3A_1127 = arith.addi %add3A_450, %add3A_1126 : i32
      %add3A_1128 = arith.constant 0 : i32
      %add3A_1129 = arith.addi %add3A_1127, %add3A_1128 : i32
      %swap3A_1130 = arith.index_cast %add3A_1129 : i32 to index
      %swap3A_1131 = tpu.vector_load %arg6[%swap3A_1130] {strides = array<i32>} : memref<6656xf32, #tpu.memory_space<vmem>>, vector<16xf32>,
      tpu.vector_store %arg6[%swap3A_1130], %gather3A_1125 {strides = array<i32>} : memref<6656xf32, #tpu.memory_space<vmem>>, vector<16xf32>,
      %gather3A_1132 = arith.constant 8 : i32
      %gather3A_1133 = arith.constant 0 : i32
      %gather3A_1134 = arith.constant 0 : i32
      %gather3A_1135 = tpu.memref_slice %arg7[%gather3A_1132, %gather3A_1133, %gather3A_1134] : memref<13x64x128xf32, #tpu.memory_space<vmem>> -> memref<1x64x128xf32, #tpu.memory_space<vmem>>
      %gather3A_1136 = tpu.memref_squeeze %gather3A_1135 : memref<1x64x128xf32, #tpu.memory_space<vmem>> -> memref<64x128xf32, #tpu.memory_space<vmem>>
      %gather3A_1137 = tpu.vector_load_idx %gather3A_1136[%add3A_9, %broadcast_in_dim3A_1119] : memref<64x128xf32, #tpu.memory_space<vmem>>[vector<16xi32>, vector<16xi32>], vector<16xf32>,
      %add3A_1138 = arith.constant 512 : i32
      %add3A_1139 = arith.addi %add3A_450, %add3A_1138 : i32
      %add3A_1140 = arith.constant 16 : i32
      %add3A_1141 = arith.addi %add3A_1139, %add3A_1140 : i32
      %swap3A_1142 = arith.index_cast %add3A_1141 : i32 to index
      %swap3A_1143 = tpu.vector_load %arg6[%swap3A_1142] {strides = array<i32>} : memref<6656xf32, #tpu.memory_space<vmem>>, vector<16xf32>,
      tpu.vector_store %arg6[%swap3A_1142], %gather3A_1137 {strides = array<i32>} : memref<6656xf32, #tpu.memory_space<vmem>>, vector<16xf32>,
      %gather3A_1144 = arith.constant 8 : i32
      %gather3A_1145 = arith.constant 0 : i32
      %gather3A_1146 = arith.constant 0 : i32
      %gather3A_1147 = tpu.memref_slice %arg7[%gather3A_1144, %gather3A_1145, %gather3A_1146] : memref<13x64x128xf32, #tpu.memory_space<vmem>> -> memref<1x64x128xf32, #tpu.memory_space<vmem>>
      %gather3A_1148 = tpu.memref_squeeze %gather3A_1147 : memref<1x64x128xf32, #tpu.memory_space<vmem>> -> memref<64x128xf32, #tpu.memory_space<vmem>>
      %gather3A_1149 = tpu.vector_load_idx %gather3A_1148[%add3A_13, %broadcast_in_dim3A_1119] : memref<64x128xf32, #tpu.memory_space<vmem>>[vector<16xi32>, vector<16xi32>], vector<16xf32>,
      %add3A_1150 = arith.constant 512 : i32
      %add3A_1151 = arith.addi %add3A_450, %add3A_1150 : i32
      %add3A_1152 = arith.constant 32 : i32
      %add3A_1153 = arith.addi %add3A_1151, %add3A_1152 : i32
      %swap3A_1154 = arith.index_cast %add3A_1153 : i32 to index
      %swap3A_1155 = tpu.vector_load %arg6[%swap3A_1154] {strides = array<i32>} : memref<6656xf32, #tpu.memory_space<vmem>>, vector<16xf32>,
      tpu.vector_store %arg6[%swap3A_1154], %gather3A_1149 {strides = array<i32>} : memref<6656xf32, #tpu.memory_space<vmem>>, vector<16xf32>,
      %gather3A_1156 = arith.constant 8 : i32
      %gather3A_1157 = arith.constant 0 : i32
      %gather3A_1158 = arith.constant 0 : i32
      %gather3A_1159 = tpu.memref_slice %arg7[%gather3A_1156, %gather3A_1157, %gather3A_1158] : memref<13x64x128xf32, #tpu.memory_space<vmem>> -> memref<1x64x128xf32, #tpu.memory_space<vmem>>
      %gather3A_1160 = tpu.memref_squeeze %gather3A_1159 : memref<1x64x128xf32, #tpu.memory_space<vmem>> -> memref<64x128xf32, #tpu.memory_space<vmem>>
      %gather3A_1161 = tpu.vector_load_idx %gather3A_1160[%add3A_17, %broadcast_in_dim3A_1119] : memref<64x128xf32, #tpu.memory_space<vmem>>[vector<16xi32>, vector<16xi32>], vector<16xf32>,
      %add3A_1162 = arith.constant 512 : i32
      %add3A_1163 = arith.addi %add3A_450, %add3A_1162 : i32
      %add3A_1164 = arith.constant 48 : i32
      %add3A_1165 = arith.addi %add3A_1163, %add3A_1164 : i32
      %swap3A_1166 = arith.index_cast %add3A_1165 : i32 to index
      %swap3A_1167 = tpu.vector_load %arg6[%swap3A_1166] {strides = array<i32>} : memref<6656xf32, #tpu.memory_space<vmem>>, vector<16xf32>,
      tpu.vector_store %arg6[%swap3A_1166], %gather3A_1161 {strides = array<i32>} : memref<6656xf32, #tpu.memory_space<vmem>>, vector<16xf32>,
      %lt3A_1168 = arith.constant 63 : i32
      %lt3A_1169 = arith.cmpi slt, %scan3A_422, %lt3A_1168 : i32
      %convert_element_type3A_1170 = arith.extui %lt3A_1169 : i1 to i32
      %cond3A_1171 = arith.constant 0 : i32
      %cond3A_1172 = arith.cmpi ne, %convert_element_type3A_1170, %cond3A_1171 : i32
      scf.if %cond3A_1172 {
        %add3A_1500 = arith.constant 13 : i32
        %add3A_1501 = arith.addi %add3A_1094, %add3A_1500 : i32
        %get3A_1502 = arith.index_cast %add3A_1501 : i32 to index
        %get3A_1503 = tpu.vector_load %arg5[%get3A_1502] {strides = array<i32>} : memref<848xi32, #tpu.memory_space<vmem>>, vector<16xi32>,
        %slice3A_1504 = vector.extract_strided_slice %get3A_1503 {offsets = [0], sizes = [1], strides = [1]} : vector<16xi32> to vector<1xi32>
        %squeeze3A_1505 = vector.extract %slice3A_1504[0] : i32 from vector<1xi32>
        %add3A_1506 = arith.addi %mul3A_2, %add3A_1501 : i32
        %rem3A_1507 = arith.constant 26 : i32
        %rem3A_1508 = arith.remsi %add3A_1506, %rem3A_1507 : i32
        %shift_right_arithmetic3A_1509 = arith.constant 7 : i32
        %shift_right_arithmetic3A_1510 = arith.shrsi %squeeze3A_1505, %shift_right_arithmetic3A_1509 : i32
        %shift_left3A_1511 = arith.constant 7 : i32
        %shift_left3A_1512 = arith.shli %shift_right_arithmetic3A_1510, %shift_left3A_1511 : i32
        %multiple_of3A_1513 = tpu.assume_multiple %shift_left3A_1512, 128 : i32
        %dma_start3A_1514 = arith.constant 8 : i32
        %dma_start3A_1515 = arith.constant 0 : i32
        %dma_start3A_1516 = arith.constant 0 : i32
        %dma_start3A_1517 = tpu.memref_slice %arg7[%dma_start3A_1514, %dma_start3A_1515, %dma_start3A_1516] : memref<13x64x128xf32, #tpu.memory_space<vmem>> -> memref<1x64x128xf32, #tpu.memory_space<vmem>>
        %dma_start3A_1518 = tpu.memref_squeeze %dma_start3A_1517 : memref<1x64x128xf32, #tpu.memory_space<vmem>> -> memref<64x128xf32, #tpu.memory_space<vmem>>
        %dma_start3A_1519 = arith.constant 0 : i32
        %dma_start3A_1520 = tpu.memref_slice %arg3[%rem3A_1508, %dma_start3A_1519, %multiple_of3A_1513] : memref<26x64x100000xf32, #tpu.memory_space<hbm>> -> memref<1x64x128xf32, #tpu.memory_space<hbm>>
        %dma_start3A_1521 = tpu.memref_squeeze %dma_start3A_1520 : memref<1x64x128xf32, #tpu.memory_space<hbm>> -> memref<64x128xf32, #tpu.memory_space<hbm>>
        %dma_start3A_1522 = arith.constant 0 : i32
        %dma_start3A_1523 = arith.constant 0 : i32
        %dma_start3A_1524 = tpu.memref_slice %arg7[%dma_start3A_1514, %dma_start3A_1522, %dma_start3A_1523] : memref<13x64x128xf32, #tpu.memory_space<vmem>> -> memref<1x64x128xf32, #tpu.memory_space<vmem>>
        %dma_start3A_1525 = tpu.memref_squeeze %dma_start3A_1524 : memref<1x64x128xf32, #tpu.memory_space<vmem>> -> memref<64x128xf32, #tpu.memory_space<vmem>>
        %dma_start3A_1526 = arith.constant 0 : i32
        %dma_start3A_1527 = tpu.memref_slice %arg3[%rem3A_1508, %dma_start3A_1526, %multiple_of3A_1513] : memref<26x64x100000xf32, #tpu.memory_space<hbm>> -> memref<1x64x128xf32, #tpu.memory_space<hbm>>
        %dma_start3A_1528 = tpu.memref_squeeze %dma_start3A_1527 : memref<1x64x128xf32, #tpu.memory_space<hbm>> -> memref<64x128xf32, #tpu.memory_space<hbm>>
        tpu.enqueue_dma source(%dma_start3A_1528 : memref<64x128xf32, #tpu.memory_space<hbm>>) target(%dma_start3A_1525 : memref<64x128xf32, #tpu.memory_space<vmem>>) target_semaphore(%arg17 : memref<!tpu.dma_semaphore, #tpu.memory_space<semaphore_mem>>)
      } else {
      }
      %add3A_1173 = arith.constant 9 : i32
      %add3A_1174 = arith.addi %mul3A_424, %add3A_1173 : i32
      %dma_wait3A_1175 = arith.constant 0 : i32
      %dma_wait3A_1176 = arith.constant 9 : i32
      %dma_wait3A_1177 = arith.constant 0 : i32
      %dma_wait3A_1178 = arith.constant 0 : i32
      %dma_wait3A_1179 = tpu.memref_slice %arg7[%dma_wait3A_1176, %dma_wait3A_1177, %dma_wait3A_1178] : memref<13x64x128xf32, #tpu.memory_space<vmem>> -> memref<1x64x128xf32, #tpu.memory_space<vmem>>
      %dma_wait3A_1180 = tpu.memref_squeeze %dma_wait3A_1179 : memref<1x64x128xf32, #tpu.memory_space<vmem>> -> memref<64x128xf32, #tpu.memory_space<vmem>>
      %dma_wait3A_1181 = arith.constant 0 : i32
      %dma_wait3A_1182 = arith.constant 0 : i32
      %dma_wait3A_1183 = tpu.memref_slice %arg3[%dma_wait3A_1175, %dma_wait3A_1181, %dma_wait3A_1182] : memref<26x64x100000xf32, #tpu.memory_space<hbm>> -> memref<1x64x128xf32, #tpu.memory_space<hbm>>
      %dma_wait3A_1184 = tpu.memref_squeeze %dma_wait3A_1183 : memref<1x64x128xf32, #tpu.memory_space<hbm>> -> memref<64x128xf32, #tpu.memory_space<hbm>>
      %dma_wait3A_1185 = arith.constant 0 : i32
      %dma_wait3A_1186 = arith.constant 0 : i32
      %dma_wait3A_1187 = tpu.memref_slice %arg7[%dma_wait3A_1176, %dma_wait3A_1185, %dma_wait3A_1186] : memref<13x64x128xf32, #tpu.memory_space<vmem>> -> memref<1x64x128xf32, #tpu.memory_space<vmem>>
      %dma_wait3A_1188 = tpu.memref_squeeze %dma_wait3A_1187 : memref<1x64x128xf32, #tpu.memory_space<vmem>> -> memref<64x128xf32, #tpu.memory_space<vmem>>
      %dma_wait3A_1189 = arith.constant 0 : i32
      %dma_wait3A_1190 = arith.constant 0 : i32
      %dma_wait3A_1191 = tpu.memref_slice %arg3[%dma_wait3A_1175, %dma_wait3A_1189, %dma_wait3A_1190] : memref<26x64x100000xf32, #tpu.memory_space<hbm>> -> memref<1x64x128xf32, #tpu.memory_space<hbm>>
      %dma_wait3A_1192 = tpu.memref_squeeze %dma_wait3A_1191 : memref<1x64x128xf32, #tpu.memory_space<hbm>> -> memref<64x128xf32, #tpu.memory_space<hbm>>
      tpu.wait_dma2 semaphore(%arg18 : memref<!tpu.dma_semaphore, #tpu.memory_space<semaphore_mem>>) src(%dma_wait3A_1192 : memref<64x128xf32, #tpu.memory_space<hbm>>) dst(%dma_wait3A_1188 : memref<64x128xf32, #tpu.memory_space<vmem>>)
      %get3A_1193 = arith.index_cast %add3A_1174 : i32 to index
      %get3A_1194 = tpu.vector_load %arg5[%get3A_1193] {strides = array<i32>} : memref<848xi32, #tpu.memory_space<vmem>>, vector<16xi32>,
      %slice3A_1195 = vector.extract_strided_slice %get3A_1194 {offsets = [0], sizes = [1], strides = [1]} : vector<16xi32> to vector<1xi32>
      %squeeze3A_1196 = vector.extract %slice3A_1195[0] : i32 from vector<1xi32>
      %and3A_1197 = arith.constant 127 : i32
      %and3A_1198 = arith.andi %squeeze3A_1196, %and3A_1197 : i32
      %broadcast_in_dim3A_1199 = vector.broadcast %and3A_1198 : i32 to vector<16xi32>
      %gather3A_1200 = arith.constant 9 : i32
      %gather3A_1201 = arith.constant 0 : i32
      %gather3A_1202 = arith.constant 0 : i32
      %gather3A_1203 = tpu.memref_slice %arg7[%gather3A_1200, %gather3A_1201, %gather3A_1202] : memref<13x64x128xf32, #tpu.memory_space<vmem>> -> memref<1x64x128xf32, #tpu.memory_space<vmem>>
      %gather3A_1204 = tpu.memref_squeeze %gather3A_1203 : memref<1x64x128xf32, #tpu.memory_space<vmem>> -> memref<64x128xf32, #tpu.memory_space<vmem>>
      %gather3A_1205 = tpu.vector_load_idx %gather3A_1204[%add3A_5, %broadcast_in_dim3A_1199] : memref<64x128xf32, #tpu.memory_space<vmem>>[vector<16xi32>, vector<16xi32>], vector<16xf32>,
      %add3A_1206 = arith.constant 576 : i32
      %add3A_1207 = arith.addi %add3A_450, %add3A_1206 : i32
      %add3A_1208 = arith.constant 0 : i32
      %add3A_1209 = arith.addi %add3A_1207, %add3A_1208 : i32
      %swap3A_1210 = arith.index_cast %add3A_1209 : i32 to index
      %swap3A_1211 = tpu.vector_load %arg6[%swap3A_1210] {strides = array<i32>} : memref<6656xf32, #tpu.memory_space<vmem>>, vector<16xf32>,
      tpu.vector_store %arg6[%swap3A_1210], %gather3A_1205 {strides = array<i32>} : memref<6656xf32, #tpu.memory_space<vmem>>, vector<16xf32>,
      %gather3A_1212 = arith.constant 9 : i32
      %gather3A_1213 = arith.constant 0 : i32
      %gather3A_1214 = arith.constant 0 : i32
      %gather3A_1215 = tpu.memref_slice %arg7[%gather3A_1212, %gather3A_1213, %gather3A_1214] : memref<13x64x128xf32, #tpu.memory_space<vmem>> -> memref<1x64x128xf32, #tpu.memory_space<vmem>>
      %gather3A_1216 = tpu.memref_squeeze %gather3A_1215 : memref<1x64x128xf32, #tpu.memory_space<vmem>> -> memref<64x128xf32, #tpu.memory_space<vmem>>
      %gather3A_1217 = tpu.vector_load_idx %gather3A_1216[%add3A_9, %broadcast_in_dim3A_1199] : memref<64x128xf32, #tpu.memory_space<vmem>>[vector<16xi32>, vector<16xi32>], vector<16xf32>,
      %add3A_1218 = arith.constant 576 : i32
      %add3A_1219 = arith.addi %add3A_450, %add3A_1218 : i32
      %add3A_1220 = arith.constant 16 : i32
      %add3A_1221 = arith.addi %add3A_1219, %add3A_1220 : i32
      %swap3A_1222 = arith.index_cast %add3A_1221 : i32 to index
      %swap3A_1223 = tpu.vector_load %arg6[%swap3A_1222] {strides = array<i32>} : memref<6656xf32, #tpu.memory_space<vmem>>, vector<16xf32>,
      tpu.vector_store %arg6[%swap3A_1222], %gather3A_1217 {strides = array<i32>} : memref<6656xf32, #tpu.memory_space<vmem>>, vector<16xf32>,
      %gather3A_1224 = arith.constant 9 : i32
      %gather3A_1225 = arith.constant 0 : i32
      %gather3A_1226 = arith.constant 0 : i32
      %gather3A_1227 = tpu.memref_slice %arg7[%gather3A_1224, %gather3A_1225, %gather3A_1226] : memref<13x64x128xf32, #tpu.memory_space<vmem>> -> memref<1x64x128xf32, #tpu.memory_space<vmem>>
      %gather3A_1228 = tpu.memref_squeeze %gather3A_1227 : memref<1x64x128xf32, #tpu.memory_space<vmem>> -> memref<64x128xf32, #tpu.memory_space<vmem>>
      %gather3A_1229 = tpu.vector_load_idx %gather3A_1228[%add3A_13, %broadcast_in_dim3A_1199] : memref<64x128xf32, #tpu.memory_space<vmem>>[vector<16xi32>, vector<16xi32>], vector<16xf32>,
      %add3A_1230 = arith.constant 576 : i32
      %add3A_1231 = arith.addi %add3A_450, %add3A_1230 : i32
      %add3A_1232 = arith.constant 32 : i32
      %add3A_1233 = arith.addi %add3A_1231, %add3A_1232 : i32
      %swap3A_1234 = arith.index_cast %add3A_1233 : i32 to index
      %swap3A_1235 = tpu.vector_load %arg6[%swap3A_1234] {strides = array<i32>} : memref<6656xf32, #tpu.memory_space<vmem>>, vector<16xf32>,
      tpu.vector_store %arg6[%swap3A_1234], %gather3A_1229 {strides = array<i32>} : memref<6656xf32, #tpu.memory_space<vmem>>, vector<16xf32>,
      %gather3A_1236 = arith.constant 9 : i32
      %gather3A_1237 = arith.constant 0 : i32
      %gather3A_1238 = arith.constant 0 : i32
      %gather3A_1239 = tpu.memref_slice %arg7[%gather3A_1236, %gather3A_1237, %gather3A_1238] : memref<13x64x128xf32, #tpu.memory_space<vmem>> -> memref<1x64x128xf32, #tpu.memory_space<vmem>>
      %gather3A_1240 = tpu.memref_squeeze %gather3A_1239 : memref<1x64x128xf32, #tpu.memory_space<vmem>> -> memref<64x128xf32, #tpu.memory_space<vmem>>
      %gather3A_1241 = tpu.vector_load_idx %gather3A_1240[%add3A_17, %broadcast_in_dim3A_1199] : memref<64x128xf32, #tpu.memory_space<vmem>>[vector<16xi32>, vector<16xi32>], vector<16xf32>,
      %add3A_1242 = arith.constant 576 : i32
      %add3A_1243 = arith.addi %add3A_450, %add3A_1242 : i32
      %add3A_1244 = arith.constant 48 : i32
      %add3A_1245 = arith.addi %add3A_1243, %add3A_1244 : i32
      %swap3A_1246 = arith.index_cast %add3A_1245 : i32 to index
      %swap3A_1247 = tpu.vector_load %arg6[%swap3A_1246] {strides = array<i32>} : memref<6656xf32, #tpu.memory_space<vmem>>, vector<16xf32>,
      tpu.vector_store %arg6[%swap3A_1246], %gather3A_1241 {strides = array<i32>} : memref<6656xf32, #tpu.memory_space<vmem>>, vector<16xf32>,
      %lt3A_1248 = arith.constant 63 : i32
      %lt3A_1249 = arith.cmpi slt, %scan3A_422, %lt3A_1248 : i32
      %convert_element_type3A_1250 = arith.extui %lt3A_1249 : i1 to i32
      %cond3A_1251 = arith.constant 0 : i32
      %cond3A_1252 = arith.cmpi ne, %convert_element_type3A_1250, %cond3A_1251 : i32
      scf.if %cond3A_1252 {
        %add3A_1500 = arith.constant 13 : i32
        %add3A_1501 = arith.addi %add3A_1174, %add3A_1500 : i32
        %get3A_1502 = arith.index_cast %add3A_1501 : i32 to index
        %get3A_1503 = tpu.vector_load %arg5[%get3A_1502] {strides = array<i32>} : memref<848xi32, #tpu.memory_space<vmem>>, vector<16xi32>,
        %slice3A_1504 = vector.extract_strided_slice %get3A_1503 {offsets = [0], sizes = [1], strides = [1]} : vector<16xi32> to vector<1xi32>
        %squeeze3A_1505 = vector.extract %slice3A_1504[0] : i32 from vector<1xi32>
        %add3A_1506 = arith.addi %mul3A_2, %add3A_1501 : i32
        %rem3A_1507 = arith.constant 26 : i32
        %rem3A_1508 = arith.remsi %add3A_1506, %rem3A_1507 : i32
        %shift_right_arithmetic3A_1509 = arith.constant 7 : i32
        %shift_right_arithmetic3A_1510 = arith.shrsi %squeeze3A_1505, %shift_right_arithmetic3A_1509 : i32
        %shift_left3A_1511 = arith.constant 7 : i32
        %shift_left3A_1512 = arith.shli %shift_right_arithmetic3A_1510, %shift_left3A_1511 : i32
        %multiple_of3A_1513 = tpu.assume_multiple %shift_left3A_1512, 128 : i32
        %dma_start3A_1514 = arith.constant 9 : i32
        %dma_start3A_1515 = arith.constant 0 : i32
        %dma_start3A_1516 = arith.constant 0 : i32
        %dma_start3A_1517 = tpu.memref_slice %arg7[%dma_start3A_1514, %dma_start3A_1515, %dma_start3A_1516] : memref<13x64x128xf32, #tpu.memory_space<vmem>> -> memref<1x64x128xf32, #tpu.memory_space<vmem>>
        %dma_start3A_1518 = tpu.memref_squeeze %dma_start3A_1517 : memref<1x64x128xf32, #tpu.memory_space<vmem>> -> memref<64x128xf32, #tpu.memory_space<vmem>>
        %dma_start3A_1519 = arith.constant 0 : i32
        %dma_start3A_1520 = tpu.memref_slice %arg3[%rem3A_1508, %dma_start3A_1519, %multiple_of3A_1513] : memref<26x64x100000xf32, #tpu.memory_space<hbm>> -> memref<1x64x128xf32, #tpu.memory_space<hbm>>
        %dma_start3A_1521 = tpu.memref_squeeze %dma_start3A_1520 : memref<1x64x128xf32, #tpu.memory_space<hbm>> -> memref<64x128xf32, #tpu.memory_space<hbm>>
        %dma_start3A_1522 = arith.constant 0 : i32
        %dma_start3A_1523 = arith.constant 0 : i32
        %dma_start3A_1524 = tpu.memref_slice %arg7[%dma_start3A_1514, %dma_start3A_1522, %dma_start3A_1523] : memref<13x64x128xf32, #tpu.memory_space<vmem>> -> memref<1x64x128xf32, #tpu.memory_space<vmem>>
        %dma_start3A_1525 = tpu.memref_squeeze %dma_start3A_1524 : memref<1x64x128xf32, #tpu.memory_space<vmem>> -> memref<64x128xf32, #tpu.memory_space<vmem>>
        %dma_start3A_1526 = arith.constant 0 : i32
        %dma_start3A_1527 = tpu.memref_slice %arg3[%rem3A_1508, %dma_start3A_1526, %multiple_of3A_1513] : memref<26x64x100000xf32, #tpu.memory_space<hbm>> -> memref<1x64x128xf32, #tpu.memory_space<hbm>>
        %dma_start3A_1528 = tpu.memref_squeeze %dma_start3A_1527 : memref<1x64x128xf32, #tpu.memory_space<hbm>> -> memref<64x128xf32, #tpu.memory_space<hbm>>
        tpu.enqueue_dma source(%dma_start3A_1528 : memref<64x128xf32, #tpu.memory_space<hbm>>) target(%dma_start3A_1525 : memref<64x128xf32, #tpu.memory_space<vmem>>) target_semaphore(%arg18 : memref<!tpu.dma_semaphore, #tpu.memory_space<semaphore_mem>>)
      } else {
      }
      %add3A_1253 = arith.constant 10 : i32
      %add3A_1254 = arith.addi %mul3A_424, %add3A_1253 : i32
      %dma_wait3A_1255 = arith.constant 0 : i32
      %dma_wait3A_1256 = arith.constant 10 : i32
      %dma_wait3A_1257 = arith.constant 0 : i32
      %dma_wait3A_1258 = arith.constant 0 : i32
      %dma_wait3A_1259 = tpu.memref_slice %arg7[%dma_wait3A_1256, %dma_wait3A_1257, %dma_wait3A_1258] : memref<13x64x128xf32, #tpu.memory_space<vmem>> -> memref<1x64x128xf32, #tpu.memory_space<vmem>>
      %dma_wait3A_1260 = tpu.memref_squeeze %dma_wait3A_1259 : memref<1x64x128xf32, #tpu.memory_space<vmem>> -> memref<64x128xf32, #tpu.memory_space<vmem>>
      %dma_wait3A_1261 = arith.constant 0 : i32
      %dma_wait3A_1262 = arith.constant 0 : i32
      %dma_wait3A_1263 = tpu.memref_slice %arg3[%dma_wait3A_1255, %dma_wait3A_1261, %dma_wait3A_1262] : memref<26x64x100000xf32, #tpu.memory_space<hbm>> -> memref<1x64x128xf32, #tpu.memory_space<hbm>>
      %dma_wait3A_1264 = tpu.memref_squeeze %dma_wait3A_1263 : memref<1x64x128xf32, #tpu.memory_space<hbm>> -> memref<64x128xf32, #tpu.memory_space<hbm>>
      %dma_wait3A_1265 = arith.constant 0 : i32
      %dma_wait3A_1266 = arith.constant 0 : i32
      %dma_wait3A_1267 = tpu.memref_slice %arg7[%dma_wait3A_1256, %dma_wait3A_1265, %dma_wait3A_1266] : memref<13x64x128xf32, #tpu.memory_space<vmem>> -> memref<1x64x128xf32, #tpu.memory_space<vmem>>
      %dma_wait3A_1268 = tpu.memref_squeeze %dma_wait3A_1267 : memref<1x64x128xf32, #tpu.memory_space<vmem>> -> memref<64x128xf32, #tpu.memory_space<vmem>>
      %dma_wait3A_1269 = arith.constant 0 : i32
      %dma_wait3A_1270 = arith.constant 0 : i32
      %dma_wait3A_1271 = tpu.memref_slice %arg3[%dma_wait3A_1255, %dma_wait3A_1269, %dma_wait3A_1270] : memref<26x64x100000xf32, #tpu.memory_space<hbm>> -> memref<1x64x128xf32, #tpu.memory_space<hbm>>
      %dma_wait3A_1272 = tpu.memref_squeeze %dma_wait3A_1271 : memref<1x64x128xf32, #tpu.memory_space<hbm>> -> memref<64x128xf32, #tpu.memory_space<hbm>>
      tpu.wait_dma2 semaphore(%arg19 : memref<!tpu.dma_semaphore, #tpu.memory_space<semaphore_mem>>) src(%dma_wait3A_1272 : memref<64x128xf32, #tpu.memory_space<hbm>>) dst(%dma_wait3A_1268 : memref<64x128xf32, #tpu.memory_space<vmem>>)
      %get3A_1273 = arith.index_cast %add3A_1254 : i32 to index
      %get3A_1274 = tpu.vector_load %arg5[%get3A_1273] {strides = array<i32>} : memref<848xi32, #tpu.memory_space<vmem>>, vector<16xi32>,
      %slice3A_1275 = vector.extract_strided_slice %get3A_1274 {offsets = [0], sizes = [1], strides = [1]} : vector<16xi32> to vector<1xi32>
      %squeeze3A_1276 = vector.extract %slice3A_1275[0] : i32 from vector<1xi32>
      %and3A_1277 = arith.constant 127 : i32
      %and3A_1278 = arith.andi %squeeze3A_1276, %and3A_1277 : i32
      %broadcast_in_dim3A_1279 = vector.broadcast %and3A_1278 : i32 to vector<16xi32>
      %gather3A_1280 = arith.constant 10 : i32
      %gather3A_1281 = arith.constant 0 : i32
      %gather3A_1282 = arith.constant 0 : i32
      %gather3A_1283 = tpu.memref_slice %arg7[%gather3A_1280, %gather3A_1281, %gather3A_1282] : memref<13x64x128xf32, #tpu.memory_space<vmem>> -> memref<1x64x128xf32, #tpu.memory_space<vmem>>
      %gather3A_1284 = tpu.memref_squeeze %gather3A_1283 : memref<1x64x128xf32, #tpu.memory_space<vmem>> -> memref<64x128xf32, #tpu.memory_space<vmem>>
      %gather3A_1285 = tpu.vector_load_idx %gather3A_1284[%add3A_5, %broadcast_in_dim3A_1279] : memref<64x128xf32, #tpu.memory_space<vmem>>[vector<16xi32>, vector<16xi32>], vector<16xf32>,
      %add3A_1286 = arith.constant 640 : i32
      %add3A_1287 = arith.addi %add3A_450, %add3A_1286 : i32
      %add3A_1288 = arith.constant 0 : i32
      %add3A_1289 = arith.addi %add3A_1287, %add3A_1288 : i32
      %swap3A_1290 = arith.index_cast %add3A_1289 : i32 to index
      %swap3A_1291 = tpu.vector_load %arg6[%swap3A_1290] {strides = array<i32>} : memref<6656xf32, #tpu.memory_space<vmem>>, vector<16xf32>,
      tpu.vector_store %arg6[%swap3A_1290], %gather3A_1285 {strides = array<i32>} : memref<6656xf32, #tpu.memory_space<vmem>>, vector<16xf32>,
      %gather3A_1292 = arith.constant 10 : i32
      %gather3A_1293 = arith.constant 0 : i32
      %gather3A_1294 = arith.constant 0 : i32
      %gather3A_1295 = tpu.memref_slice %arg7[%gather3A_1292, %gather3A_1293, %gather3A_1294] : memref<13x64x128xf32, #tpu.memory_space<vmem>> -> memref<1x64x128xf32, #tpu.memory_space<vmem>>
      %gather3A_1296 = tpu.memref_squeeze %gather3A_1295 : memref<1x64x128xf32, #tpu.memory_space<vmem>> -> memref<64x128xf32, #tpu.memory_space<vmem>>
      %gather3A_1297 = tpu.vector_load_idx %gather3A_1296[%add3A_9, %broadcast_in_dim3A_1279] : memref<64x128xf32, #tpu.memory_space<vmem>>[vector<16xi32>, vector<16xi32>], vector<16xf32>,
      %add3A_1298 = arith.constant 640 : i32
      %add3A_1299 = arith.addi %add3A_450, %add3A_1298 : i32
      %add3A_1300 = arith.constant 16 : i32
      %add3A_1301 = arith.addi %add3A_1299, %add3A_1300 : i32
      %swap3A_1302 = arith.index_cast %add3A_1301 : i32 to index
      %swap3A_1303 = tpu.vector_load %arg6[%swap3A_1302] {strides = array<i32>} : memref<6656xf32, #tpu.memory_space<vmem>>, vector<16xf32>,
      tpu.vector_store %arg6[%swap3A_1302], %gather3A_1297 {strides = array<i32>} : memref<6656xf32, #tpu.memory_space<vmem>>, vector<16xf32>,
      %gather3A_1304 = arith.constant 10 : i32
      %gather3A_1305 = arith.constant 0 : i32
      %gather3A_1306 = arith.constant 0 : i32
      %gather3A_1307 = tpu.memref_slice %arg7[%gather3A_1304, %gather3A_1305, %gather3A_1306] : memref<13x64x128xf32, #tpu.memory_space<vmem>> -> memref<1x64x128xf32, #tpu.memory_space<vmem>>
      %gather3A_1308 = tpu.memref_squeeze %gather3A_1307 : memref<1x64x128xf32, #tpu.memory_space<vmem>> -> memref<64x128xf32, #tpu.memory_space<vmem>>
      %gather3A_1309 = tpu.vector_load_idx %gather3A_1308[%add3A_13, %broadcast_in_dim3A_1279] : memref<64x128xf32, #tpu.memory_space<vmem>>[vector<16xi32>, vector<16xi32>], vector<16xf32>,
      %add3A_1310 = arith.constant 640 : i32
      %add3A_1311 = arith.addi %add3A_450, %add3A_1310 : i32
      %add3A_1312 = arith.constant 32 : i32
      %add3A_1313 = arith.addi %add3A_1311, %add3A_1312 : i32
      %swap3A_1314 = arith.index_cast %add3A_1313 : i32 to index
      %swap3A_1315 = tpu.vector_load %arg6[%swap3A_1314] {strides = array<i32>} : memref<6656xf32, #tpu.memory_space<vmem>>, vector<16xf32>,
      tpu.vector_store %arg6[%swap3A_1314], %gather3A_1309 {strides = array<i32>} : memref<6656xf32, #tpu.memory_space<vmem>>, vector<16xf32>,
      %gather3A_1316 = arith.constant 10 : i32
      %gather3A_1317 = arith.constant 0 : i32
      %gather3A_1318 = arith.constant 0 : i32
      %gather3A_1319 = tpu.memref_slice %arg7[%gather3A_1316, %gather3A_1317, %gather3A_1318] : memref<13x64x128xf32, #tpu.memory_space<vmem>> -> memref<1x64x128xf32, #tpu.memory_space<vmem>>
      %gather3A_1320 = tpu.memref_squeeze %gather3A_1319 : memref<1x64x128xf32, #tpu.memory_space<vmem>> -> memref<64x128xf32, #tpu.memory_space<vmem>>
      %gather3A_1321 = tpu.vector_load_idx %gather3A_1320[%add3A_17, %broadcast_in_dim3A_1279] : memref<64x128xf32, #tpu.memory_space<vmem>>[vector<16xi32>, vector<16xi32>], vector<16xf32>,
      %add3A_1322 = arith.constant 640 : i32
      %add3A_1323 = arith.addi %add3A_450, %add3A_1322 : i32
      %add3A_1324 = arith.constant 48 : i32
      %add3A_1325 = arith.addi %add3A_1323, %add3A_1324 : i32
      %swap3A_1326 = arith.index_cast %add3A_1325 : i32 to index
      %swap3A_1327 = tpu.vector_load %arg6[%swap3A_1326] {strides = array<i32>} : memref<6656xf32, #tpu.memory_space<vmem>>, vector<16xf32>,
      tpu.vector_store %arg6[%swap3A_1326], %gather3A_1321 {strides = array<i32>} : memref<6656xf32, #tpu.memory_space<vmem>>, vector<16xf32>,
      %lt3A_1328 = arith.constant 63 : i32
      %lt3A_1329 = arith.cmpi slt, %scan3A_422, %lt3A_1328 : i32
      %convert_element_type3A_1330 = arith.extui %lt3A_1329 : i1 to i32
      %cond3A_1331 = arith.constant 0 : i32
      %cond3A_1332 = arith.cmpi ne, %convert_element_type3A_1330, %cond3A_1331 : i32
      scf.if %cond3A_1332 {
        %add3A_1500 = arith.constant 13 : i32
        %add3A_1501 = arith.addi %add3A_1254, %add3A_1500 : i32
        %get3A_1502 = arith.index_cast %add3A_1501 : i32 to index
        %get3A_1503 = tpu.vector_load %arg5[%get3A_1502] {strides = array<i32>} : memref<848xi32, #tpu.memory_space<vmem>>, vector<16xi32>,
        %slice3A_1504 = vector.extract_strided_slice %get3A_1503 {offsets = [0], sizes = [1], strides = [1]} : vector<16xi32> to vector<1xi32>
        %squeeze3A_1505 = vector.extract %slice3A_1504[0] : i32 from vector<1xi32>
        %add3A_1506 = arith.addi %mul3A_2, %add3A_1501 : i32
        %rem3A_1507 = arith.constant 26 : i32
        %rem3A_1508 = arith.remsi %add3A_1506, %rem3A_1507 : i32
        %shift_right_arithmetic3A_1509 = arith.constant 7 : i32
        %shift_right_arithmetic3A_1510 = arith.shrsi %squeeze3A_1505, %shift_right_arithmetic3A_1509 : i32
        %shift_left3A_1511 = arith.constant 7 : i32
        %shift_left3A_1512 = arith.shli %shift_right_arithmetic3A_1510, %shift_left3A_1511 : i32
        %multiple_of3A_1513 = tpu.assume_multiple %shift_left3A_1512, 128 : i32
        %dma_start3A_1514 = arith.constant 10 : i32
        %dma_start3A_1515 = arith.constant 0 : i32
        %dma_start3A_1516 = arith.constant 0 : i32
        %dma_start3A_1517 = tpu.memref_slice %arg7[%dma_start3A_1514, %dma_start3A_1515, %dma_start3A_1516] : memref<13x64x128xf32, #tpu.memory_space<vmem>> -> memref<1x64x128xf32, #tpu.memory_space<vmem>>
        %dma_start3A_1518 = tpu.memref_squeeze %dma_start3A_1517 : memref<1x64x128xf32, #tpu.memory_space<vmem>> -> memref<64x128xf32, #tpu.memory_space<vmem>>
        %dma_start3A_1519 = arith.constant 0 : i32
        %dma_start3A_1520 = tpu.memref_slice %arg3[%rem3A_1508, %dma_start3A_1519, %multiple_of3A_1513] : memref<26x64x100000xf32, #tpu.memory_space<hbm>> -> memref<1x64x128xf32, #tpu.memory_space<hbm>>
        %dma_start3A_1521 = tpu.memref_squeeze %dma_start3A_1520 : memref<1x64x128xf32, #tpu.memory_space<hbm>> -> memref<64x128xf32, #tpu.memory_space<hbm>>
        %dma_start3A_1522 = arith.constant 0 : i32
        %dma_start3A_1523 = arith.constant 0 : i32
        %dma_start3A_1524 = tpu.memref_slice %arg7[%dma_start3A_1514, %dma_start3A_1522, %dma_start3A_1523] : memref<13x64x128xf32, #tpu.memory_space<vmem>> -> memref<1x64x128xf32, #tpu.memory_space<vmem>>
        %dma_start3A_1525 = tpu.memref_squeeze %dma_start3A_1524 : memref<1x64x128xf32, #tpu.memory_space<vmem>> -> memref<64x128xf32, #tpu.memory_space<vmem>>
        %dma_start3A_1526 = arith.constant 0 : i32
        %dma_start3A_1527 = tpu.memref_slice %arg3[%rem3A_1508, %dma_start3A_1526, %multiple_of3A_1513] : memref<26x64x100000xf32, #tpu.memory_space<hbm>> -> memref<1x64x128xf32, #tpu.memory_space<hbm>>
        %dma_start3A_1528 = tpu.memref_squeeze %dma_start3A_1527 : memref<1x64x128xf32, #tpu.memory_space<hbm>> -> memref<64x128xf32, #tpu.memory_space<hbm>>
        tpu.enqueue_dma source(%dma_start3A_1528 : memref<64x128xf32, #tpu.memory_space<hbm>>) target(%dma_start3A_1525 : memref<64x128xf32, #tpu.memory_space<vmem>>) target_semaphore(%arg19 : memref<!tpu.dma_semaphore, #tpu.memory_space<semaphore_mem>>)
      } else {
      }
      %add3A_1333 = arith.constant 11 : i32
      %add3A_1334 = arith.addi %mul3A_424, %add3A_1333 : i32
      %dma_wait3A_1335 = arith.constant 0 : i32
      %dma_wait3A_1336 = arith.constant 11 : i32
      %dma_wait3A_1337 = arith.constant 0 : i32
      %dma_wait3A_1338 = arith.constant 0 : i32
      %dma_wait3A_1339 = tpu.memref_slice %arg7[%dma_wait3A_1336, %dma_wait3A_1337, %dma_wait3A_1338] : memref<13x64x128xf32, #tpu.memory_space<vmem>> -> memref<1x64x128xf32, #tpu.memory_space<vmem>>
      %dma_wait3A_1340 = tpu.memref_squeeze %dma_wait3A_1339 : memref<1x64x128xf32, #tpu.memory_space<vmem>> -> memref<64x128xf32, #tpu.memory_space<vmem>>
      %dma_wait3A_1341 = arith.constant 0 : i32
      %dma_wait3A_1342 = arith.constant 0 : i32
      %dma_wait3A_1343 = tpu.memref_slice %arg3[%dma_wait3A_1335, %dma_wait3A_1341, %dma_wait3A_1342] : memref<26x64x100000xf32, #tpu.memory_space<hbm>> -> memref<1x64x128xf32, #tpu.memory_space<hbm>>
      %dma_wait3A_1344 = tpu.memref_squeeze %dma_wait3A_1343 : memref<1x64x128xf32, #tpu.memory_space<hbm>> -> memref<64x128xf32, #tpu.memory_space<hbm>>
      %dma_wait3A_1345 = arith.constant 0 : i32
      %dma_wait3A_1346 = arith.constant 0 : i32
      %dma_wait3A_1347 = tpu.memref_slice %arg7[%dma_wait3A_1336, %dma_wait3A_1345, %dma_wait3A_1346] : memref<13x64x128xf32, #tpu.memory_space<vmem>> -> memref<1x64x128xf32, #tpu.memory_space<vmem>>
      %dma_wait3A_1348 = tpu.memref_squeeze %dma_wait3A_1347 : memref<1x64x128xf32, #tpu.memory_space<vmem>> -> memref<64x128xf32, #tpu.memory_space<vmem>>
      %dma_wait3A_1349 = arith.constant 0 : i32
      %dma_wait3A_1350 = arith.constant 0 : i32
      %dma_wait3A_1351 = tpu.memref_slice %arg3[%dma_wait3A_1335, %dma_wait3A_1349, %dma_wait3A_1350] : memref<26x64x100000xf32, #tpu.memory_space<hbm>> -> memref<1x64x128xf32, #tpu.memory_space<hbm>>
      %dma_wait3A_1352 = tpu.memref_squeeze %dma_wait3A_1351 : memref<1x64x128xf32, #tpu.memory_space<hbm>> -> memref<64x128xf32, #tpu.memory_space<hbm>>
      tpu.wait_dma2 semaphore(%arg20 : memref<!tpu.dma_semaphore, #tpu.memory_space<semaphore_mem>>) src(%dma_wait3A_1352 : memref<64x128xf32, #tpu.memory_space<hbm>>) dst(%dma_wait3A_1348 : memref<64x128xf32, #tpu.memory_space<vmem>>)
      %get3A_1353 = arith.index_cast %add3A_1334 : i32 to index
      %get3A_1354 = tpu.vector_load %arg5[%get3A_1353] {strides = array<i32>} : memref<848xi32, #tpu.memory_space<vmem>>, vector<16xi32>,
      %slice3A_1355 = vector.extract_strided_slice %get3A_1354 {offsets = [0], sizes = [1], strides = [1]} : vector<16xi32> to vector<1xi32>
      %squeeze3A_1356 = vector.extract %slice3A_1355[0] : i32 from vector<1xi32>
      %and3A_1357 = arith.constant 127 : i32
      %and3A_1358 = arith.andi %squeeze3A_1356, %and3A_1357 : i32
      %broadcast_in_dim3A_1359 = vector.broadcast %and3A_1358 : i32 to vector<16xi32>
      %gather3A_1360 = arith.constant 11 : i32
      %gather3A_1361 = arith.constant 0 : i32
      %gather3A_1362 = arith.constant 0 : i32
      %gather3A_1363 = tpu.memref_slice %arg7[%gather3A_1360, %gather3A_1361, %gather3A_1362] : memref<13x64x128xf32, #tpu.memory_space<vmem>> -> memref<1x64x128xf32, #tpu.memory_space<vmem>>
      %gather3A_1364 = tpu.memref_squeeze %gather3A_1363 : memref<1x64x128xf32, #tpu.memory_space<vmem>> -> memref<64x128xf32, #tpu.memory_space<vmem>>
      %gather3A_1365 = tpu.vector_load_idx %gather3A_1364[%add3A_5, %broadcast_in_dim3A_1359] : memref<64x128xf32, #tpu.memory_space<vmem>>[vector<16xi32>, vector<16xi32>], vector<16xf32>,
      %add3A_1366 = arith.constant 704 : i32
      %add3A_1367 = arith.addi %add3A_450, %add3A_1366 : i32
      %add3A_1368 = arith.constant 0 : i32
      %add3A_1369 = arith.addi %add3A_1367, %add3A_1368 : i32
      %swap3A_1370 = arith.index_cast %add3A_1369 : i32 to index
      %swap3A_1371 = tpu.vector_load %arg6[%swap3A_1370] {strides = array<i32>} : memref<6656xf32, #tpu.memory_space<vmem>>, vector<16xf32>,
      tpu.vector_store %arg6[%swap3A_1370], %gather3A_1365 {strides = array<i32>} : memref<6656xf32, #tpu.memory_space<vmem>>, vector<16xf32>,
      %gather3A_1372 = arith.constant 11 : i32
      %gather3A_1373 = arith.constant 0 : i32
      %gather3A_1374 = arith.constant 0 : i32
      %gather3A_1375 = tpu.memref_slice %arg7[%gather3A_1372, %gather3A_1373, %gather3A_1374] : memref<13x64x128xf32, #tpu.memory_space<vmem>> -> memref<1x64x128xf32, #tpu.memory_space<vmem>>
      %gather3A_1376 = tpu.memref_squeeze %gather3A_1375 : memref<1x64x128xf32, #tpu.memory_space<vmem>> -> memref<64x128xf32, #tpu.memory_space<vmem>>
      %gather3A_1377 = tpu.vector_load_idx %gather3A_1376[%add3A_9, %broadcast_in_dim3A_1359] : memref<64x128xf32, #tpu.memory_space<vmem>>[vector<16xi32>, vector<16xi32>], vector<16xf32>,
      %add3A_1378 = arith.constant 704 : i32
      %add3A_1379 = arith.addi %add3A_450, %add3A_1378 : i32
      %add3A_1380 = arith.constant 16 : i32
      %add3A_1381 = arith.addi %add3A_1379, %add3A_1380 : i32
      %swap3A_1382 = arith.index_cast %add3A_1381 : i32 to index
      %swap3A_1383 = tpu.vector_load %arg6[%swap3A_1382] {strides = array<i32>} : memref<6656xf32, #tpu.memory_space<vmem>>, vector<16xf32>,
      tpu.vector_store %arg6[%swap3A_1382], %gather3A_1377 {strides = array<i32>} : memref<6656xf32, #tpu.memory_space<vmem>>, vector<16xf32>,
      %gather3A_1384 = arith.constant 11 : i32
      %gather3A_1385 = arith.constant 0 : i32
      %gather3A_1386 = arith.constant 0 : i32
      %gather3A_1387 = tpu.memref_slice %arg7[%gather3A_1384, %gather3A_1385, %gather3A_1386] : memref<13x64x128xf32, #tpu.memory_space<vmem>> -> memref<1x64x128xf32, #tpu.memory_space<vmem>>
      %gather3A_1388 = tpu.memref_squeeze %gather3A_1387 : memref<1x64x128xf32, #tpu.memory_space<vmem>> -> memref<64x128xf32, #tpu.memory_space<vmem>>
      %gather3A_1389 = tpu.vector_load_idx %gather3A_1388[%add3A_13, %broadcast_in_dim3A_1359] : memref<64x128xf32, #tpu.memory_space<vmem>>[vector<16xi32>, vector<16xi32>], vector<16xf32>,
      %add3A_1390 = arith.constant 704 : i32
      %add3A_1391 = arith.addi %add3A_450, %add3A_1390 : i32
      %add3A_1392 = arith.constant 32 : i32
      %add3A_1393 = arith.addi %add3A_1391, %add3A_1392 : i32
      %swap3A_1394 = arith.index_cast %add3A_1393 : i32 to index
      %swap3A_1395 = tpu.vector_load %arg6[%swap3A_1394] {strides = array<i32>} : memref<6656xf32, #tpu.memory_space<vmem>>, vector<16xf32>,
      tpu.vector_store %arg6[%swap3A_1394], %gather3A_1389 {strides = array<i32>} : memref<6656xf32, #tpu.memory_space<vmem>>, vector<16xf32>,
      %gather3A_1396 = arith.constant 11 : i32
      %gather3A_1397 = arith.constant 0 : i32
      %gather3A_1398 = arith.constant 0 : i32
      %gather3A_1399 = tpu.memref_slice %arg7[%gather3A_1396, %gather3A_1397, %gather3A_1398] : memref<13x64x128xf32, #tpu.memory_space<vmem>> -> memref<1x64x128xf32, #tpu.memory_space<vmem>>
      %gather3A_1400 = tpu.memref_squeeze %gather3A_1399 : memref<1x64x128xf32, #tpu.memory_space<vmem>> -> memref<64x128xf32, #tpu.memory_space<vmem>>
      %gather3A_1401 = tpu.vector_load_idx %gather3A_1400[%add3A_17, %broadcast_in_dim3A_1359] : memref<64x128xf32, #tpu.memory_space<vmem>>[vector<16xi32>, vector<16xi32>], vector<16xf32>,
      %add3A_1402 = arith.constant 704 : i32
      %add3A_1403 = arith.addi %add3A_450, %add3A_1402 : i32
      %add3A_1404 = arith.constant 48 : i32
      %add3A_1405 = arith.addi %add3A_1403, %add3A_1404 : i32
      %swap3A_1406 = arith.index_cast %add3A_1405 : i32 to index
      %swap3A_1407 = tpu.vector_load %arg6[%swap3A_1406] {strides = array<i32>} : memref<6656xf32, #tpu.memory_space<vmem>>, vector<16xf32>,
      tpu.vector_store %arg6[%swap3A_1406], %gather3A_1401 {strides = array<i32>} : memref<6656xf32, #tpu.memory_space<vmem>>, vector<16xf32>,
      %lt3A_1408 = arith.constant 63 : i32
      %lt3A_1409 = arith.cmpi slt, %scan3A_422, %lt3A_1408 : i32
      %convert_element_type3A_1410 = arith.extui %lt3A_1409 : i1 to i32
      %cond3A_1411 = arith.constant 0 : i32
      %cond3A_1412 = arith.cmpi ne, %convert_element_type3A_1410, %cond3A_1411 : i32
      scf.if %cond3A_1412 {
        %add3A_1500 = arith.constant 13 : i32
        %add3A_1501 = arith.addi %add3A_1334, %add3A_1500 : i32
        %get3A_1502 = arith.index_cast %add3A_1501 : i32 to index
        %get3A_1503 = tpu.vector_load %arg5[%get3A_1502] {strides = array<i32>} : memref<848xi32, #tpu.memory_space<vmem>>, vector<16xi32>,
        %slice3A_1504 = vector.extract_strided_slice %get3A_1503 {offsets = [0], sizes = [1], strides = [1]} : vector<16xi32> to vector<1xi32>
        %squeeze3A_1505 = vector.extract %slice3A_1504[0] : i32 from vector<1xi32>
        %add3A_1506 = arith.addi %mul3A_2, %add3A_1501 : i32
        %rem3A_1507 = arith.constant 26 : i32
        %rem3A_1508 = arith.remsi %add3A_1506, %rem3A_1507 : i32
        %shift_right_arithmetic3A_1509 = arith.constant 7 : i32
        %shift_right_arithmetic3A_1510 = arith.shrsi %squeeze3A_1505, %shift_right_arithmetic3A_1509 : i32
        %shift_left3A_1511 = arith.constant 7 : i32
        %shift_left3A_1512 = arith.shli %shift_right_arithmetic3A_1510, %shift_left3A_1511 : i32
        %multiple_of3A_1513 = tpu.assume_multiple %shift_left3A_1512, 128 : i32
        %dma_start3A_1514 = arith.constant 11 : i32
        %dma_start3A_1515 = arith.constant 0 : i32
        %dma_start3A_1516 = arith.constant 0 : i32
        %dma_start3A_1517 = tpu.memref_slice %arg7[%dma_start3A_1514, %dma_start3A_1515, %dma_start3A_1516] : memref<13x64x128xf32, #tpu.memory_space<vmem>> -> memref<1x64x128xf32, #tpu.memory_space<vmem>>
        %dma_start3A_1518 = tpu.memref_squeeze %dma_start3A_1517 : memref<1x64x128xf32, #tpu.memory_space<vmem>> -> memref<64x128xf32, #tpu.memory_space<vmem>>
        %dma_start3A_1519 = arith.constant 0 : i32
        %dma_start3A_1520 = tpu.memref_slice %arg3[%rem3A_1508, %dma_start3A_1519, %multiple_of3A_1513] : memref<26x64x100000xf32, #tpu.memory_space<hbm>> -> memref<1x64x128xf32, #tpu.memory_space<hbm>>
        %dma_start3A_1521 = tpu.memref_squeeze %dma_start3A_1520 : memref<1x64x128xf32, #tpu.memory_space<hbm>> -> memref<64x128xf32, #tpu.memory_space<hbm>>
        %dma_start3A_1522 = arith.constant 0 : i32
        %dma_start3A_1523 = arith.constant 0 : i32
        %dma_start3A_1524 = tpu.memref_slice %arg7[%dma_start3A_1514, %dma_start3A_1522, %dma_start3A_1523] : memref<13x64x128xf32, #tpu.memory_space<vmem>> -> memref<1x64x128xf32, #tpu.memory_space<vmem>>
        %dma_start3A_1525 = tpu.memref_squeeze %dma_start3A_1524 : memref<1x64x128xf32, #tpu.memory_space<vmem>> -> memref<64x128xf32, #tpu.memory_space<vmem>>
        %dma_start3A_1526 = arith.constant 0 : i32
        %dma_start3A_1527 = tpu.memref_slice %arg3[%rem3A_1508, %dma_start3A_1526, %multiple_of3A_1513] : memref<26x64x100000xf32, #tpu.memory_space<hbm>> -> memref<1x64x128xf32, #tpu.memory_space<hbm>>
        %dma_start3A_1528 = tpu.memref_squeeze %dma_start3A_1527 : memref<1x64x128xf32, #tpu.memory_space<hbm>> -> memref<64x128xf32, #tpu.memory_space<hbm>>
        tpu.enqueue_dma source(%dma_start3A_1528 : memref<64x128xf32, #tpu.memory_space<hbm>>) target(%dma_start3A_1525 : memref<64x128xf32, #tpu.memory_space<vmem>>) target_semaphore(%arg20 : memref<!tpu.dma_semaphore, #tpu.memory_space<semaphore_mem>>)
      } else {
      }
      %add3A_1413 = arith.constant 12 : i32
      %add3A_1414 = arith.addi %mul3A_424, %add3A_1413 : i32
      %dma_wait3A_1415 = arith.constant 0 : i32
      %dma_wait3A_1416 = arith.constant 12 : i32
      %dma_wait3A_1417 = arith.constant 0 : i32
      %dma_wait3A_1418 = arith.constant 0 : i32
      %dma_wait3A_1419 = tpu.memref_slice %arg7[%dma_wait3A_1416, %dma_wait3A_1417, %dma_wait3A_1418] : memref<13x64x128xf32, #tpu.memory_space<vmem>> -> memref<1x64x128xf32, #tpu.memory_space<vmem>>
      %dma_wait3A_1420 = tpu.memref_squeeze %dma_wait3A_1419 : memref<1x64x128xf32, #tpu.memory_space<vmem>> -> memref<64x128xf32, #tpu.memory_space<vmem>>
      %dma_wait3A_1421 = arith.constant 0 : i32
      %dma_wait3A_1422 = arith.constant 0 : i32
      %dma_wait3A_1423 = tpu.memref_slice %arg3[%dma_wait3A_1415, %dma_wait3A_1421, %dma_wait3A_1422] : memref<26x64x100000xf32, #tpu.memory_space<hbm>> -> memref<1x64x128xf32, #tpu.memory_space<hbm>>
      %dma_wait3A_1424 = tpu.memref_squeeze %dma_wait3A_1423 : memref<1x64x128xf32, #tpu.memory_space<hbm>> -> memref<64x128xf32, #tpu.memory_space<hbm>>
      %dma_wait3A_1425 = arith.constant 0 : i32
      %dma_wait3A_1426 = arith.constant 0 : i32
      %dma_wait3A_1427 = tpu.memref_slice %arg7[%dma_wait3A_1416, %dma_wait3A_1425, %dma_wait3A_1426] : memref<13x64x128xf32, #tpu.memory_space<vmem>> -> memref<1x64x128xf32, #tpu.memory_space<vmem>>
      %dma_wait3A_1428 = tpu.memref_squeeze %dma_wait3A_1427 : memref<1x64x128xf32, #tpu.memory_space<vmem>> -> memref<64x128xf32, #tpu.memory_space<vmem>>
      %dma_wait3A_1429 = arith.constant 0 : i32
      %dma_wait3A_1430 = arith.constant 0 : i32
      %dma_wait3A_1431 = tpu.memref_slice %arg3[%dma_wait3A_1415, %dma_wait3A_1429, %dma_wait3A_1430] : memref<26x64x100000xf32, #tpu.memory_space<hbm>> -> memref<1x64x128xf32, #tpu.memory_space<hbm>>
      %dma_wait3A_1432 = tpu.memref_squeeze %dma_wait3A_1431 : memref<1x64x128xf32, #tpu.memory_space<hbm>> -> memref<64x128xf32, #tpu.memory_space<hbm>>
      tpu.wait_dma2 semaphore(%arg21 : memref<!tpu.dma_semaphore, #tpu.memory_space<semaphore_mem>>) src(%dma_wait3A_1432 : memref<64x128xf32, #tpu.memory_space<hbm>>) dst(%dma_wait3A_1428 : memref<64x128xf32, #tpu.memory_space<vmem>>)
      %get3A_1433 = arith.index_cast %add3A_1414 : i32 to index
      %get3A_1434 = tpu.vector_load %arg5[%get3A_1433] {strides = array<i32>} : memref<848xi32, #tpu.memory_space<vmem>>, vector<16xi32>,
      %slice3A_1435 = vector.extract_strided_slice %get3A_1434 {offsets = [0], sizes = [1], strides = [1]} : vector<16xi32> to vector<1xi32>
      %squeeze3A_1436 = vector.extract %slice3A_1435[0] : i32 from vector<1xi32>
      %and3A_1437 = arith.constant 127 : i32
      %and3A_1438 = arith.andi %squeeze3A_1436, %and3A_1437 : i32
      %broadcast_in_dim3A_1439 = vector.broadcast %and3A_1438 : i32 to vector<16xi32>
      %gather3A_1440 = arith.constant 12 : i32
      %gather3A_1441 = arith.constant 0 : i32
      %gather3A_1442 = arith.constant 0 : i32
      %gather3A_1443 = tpu.memref_slice %arg7[%gather3A_1440, %gather3A_1441, %gather3A_1442] : memref<13x64x128xf32, #tpu.memory_space<vmem>> -> memref<1x64x128xf32, #tpu.memory_space<vmem>>
      %gather3A_1444 = tpu.memref_squeeze %gather3A_1443 : memref<1x64x128xf32, #tpu.memory_space<vmem>> -> memref<64x128xf32, #tpu.memory_space<vmem>>
      %gather3A_1445 = tpu.vector_load_idx %gather3A_1444[%add3A_5, %broadcast_in_dim3A_1439] : memref<64x128xf32, #tpu.memory_space<vmem>>[vector<16xi32>, vector<16xi32>], vector<16xf32>,
      %add3A_1446 = arith.constant 768 : i32
      %add3A_1447 = arith.addi %add3A_450, %add3A_1446 : i32
      %add3A_1448 = arith.constant 0 : i32
      %add3A_1449 = arith.addi %add3A_1447, %add3A_1448 : i32
      %swap3A_1450 = arith.index_cast %add3A_1449 : i32 to index
      %swap3A_1451 = tpu.vector_load %arg6[%swap3A_1450] {strides = array<i32>} : memref<6656xf32, #tpu.memory_space<vmem>>, vector<16xf32>,
      tpu.vector_store %arg6[%swap3A_1450], %gather3A_1445 {strides = array<i32>} : memref<6656xf32, #tpu.memory_space<vmem>>, vector<16xf32>,
      %gather3A_1452 = arith.constant 12 : i32
      %gather3A_1453 = arith.constant 0 : i32
      %gather3A_1454 = arith.constant 0 : i32
      %gather3A_1455 = tpu.memref_slice %arg7[%gather3A_1452, %gather3A_1453, %gather3A_1454] : memref<13x64x128xf32, #tpu.memory_space<vmem>> -> memref<1x64x128xf32, #tpu.memory_space<vmem>>
      %gather3A_1456 = tpu.memref_squeeze %gather3A_1455 : memref<1x64x128xf32, #tpu.memory_space<vmem>> -> memref<64x128xf32, #tpu.memory_space<vmem>>
      %gather3A_1457 = tpu.vector_load_idx %gather3A_1456[%add3A_9, %broadcast_in_dim3A_1439] : memref<64x128xf32, #tpu.memory_space<vmem>>[vector<16xi32>, vector<16xi32>], vector<16xf32>,
      %add3A_1458 = arith.constant 768 : i32
      %add3A_1459 = arith.addi %add3A_450, %add3A_1458 : i32
      %add3A_1460 = arith.constant 16 : i32
      %add3A_1461 = arith.addi %add3A_1459, %add3A_1460 : i32
      %swap3A_1462 = arith.index_cast %add3A_1461 : i32 to index
      %swap3A_1463 = tpu.vector_load %arg6[%swap3A_1462] {strides = array<i32>} : memref<6656xf32, #tpu.memory_space<vmem>>, vector<16xf32>,
      tpu.vector_store %arg6[%swap3A_1462], %gather3A_1457 {strides = array<i32>} : memref<6656xf32, #tpu.memory_space<vmem>>, vector<16xf32>,
      %gather3A_1464 = arith.constant 12 : i32
      %gather3A_1465 = arith.constant 0 : i32
      %gather3A_1466 = arith.constant 0 : i32
      %gather3A_1467 = tpu.memref_slice %arg7[%gather3A_1464, %gather3A_1465, %gather3A_1466] : memref<13x64x128xf32, #tpu.memory_space<vmem>> -> memref<1x64x128xf32, #tpu.memory_space<vmem>>
      %gather3A_1468 = tpu.memref_squeeze %gather3A_1467 : memref<1x64x128xf32, #tpu.memory_space<vmem>> -> memref<64x128xf32, #tpu.memory_space<vmem>>
      %gather3A_1469 = tpu.vector_load_idx %gather3A_1468[%add3A_13, %broadcast_in_dim3A_1439] : memref<64x128xf32, #tpu.memory_space<vmem>>[vector<16xi32>, vector<16xi32>], vector<16xf32>,
      %add3A_1470 = arith.constant 768 : i32
      %add3A_1471 = arith.addi %add3A_450, %add3A_1470 : i32
      %add3A_1472 = arith.constant 32 : i32
      %add3A_1473 = arith.addi %add3A_1471, %add3A_1472 : i32
      %swap3A_1474 = arith.index_cast %add3A_1473 : i32 to index
      %swap3A_1475 = tpu.vector_load %arg6[%swap3A_1474] {strides = array<i32>} : memref<6656xf32, #tpu.memory_space<vmem>>, vector<16xf32>,
      tpu.vector_store %arg6[%swap3A_1474], %gather3A_1469 {strides = array<i32>} : memref<6656xf32, #tpu.memory_space<vmem>>, vector<16xf32>,
      %gather3A_1476 = arith.constant 12 : i32
      %gather3A_1477 = arith.constant 0 : i32
      %gather3A_1478 = arith.constant 0 : i32
      %gather3A_1479 = tpu.memref_slice %arg7[%gather3A_1476, %gather3A_1477, %gather3A_1478] : memref<13x64x128xf32, #tpu.memory_space<vmem>> -> memref<1x64x128xf32, #tpu.memory_space<vmem>>
      %gather3A_1480 = tpu.memref_squeeze %gather3A_1479 : memref<1x64x128xf32, #tpu.memory_space<vmem>> -> memref<64x128xf32, #tpu.memory_space<vmem>>
      %gather3A_1481 = tpu.vector_load_idx %gather3A_1480[%add3A_17, %broadcast_in_dim3A_1439] : memref<64x128xf32, #tpu.memory_space<vmem>>[vector<16xi32>, vector<16xi32>], vector<16xf32>,
      %add3A_1482 = arith.constant 768 : i32
      %add3A_1483 = arith.addi %add3A_450, %add3A_1482 : i32
      %add3A_1484 = arith.constant 48 : i32
      %add3A_1485 = arith.addi %add3A_1483, %add3A_1484 : i32
      %swap3A_1486 = arith.index_cast %add3A_1485 : i32 to index
      %swap3A_1487 = tpu.vector_load %arg6[%swap3A_1486] {strides = array<i32>} : memref<6656xf32, #tpu.memory_space<vmem>>, vector<16xf32>,
      tpu.vector_store %arg6[%swap3A_1486], %gather3A_1481 {strides = array<i32>} : memref<6656xf32, #tpu.memory_space<vmem>>, vector<16xf32>,
      %lt3A_1488 = arith.constant 63 : i32
      %lt3A_1489 = arith.cmpi slt, %scan3A_422, %lt3A_1488 : i32
      %convert_element_type3A_1490 = arith.extui %lt3A_1489 : i1 to i32
      %cond3A_1491 = arith.constant 0 : i32
      %cond3A_1492 = arith.cmpi ne, %convert_element_type3A_1490, %cond3A_1491 : i32
      scf.if %cond3A_1492 {
        %add3A_1500 = arith.constant 13 : i32
        %add3A_1501 = arith.addi %add3A_1414, %add3A_1500 : i32
        %get3A_1502 = arith.index_cast %add3A_1501 : i32 to index
        %get3A_1503 = tpu.vector_load %arg5[%get3A_1502] {strides = array<i32>} : memref<848xi32, #tpu.memory_space<vmem>>, vector<16xi32>,
        %slice3A_1504 = vector.extract_strided_slice %get3A_1503 {offsets = [0], sizes = [1], strides = [1]} : vector<16xi32> to vector<1xi32>
        %squeeze3A_1505 = vector.extract %slice3A_1504[0] : i32 from vector<1xi32>
        %add3A_1506 = arith.addi %mul3A_2, %add3A_1501 : i32
        %rem3A_1507 = arith.constant 26 : i32
        %rem3A_1508 = arith.remsi %add3A_1506, %rem3A_1507 : i32
        %shift_right_arithmetic3A_1509 = arith.constant 7 : i32
        %shift_right_arithmetic3A_1510 = arith.shrsi %squeeze3A_1505, %shift_right_arithmetic3A_1509 : i32
        %shift_left3A_1511 = arith.constant 7 : i32
        %shift_left3A_1512 = arith.shli %shift_right_arithmetic3A_1510, %shift_left3A_1511 : i32
        %multiple_of3A_1513 = tpu.assume_multiple %shift_left3A_1512, 128 : i32
        %dma_start3A_1514 = arith.constant 12 : i32
        %dma_start3A_1515 = arith.constant 0 : i32
        %dma_start3A_1516 = arith.constant 0 : i32
        %dma_start3A_1517 = tpu.memref_slice %arg7[%dma_start3A_1514, %dma_start3A_1515, %dma_start3A_1516] : memref<13x64x128xf32, #tpu.memory_space<vmem>> -> memref<1x64x128xf32, #tpu.memory_space<vmem>>
        %dma_start3A_1518 = tpu.memref_squeeze %dma_start3A_1517 : memref<1x64x128xf32, #tpu.memory_space<vmem>> -> memref<64x128xf32, #tpu.memory_space<vmem>>
        %dma_start3A_1519 = arith.constant 0 : i32
        %dma_start3A_1520 = tpu.memref_slice %arg3[%rem3A_1508, %dma_start3A_1519, %multiple_of3A_1513] : memref<26x64x100000xf32, #tpu.memory_space<hbm>> -> memref<1x64x128xf32, #tpu.memory_space<hbm>>
        %dma_start3A_1521 = tpu.memref_squeeze %dma_start3A_1520 : memref<1x64x128xf32, #tpu.memory_space<hbm>> -> memref<64x128xf32, #tpu.memory_space<hbm>>
        %dma_start3A_1522 = arith.constant 0 : i32
        %dma_start3A_1523 = arith.constant 0 : i32
        %dma_start3A_1524 = tpu.memref_slice %arg7[%dma_start3A_1514, %dma_start3A_1522, %dma_start3A_1523] : memref<13x64x128xf32, #tpu.memory_space<vmem>> -> memref<1x64x128xf32, #tpu.memory_space<vmem>>
        %dma_start3A_1525 = tpu.memref_squeeze %dma_start3A_1524 : memref<1x64x128xf32, #tpu.memory_space<vmem>> -> memref<64x128xf32, #tpu.memory_space<vmem>>
        %dma_start3A_1526 = arith.constant 0 : i32
        %dma_start3A_1527 = tpu.memref_slice %arg3[%rem3A_1508, %dma_start3A_1526, %multiple_of3A_1513] : memref<26x64x100000xf32, #tpu.memory_space<hbm>> -> memref<1x64x128xf32, #tpu.memory_space<hbm>>
        %dma_start3A_1528 = tpu.memref_squeeze %dma_start3A_1527 : memref<1x64x128xf32, #tpu.memory_space<hbm>> -> memref<64x128xf32, #tpu.memory_space<hbm>>
        tpu.enqueue_dma source(%dma_start3A_1528 : memref<64x128xf32, #tpu.memory_space<hbm>>) target(%dma_start3A_1525 : memref<64x128xf32, #tpu.memory_space<vmem>>) target_semaphore(%arg21 : memref<!tpu.dma_semaphore, #tpu.memory_space<semaphore_mem>>)
      } else {
      }
      %rem3A_1493 = arith.constant 2 : i32
      %rem3A_1494 = arith.remsi %scan3A_422, %rem3A_1493 : i32
      %eq3A_1495 = arith.constant 1 : i32
      %eq3A_1496 = arith.cmpi eq, %rem3A_1494, %eq3A_1495 : i32
      %convert_element_type3A_1497 = arith.extui %eq3A_1496 : i1 to i32
      %cond3A_1498 = arith.constant 0 : i32
      %cond3A_1499 = arith.cmpi ne, %convert_element_type3A_1497, %cond3A_1498 : i32
      scf.if %cond3A_1499 {
        %jit3A_1500 = arith.constant 26 : i32
        %div3A_1501 = arith.divsi %mul3A_2, %jit3A_1500 : i32
        %sign3A_1502 = arith.constant 0 : i32
        %sign3A_1503 = arith.cmpi sgt, %mul3A_2, %sign3A_1502 : i32
        %sign3A_1504 = arith.extui %sign3A_1503 : i1 to i32
        %sign3A_1505 = arith.constant 0 : i32
        %sign3A_1506 = arith.cmpi slt, %mul3A_2, %sign3A_1505 : i32
        %sign3A_1507 = arith.extui %sign3A_1506 : i1 to i32
        %sign3A_1508 = arith.subi %sign3A_1504, %sign3A_1507 : i32
        %sign3A_1509 = arith.constant 0 : i32
        %sign3A_1510 = arith.cmpi sgt, %jit3A_1500, %sign3A_1509 : i32
        %sign3A_1511 = arith.extui %sign3A_1510 : i1 to i32
        %sign3A_1512 = arith.constant 0 : i32
        %sign3A_1513 = arith.cmpi slt, %jit3A_1500, %sign3A_1512 : i32
        %sign3A_1514 = arith.extui %sign3A_1513 : i1 to i32
        %sign3A_1515 = arith.subi %sign3A_1511, %sign3A_1514 : i32
        %ne3A_1516 = arith.cmpi ne, %sign3A_1508, %sign3A_1515 : i32
        %rem3A_1517 = arith.remsi %mul3A_2, %jit3A_1500 : i32
        %ne3A_1518 = arith.constant 0 : i32
        %ne3A_1519 = arith.cmpi ne, %rem3A_1517, %ne3A_1518 : i32
        %and3A_1520 = arith.andi %ne3A_1516, %ne3A_1519 : i1
        %sub3A_1521 = arith.constant 1 : i32
        %sub3A_1522 = arith.subi %div3A_1501, %sub3A_1521 : i32
        %select_n3A_1523 = arith.select %and3A_1520, %sub3A_1522, %div3A_1501 : i32
        %sub3A_1524 = arith.constant 1 : i32
        %sub3A_1525 = arith.subi %scan3A_422, %sub3A_1524 : i32
        %jit3A_1526 = arith.constant 2 : i32
        %div3A_1527 = arith.divsi %sub3A_1525, %jit3A_1526 : i32
        %sign3A_1528 = arith.constant 0 : i32
        %sign3A_1529 = arith.cmpi sgt, %sub3A_1525, %sign3A_1528 : i32
        %sign3A_1530 = arith.extui %sign3A_1529 : i1 to i32
        %sign3A_1531 = arith.constant 0 : i32
        %sign3A_1532 = arith.cmpi slt, %sub3A_1525, %sign3A_1531 : i32
        %sign3A_1533 = arith.extui %sign3A_1532 : i1 to i32
        %sign3A_1534 = arith.subi %sign3A_1530, %sign3A_1533 : i32
        %sign3A_1535 = arith.constant 0 : i32
        %sign3A_1536 = arith.cmpi sgt, %jit3A_1526, %sign3A_1535 : i32
        %sign3A_1537 = arith.extui %sign3A_1536 : i1 to i32
        %sign3A_1538 = arith.constant 0 : i32
        %sign3A_1539 = arith.cmpi slt, %jit3A_1526, %sign3A_1538 : i32
        %sign3A_1540 = arith.extui %sign3A_1539 : i1 to i32
        %sign3A_1541 = arith.subi %sign3A_1537, %sign3A_1540 : i32
        %ne3A_1542 = arith.cmpi ne, %sign3A_1534, %sign3A_1541 : i32
        %rem3A_1543 = arith.remsi %sub3A_1525, %jit3A_1526 : i32
        %ne3A_1544 = arith.constant 0 : i32
        %ne3A_1545 = arith.cmpi ne, %rem3A_1543, %ne3A_1544 : i32
        %and3A_1546 = arith.andi %ne3A_1542, %ne3A_1545 : i1
        %sub3A_1547 = arith.constant 1 : i32
        %sub3A_1548 = arith.subi %div3A_1527, %sub3A_1547 : i32
        %select_n3A_1549 = arith.select %and3A_1546, %sub3A_1548, %div3A_1527 : i32
        %add3A_1550 = arith.addi %select_n3A_1523, %select_n3A_1549 : i32
        %sub3A_1551 = arith.constant 1 : i32
        %sub3A_1552 = arith.subi %scan3A_422, %sub3A_1551 : i32
        %jit3A_1553 = arith.constant 2 : i32
        %div3A_1554 = arith.divsi %sub3A_1552, %jit3A_1553 : i32
        %sign3A_1555 = arith.constant 0 : i32
        %sign3A_1556 = arith.cmpi sgt, %sub3A_1552, %sign3A_1555 : i32
        %sign3A_1557 = arith.extui %sign3A_1556 : i1 to i32
        %sign3A_1558 = arith.constant 0 : i32
        %sign3A_1559 = arith.cmpi slt, %sub3A_1552, %sign3A_1558 : i32
        %sign3A_1560 = arith.extui %sign3A_1559 : i1 to i32
        %sign3A_1561 = arith.subi %sign3A_1557, %sign3A_1560 : i32
        %sign3A_1562 = arith.constant 0 : i32
        %sign3A_1563 = arith.cmpi sgt, %jit3A_1553, %sign3A_1562 : i32
        %sign3A_1564 = arith.extui %sign3A_1563 : i1 to i32
        %sign3A_1565 = arith.constant 0 : i32
        %sign3A_1566 = arith.cmpi slt, %jit3A_1553, %sign3A_1565 : i32
        %sign3A_1567 = arith.extui %sign3A_1566 : i1 to i32
        %sign3A_1568 = arith.subi %sign3A_1564, %sign3A_1567 : i32
        %ne3A_1569 = arith.cmpi ne, %sign3A_1561, %sign3A_1568 : i32
        %rem3A_1570 = arith.remsi %sub3A_1552, %jit3A_1553 : i32
        %ne3A_1571 = arith.constant 0 : i32
        %ne3A_1572 = arith.cmpi ne, %rem3A_1570, %ne3A_1571 : i32
        %and3A_1573 = arith.andi %ne3A_1569, %ne3A_1572 : i1
        %sub3A_1574 = arith.constant 1 : i32
        %sub3A_1575 = arith.subi %div3A_1554, %sub3A_1574 : i32
        %select_n3A_1576 = arith.select %and3A_1573, %sub3A_1575, %div3A_1554 : i32
        %rem3A_1577 = arith.constant 4 : i32
        %rem3A_1578 = arith.remsi %select_n3A_1576, %rem3A_1577 : i32
        %mul3A_1579 = arith.constant 1664 : i32
        %mul3A_1580 = arith.muli %rem3A_1578, %mul3A_1579 : i32
        %dma_start3A_1581 = tpu.memref_slice %arg6[%mul3A_1580] : memref<6656xf32, #tpu.memory_space<vmem>> -> memref<1664xf32, #tpu.memory_space<vmem>>
        %dma_start3A_1582 = arith.constant 0 : i32
        %dma_start3A_1583 = tpu.memref_slice %arg4[%add3A_1550, %dma_start3A_1582] : memref<1024x1664xf32, #tpu.memory_space<hbm>> -> memref<1x1664xf32, #tpu.memory_space<hbm>>
        %dma_start3A_1584 = tpu.memref_squeeze %dma_start3A_1583 : memref<1x1664xf32, #tpu.memory_space<hbm>> -> memref<1664xf32, #tpu.memory_space<hbm>>
        %dma_start3A_1585 = arith.constant 0 : i32
        %dma_start3A_1586 = tpu.memref_slice %arg4[%add3A_1550, %dma_start3A_1585] : memref<1024x1664xf32, #tpu.memory_space<hbm>> -> memref<1x1664xf32, #tpu.memory_space<hbm>>
        %dma_start3A_1587 = tpu.memref_squeeze %dma_start3A_1586 : memref<1x1664xf32, #tpu.memory_space<hbm>> -> memref<1664xf32, #tpu.memory_space<hbm>>
        %dma_start3A_1588 = tpu.memref_slice %arg6[%mul3A_1580] : memref<6656xf32, #tpu.memory_space<vmem>> -> memref<1664xf32, #tpu.memory_space<vmem>>
        tpu.enqueue_dma source(%dma_start3A_1588 : memref<1664xf32, #tpu.memory_space<vmem>>) target(%dma_start3A_1587 : memref<1664xf32, #tpu.memory_space<hbm>>) target_semaphore(%arg8 : memref<!tpu.dma_semaphore, #tpu.memory_space<semaphore_mem>>)
      } else {
      }
    }
    %scan3A_378 = arith.constant 64 : i32
    %dma_wait3A = arith.constant 0 : i32
    %dma_wait3A_379 = arith.constant 0 : i32
    %dma_wait3A_380 = tpu.memref_slice %arg6[%dma_wait3A_379] : memref<6656xf32, #tpu.memory_space<vmem>> -> memref<1664xf32, #tpu.memory_space<vmem>>
    %dma_wait3A_381 = arith.constant 0 : i32
    %dma_wait3A_382 = tpu.memref_slice %arg4[%dma_wait3A, %dma_wait3A_381] : memref<1024x1664xf32, #tpu.memory_space<hbm>> -> memref<1x1664xf32, #tpu.memory_space<hbm>>
    %dma_wait3A_383 = tpu.memref_squeeze %dma_wait3A_382 : memref<1x1664xf32, #tpu.memory_space<hbm>> -> memref<1664xf32, #tpu.memory_space<hbm>>
    %dma_wait3A_384 = arith.constant 0 : i32
    %dma_wait3A_385 = tpu.memref_slice %arg6[%dma_wait3A_384] : memref<6656xf32, #tpu.memory_space<vmem>> -> memref<1664xf32, #tpu.memory_space<vmem>>
    %dma_wait3A_386 = arith.constant 0 : i32
    %dma_wait3A_387 = tpu.memref_slice %arg4[%dma_wait3A, %dma_wait3A_386] : memref<1024x1664xf32, #tpu.memory_space<hbm>> -> memref<1x1664xf32, #tpu.memory_space<hbm>>
    %dma_wait3A_388 = tpu.memref_squeeze %dma_wait3A_387 : memref<1x1664xf32, #tpu.memory_space<hbm>> -> memref<1664xf32, #tpu.memory_space<hbm>>
    tpu.wait_dma2 semaphore(%arg8 : memref<!tpu.dma_semaphore, #tpu.memory_space<semaphore_mem>>) src(%dma_wait3A_388 : memref<1664xf32, #tpu.memory_space<hbm>>) dst(%dma_wait3A_385 : memref<1664xf32, #tpu.memory_space<vmem>>)
    %dma_wait3A_389 = arith.constant 0 : i32
    %dma_wait3A_390 = arith.constant 0 : i32
    %dma_wait3A_391 = tpu.memref_slice %arg6[%dma_wait3A_390] : memref<6656xf32, #tpu.memory_space<vmem>> -> memref<1664xf32, #tpu.memory_space<vmem>>
    %dma_wait3A_392 = arith.constant 0 : i32
    %dma_wait3A_393 = tpu.memref_slice %arg4[%dma_wait3A_389, %dma_wait3A_392] : memref<1024x1664xf32, #tpu.memory_space<hbm>> -> memref<1x1664xf32, #tpu.memory_space<hbm>>
    %dma_wait3A_394 = tpu.memref_squeeze %dma_wait3A_393 : memref<1x1664xf32, #tpu.memory_space<hbm>> -> memref<1664xf32, #tpu.memory_space<hbm>>
    %dma_wait3A_395 = arith.constant 0 : i32
    %dma_wait3A_396 = tpu.memref_slice %arg6[%dma_wait3A_395] : memref<6656xf32, #tpu.memory_space<vmem>> -> memref<1664xf32, #tpu.memory_space<vmem>>
    %dma_wait3A_397 = arith.constant 0 : i32
    %dma_wait3A_398 = tpu.memref_slice %arg4[%dma_wait3A_389, %dma_wait3A_397] : memref<1024x1664xf32, #tpu.memory_space<hbm>> -> memref<1x1664xf32, #tpu.memory_space<hbm>>
    %dma_wait3A_399 = tpu.memref_squeeze %dma_wait3A_398 : memref<1x1664xf32, #tpu.memory_space<hbm>> -> memref<1664xf32, #tpu.memory_space<hbm>>
    tpu.wait_dma2 semaphore(%arg8 : memref<!tpu.dma_semaphore, #tpu.memory_space<semaphore_mem>>) src(%dma_wait3A_399 : memref<1664xf32, #tpu.memory_space<hbm>>) dst(%dma_wait3A_396 : memref<1664xf32, #tpu.memory_space<vmem>>)
    %dma_wait3A_400 = arith.constant 0 : i32
    %dma_wait3A_401 = arith.constant 0 : i32
    %dma_wait3A_402 = tpu.memref_slice %arg6[%dma_wait3A_401] : memref<6656xf32, #tpu.memory_space<vmem>> -> memref<1664xf32, #tpu.memory_space<vmem>>
    %dma_wait3A_403 = arith.constant 0 : i32
    %dma_wait3A_404 = tpu.memref_slice %arg4[%dma_wait3A_400, %dma_wait3A_403] : memref<1024x1664xf32, #tpu.memory_space<hbm>> -> memref<1x1664xf32, #tpu.memory_space<hbm>>
    %dma_wait3A_405 = tpu.memref_squeeze %dma_wait3A_404 : memref<1x1664xf32, #tpu.memory_space<hbm>> -> memref<1664xf32, #tpu.memory_space<hbm>>
    %dma_wait3A_406 = arith.constant 0 : i32
    %dma_wait3A_407 = tpu.memref_slice %arg6[%dma_wait3A_406] : memref<6656xf32, #tpu.memory_space<vmem>> -> memref<1664xf32, #tpu.memory_space<vmem>>
    %dma_wait3A_408 = arith.constant 0 : i32
    %dma_wait3A_409 = tpu.memref_slice %arg4[%dma_wait3A_400, %dma_wait3A_408] : memref<1024x1664xf32, #tpu.memory_space<hbm>> -> memref<1x1664xf32, #tpu.memory_space<hbm>>
    %dma_wait3A_410 = tpu.memref_squeeze %dma_wait3A_409 : memref<1x1664xf32, #tpu.memory_space<hbm>> -> memref<1664xf32, #tpu.memory_space<hbm>>
    tpu.wait_dma2 semaphore(%arg8 : memref<!tpu.dma_semaphore, #tpu.memory_space<semaphore_mem>>) src(%dma_wait3A_410 : memref<1664xf32, #tpu.memory_space<hbm>>) dst(%dma_wait3A_407 : memref<1664xf32, #tpu.memory_space<vmem>>)
    %dma_wait3A_411 = arith.constant 0 : i32
    %dma_wait3A_412 = arith.constant 0 : i32
    %dma_wait3A_413 = tpu.memref_slice %arg6[%dma_wait3A_412] : memref<6656xf32, #tpu.memory_space<vmem>> -> memref<1664xf32, #tpu.memory_space<vmem>>
    %dma_wait3A_414 = arith.constant 0 : i32
    %dma_wait3A_415 = tpu.memref_slice %arg4[%dma_wait3A_411, %dma_wait3A_414] : memref<1024x1664xf32, #tpu.memory_space<hbm>> -> memref<1x1664xf32, #tpu.memory_space<hbm>>
    %dma_wait3A_416 = tpu.memref_squeeze %dma_wait3A_415 : memref<1x1664xf32, #tpu.memory_space<hbm>> -> memref<1664xf32, #tpu.memory_space<hbm>>
    %dma_wait3A_417 = arith.constant 0 : i32
    %dma_wait3A_418 = tpu.memref_slice %arg6[%dma_wait3A_417] : memref<6656xf32, #tpu.memory_space<vmem>> -> memref<1664xf32, #tpu.memory_space<vmem>>
    %dma_wait3A_419 = arith.constant 0 : i32
    %dma_wait3A_420 = tpu.memref_slice %arg4[%dma_wait3A_411, %dma_wait3A_419] : memref<1024x1664xf32, #tpu.memory_space<hbm>> -> memref<1x1664xf32, #tpu.memory_space<hbm>>
    %dma_wait3A_421 = tpu.memref_squeeze %dma_wait3A_420 : memref<1x1664xf32, #tpu.memory_space<hbm>> -> memref<1664xf32, #tpu.memory_space<hbm>>
    tpu.wait_dma2 semaphore(%arg8 : memref<!tpu.dma_semaphore, #tpu.memory_space<semaphore_mem>>) src(%dma_wait3A_421 : memref<1664xf32, #tpu.memory_space<hbm>>) dst(%dma_wait3A_418 : memref<1664xf32, #tpu.memory_space<vmem>>)
    return
  }
}

module attributes {stable_mosaic.version = 14 : i64} {
  func.func @_tc_body(%arg0: i32, %arg1: memref<256x1664xf32, #tpu.memory_space<vmem>>, %arg2: memref<1664x1664xf32, #tpu.memory_space<vmem>>, %arg3: memref<1664x512xf32, #tpu.memory_space<vmem>>, %arg4: memref<1x512xf32, #tpu.memory_space<vmem>>, %arg5: memref<512x256xf32, #tpu.memory_space<vmem>>, %arg6: memref<1x256xf32, #tpu.memory_space<vmem>>, %arg7: memref<256x128xf32, #tpu.memory_space<vmem>>, %arg8: memref<1x128xf32, #tpu.memory_space<vmem>>, %arg9: memref<128x1xf32, #tpu.memory_space<vmem>>, %arg10: memref<1x1xf32, #tpu.memory_space<vmem>>, %arg11: memref<256x1xf32, #tpu.memory_space<vmem>>) attributes {dimension_semantics = [#tpu.dimension_semantics<arbitrary>], iteration_bounds = array<i64: 4>, scalar_prefetch = 0 : i64, scratch_operands = 0 : i64, tpu.core_type = #tpu.core_type<tc>, window_params = [{transform_indices = @transform_0, window_bounds = array<i64: 256, 1664>}, {pipeline_mode = #tpu.pipeline_mode<synchronous>, transform_indices = @transform_1, window_bounds = array<i64: 1664, 1664>}, {pipeline_mode = #tpu.pipeline_mode<synchronous>, transform_indices = @transform_2, window_bounds = array<i64: 1664, 512>}, {pipeline_mode = #tpu.pipeline_mode<synchronous>, transform_indices = @transform_3, window_bounds = array<i64: 1, 512>}, {pipeline_mode = #tpu.pipeline_mode<synchronous>, transform_indices = @transform_4, window_bounds = array<i64: 512, 256>}, {pipeline_mode = #tpu.pipeline_mode<synchronous>, transform_indices = @transform_5, window_bounds = array<i64: 1, 256>}, {pipeline_mode = #tpu.pipeline_mode<synchronous>, transform_indices = @transform_6, window_bounds = array<i64: 256, 128>}, {pipeline_mode = #tpu.pipeline_mode<synchronous>, transform_indices = @transform_7, window_bounds = array<i64: 1, 128>}, {pipeline_mode = #tpu.pipeline_mode<synchronous>, transform_indices = @transform_8, window_bounds = array<i64: 128, 1>}, {pipeline_mode = #tpu.pipeline_mode<synchronous>, transform_indices = @transform_9, window_bounds = array<i64: 1, 1>}, {transform_indices = @transform_10, window_bounds = array<i64: 256, 1>}]} {
    %get3A = arith.constant 0 : index
    %get3A_0 = arith.constant 0 : index
    %get3A_1 = vector.load %arg1[%get3A, %get3A_0] : memref<256x1664xf32, #tpu.memory_space<vmem>>, vector<256x1664xf32>
    %get3A_2 = arith.constant 0 : index
    %get3A_3 = arith.constant 0 : index
    %get3A_4 = vector.load %arg2[%get3A_2, %get3A_3] : memref<1664x1664xf32, #tpu.memory_space<vmem>>, vector<1664x1664xf32>
    %dot_general3A = arith.constant dense<0.000000e+00> : vector<256x1664xf32>
    %dot_general3A_5 = tpu.matmul %get3A_1, %get3A_4, %dot_general3A {dimension_numbers = #tpu.dot_dimension_numbers<[1], [0], [0], [1], [0, 0, 1, 1], [], []>, transpose_lhs_hint = false} : vector<256x1664xf32>, vector<1664x1664xf32>, vector<256x1664xf32> -> vector<256x1664xf32>
    %mul3A = arith.mulf %get3A_1, %dot_general3A_5 : vector<256x1664xf32>
    %reduce_sum3A = arith.constant dense<0.000000e+00> : vector<256xf32>
    %reduce_sum3A_6 = vector.multi_reduction <add>, %mul3A, %reduce_sum3A [1] : vector<256x1664xf32> to vector<256xf32>
    %broadcast_in_dim3A = vector.shape_cast %reduce_sum3A_6 : vector<256xf32> to vector<256x1xf32>
    %mul3A_7 = arith.constant 5.000000e-01 : f32
    %mul3A_8 = vector.broadcast %mul3A_7 : f32 to vector<256x1xf32>
    %mul3A_9 = arith.mulf %mul3A_8, %broadcast_in_dim3A : vector<256x1xf32>
    %get3A_10 = arith.constant 0 : index
    %get3A_11 = arith.constant 0 : index
    %get3A_12 = vector.load %arg3[%get3A_10, %get3A_11] : memref<1664x512xf32, #tpu.memory_space<vmem>>, vector<1664x512xf32>
    %dot_general3A_13 = arith.constant dense<0.000000e+00> : vector<256x512xf32>
    %dot_general3A_14 = tpu.matmul %get3A_1, %get3A_12, %dot_general3A_13 {dimension_numbers = #tpu.dot_dimension_numbers<[1], [0], [0], [1], [0, 0, 1, 1], [], []>, transpose_lhs_hint = false} : vector<256x1664xf32>, vector<1664x512xf32>, vector<256x512xf32> -> vector<256x512xf32>
    %get3A_15 = arith.constant 0 : index
    %get3A_16 = arith.constant 0 : index
    %get3A_17 = vector.load %arg4[%get3A_15, %get3A_16] : memref<1x512xf32, #tpu.memory_space<vmem>>, vector<1x512xf32>
    %add3A = vector.broadcast %get3A_17 : vector<1x512xf32> to vector<256x512xf32>
    %add3A_18 = arith.addf %dot_general3A_14, %add3A : vector<256x512xf32>
    %max3A = arith.constant 0.000000e+00 : f32
    %max3A_19 = vector.broadcast %max3A : f32 to vector<256x512xf32>
    %max3A_20 = arith.maximumf %add3A_18, %max3A_19 : vector<256x512xf32>
    %get3A_21 = arith.constant 0 : index
    %get3A_22 = arith.constant 0 : index
    %get3A_23 = vector.load %arg5[%get3A_21, %get3A_22] : memref<512x256xf32, #tpu.memory_space<vmem>>, vector<512x256xf32>
    %dot_general3A_24 = arith.constant dense<0.000000e+00> : vector<256x256xf32>
    %dot_general3A_25 = tpu.matmul %max3A_20, %get3A_23, %dot_general3A_24 {dimension_numbers = #tpu.dot_dimension_numbers<[1], [0], [0], [1], [0, 0, 1, 1], [], []>, transpose_lhs_hint = false} : vector<256x512xf32>, vector<512x256xf32>, vector<256x256xf32> -> vector<256x256xf32>
    %get3A_26 = arith.constant 0 : index
    %get3A_27 = arith.constant 0 : index
    %get3A_28 = vector.load %arg6[%get3A_26, %get3A_27] : memref<1x256xf32, #tpu.memory_space<vmem>>, vector<1x256xf32>
    %add3A_29 = vector.broadcast %get3A_28 : vector<1x256xf32> to vector<256x256xf32>
    %add3A_30 = arith.addf %dot_general3A_25, %add3A_29 : vector<256x256xf32>
    %max3A_31 = arith.constant 0.000000e+00 : f32
    %max3A_32 = vector.broadcast %max3A_31 : f32 to vector<256x256xf32>
    %max3A_33 = arith.maximumf %add3A_30, %max3A_32 : vector<256x256xf32>
    %get3A_34 = arith.constant 0 : index
    %get3A_35 = arith.constant 0 : index
    %get3A_36 = vector.load %arg7[%get3A_34, %get3A_35] : memref<256x128xf32, #tpu.memory_space<vmem>>, vector<256x128xf32>
    %dot_general3A_37 = arith.constant dense<0.000000e+00> : vector<256x128xf32>
    %dot_general3A_38 = tpu.matmul %max3A_33, %get3A_36, %dot_general3A_37 {dimension_numbers = #tpu.dot_dimension_numbers<[1], [0], [0], [1], [0, 0, 1, 1], [], []>, transpose_lhs_hint = false} : vector<256x256xf32>, vector<256x128xf32>, vector<256x128xf32> -> vector<256x128xf32>
    %get3A_39 = arith.constant 0 : index
    %get3A_40 = arith.constant 0 : index
    %get3A_41 = vector.load %arg8[%get3A_39, %get3A_40] : memref<1x128xf32, #tpu.memory_space<vmem>>, vector<1x128xf32>
    %add3A_42 = vector.broadcast %get3A_41 : vector<1x128xf32> to vector<256x128xf32>
    %add3A_43 = arith.addf %dot_general3A_38, %add3A_42 : vector<256x128xf32>
    %max3A_44 = arith.constant 0.000000e+00 : f32
    %max3A_45 = vector.broadcast %max3A_44 : f32 to vector<256x128xf32>
    %max3A_46 = arith.maximumf %add3A_43, %max3A_45 : vector<256x128xf32>
    %get3A_47 = arith.constant 0 : index
    %get3A_48 = arith.constant 0 : index
    %get3A_49 = vector.load %arg9[%get3A_47, %get3A_48] : memref<128x1xf32, #tpu.memory_space<vmem>>, vector<128x1xf32>
    %dot_general3A_50 = arith.constant dense<0.000000e+00> : vector<256x1xf32>
    %dot_general3A_51 = tpu.matmul %max3A_46, %get3A_49, %dot_general3A_50 {dimension_numbers = #tpu.dot_dimension_numbers<[1], [0], [0], [1], [0, 0, 1, 1], [], []>, transpose_lhs_hint = false} : vector<256x128xf32>, vector<128x1xf32>, vector<256x1xf32> -> vector<256x1xf32>
    %get3A_52 = arith.constant 0 : index
    %get3A_53 = arith.constant 0 : index
    %get3A_54 = vector.load %arg10[%get3A_52, %get3A_53] : memref<1x1xf32, #tpu.memory_space<vmem>>, vector<1x1xf32>
    %add3A_55 = vector.broadcast %get3A_54 : vector<1x1xf32> to vector<256x1xf32>
    %add3A_56 = arith.addf %dot_general3A_51, %add3A_55 : vector<256x1xf32>
    %add3A_57 = arith.addf %mul3A_9, %add3A_56 : vector<256x1xf32>
    %logistic3A = arith.negf %add3A_57 : vector<256x1xf32>
    %logistic3A_58 = math.exp %logistic3A : vector<256x1xf32>
    %logistic3A_59 = arith.constant 1.000000e+00 : f32
    %logistic3A_60 = vector.broadcast %logistic3A_59 : f32 to vector<256x1xf32>
    %logistic3A_61 = arith.addf %logistic3A_60, %logistic3A_58 : vector<256x1xf32>
    %logistic3A_62 = arith.divf %logistic3A_60, %logistic3A_61 : vector<256x1xf32>
    %swap3A = arith.constant 0 : index
    %swap3A_63 = arith.constant 0 : index
    %swap3A_64 = vector.load %arg11[%swap3A, %swap3A_63] : memref<256x1xf32, #tpu.memory_space<vmem>>, vector<256x1xf32>
    tpu.vector_store %arg11[%swap3A, %swap3A_63], %logistic3A_62 {strides = array<i32>} : memref<256x1xf32, #tpu.memory_space<vmem>>, vector<256x1xf32>,
    return
  }
  func.func @transform_0(%arg0: i32) -> (i32, i32) {
    %c0_i32 = arith.constant 0 : i32
    %c0_i32_0 = arith.constant 0 : i32
    return %arg0, %c0_i32 : i32, i32
  }
  func.func @transform_1(%arg0: i32) -> (i32, i32) {
    %c0_i32 = arith.constant 0 : i32
    %c0_i32_0 = arith.constant 0 : i32
    %c0_i32_1 = arith.constant 0 : i32
    return %c0_i32, %c0_i32_0 : i32, i32
  }
  func.func @transform_2(%arg0: i32) -> (i32, i32) {
    %c0_i32 = arith.constant 0 : i32
    %c0_i32_0 = arith.constant 0 : i32
    %c0_i32_1 = arith.constant 0 : i32
    return %c0_i32, %c0_i32_0 : i32, i32
  }
  func.func @transform_3(%arg0: i32) -> (i32, i32) {
    %c0_i32 = arith.constant 0 : i32
    %c0_i32_0 = arith.constant 0 : i32
    %c0_i32_1 = arith.constant 0 : i32
    return %c0_i32, %c0_i32_0 : i32, i32
  }
  func.func @transform_4(%arg0: i32) -> (i32, i32) {
    %c0_i32 = arith.constant 0 : i32
    %c0_i32_0 = arith.constant 0 : i32
    %c0_i32_1 = arith.constant 0 : i32
    return %c0_i32, %c0_i32_0 : i32, i32
  }
  func.func @transform_5(%arg0: i32) -> (i32, i32) {
    %c0_i32 = arith.constant 0 : i32
    %c0_i32_0 = arith.constant 0 : i32
    %c0_i32_1 = arith.constant 0 : i32
    return %c0_i32, %c0_i32_0 : i32, i32
  }
  func.func @transform_6(%arg0: i32) -> (i32, i32) {
    %c0_i32 = arith.constant 0 : i32
    %c0_i32_0 = arith.constant 0 : i32
    %c0_i32_1 = arith.constant 0 : i32
    return %c0_i32, %c0_i32_0 : i32, i32
  }
  func.func @transform_7(%arg0: i32) -> (i32, i32) {
    %c0_i32 = arith.constant 0 : i32
    %c0_i32_0 = arith.constant 0 : i32
    %c0_i32_1 = arith.constant 0 : i32
    return %c0_i32, %c0_i32_0 : i32, i32
  }
  func.func @transform_8(%arg0: i32) -> (i32, i32) {
    %c0_i32 = arith.constant 0 : i32
    %c0_i32_0 = arith.constant 0 : i32
    %c0_i32_1 = arith.constant 0 : i32
    return %c0_i32, %c0_i32_0 : i32, i32
  }
  func.func @transform_9(%arg0: i32) -> (i32, i32) {
    %c0_i32 = arith.constant 0 : i32
    %c0_i32_0 = arith.constant 0 : i32
    %c0_i32_1 = arith.constant 0 : i32
    return %c0_i32, %c0_i32_0 : i32, i32
  }
  func.func @transform_10(%arg0: i32) -> (i32, i32) {
    %c0_i32 = arith.constant 0 : i32
    %c0_i32_0 = arith.constant 0 : i32
    return %arg0, %c0_i32 : i32, i32
  }
}

</mosaic_0001>

<sc_bundles>
// kernel: kernel.4.cloned.1.call-start
scs
__scs_entry_jumppad:
0x0: {  	(pc) =	sbr.rel $0x88, $3  }
0x1: {  	(tag) =	ssettag $0x0;
	lr =	simm.s32 $0x1  }
0x2: {  	[smem:$0x3F96] =	sst lr;
	_ =	strace $0xD0000000  }
0x3: {  	_ = 	snop  }
0x4: {  	_ = 	snop  }
0x5: {  	_ = 	snop  }
0x6: {  	_ = 	snop  }
0x7: {  	_ = 	snop  }
__scs_overlays_trampoline_lowered:
0x8: {  	[smem:$0x3FA5] =	sst s0  }
0x9: {  	[smem:$0x3FA6] =	sst s1  }
0xa: {  	[smem:$0x3FA7] =	sst s2  }
0xb: {  	[smem:$0x3FA8] =	sst s3  }
0xc: {  	[smem:$0x3FA9] =	sst s4  }
0xd: {  	[smem:$0x3FAA] =	sst s5  }
0xe: {  	[smem:$0x3FAB] =	sst s6  }
0xf: {  	[smem:$0x3FAC] =	sst s7  }
0x10: {  	[smem:$0x3FAD] =	sst s8  }
0x11: {  	[smem:$0x3FAE] =	sst s9;
	s0 =	simm.s32 @!p0 $0x0  }
0x12: {  	s1 =	sld [smem:$0x3F94];
	s0 =	simm.s32 @p0 $0x1  }
0x13: {  	[smem:$0x3FAF] =	sst s0;
	s0 =	simm.s32 @!p1 $0x0  }
0x14: {  	s2 =	sld [smem:$0x3F93];
	s0 =	simm.s32 @p1 $0x1  }
0x15: {  	[smem:$0x3FB0] =	sst s0;
	s0 =	simm.s32 @!p2 $0x0  }
0x16: {  	s3 =	sld [smem:$0x3FDB];
	s0 =	simm.s32 @p2 $0x1  }
0x17: {  	s4 =	simm.s32 $0x1BF5;
	[smem:$0x3FB2] =	sst s0  }
0x18: {  	s0 =	sld [smem:$0x3F95];
	_ =	swait.ge [sflag:s4], $0x0  }
0x19: {  	s7 =	sld [smem:$0x3F96]  }
0x1a: {  	s8 =	sadd.s32 $0xFFFFE003, lr  }
0x1b: {  	s9 =	sadd.s32 $0xFFFFFEF7, lr;
	s5 =	simm.s32 $0xFFFFFFFF;
	p2 =	slt.u32 s8, $0xFFFFF086  }
0x1c: {  	p1 =	slt.u32 s9, $0xF7A;
	s5 =	simm.s32 @!p2 $0x0  }
0x1d: {  	s5 =	simm.s32 @p1 $0x1;
	p0 =	seq.s32 s7, s2  }
0x1e: {  	s7 =	smul.u32 @!p0 $0xF7A, s2;
	p2 =	seq.s32 @!p0 s5, $0x0  }
0x1f: {  	s9 =	smul.u32 $0xF7A, s1;
	s8 =	simm.s32 @!p0 $0x1BF5;
	p2 =	por !p2, p0  }
0x20: {  	[sflag:s8] =	ssyncset.s32 @!p0 $0xFFFFF086;
	s6 =	sadd.s32 @!p0 s3, s7;
	s7 =	simm.s32 @!p0 $0x108  }
0x21: {  	s3 =	sadd.s32 s3, s9;
	s6 =	sadd.s32 @!p0 $0x88, s6;
	s7 =	simm.s32 @p2 $0x1082  }
0x22: {  	[simem:s7], [sflag:s8] =	dma.local @!p0 [hbm:s6], $0xF7A  }
0x23: {  	s9 =	sor.u32 $0xD0000000, s2;
	s6 =	simm.s32 $0x108;
	_ =	swait.ge @!p0 [sflag:s8], $0x0  }
0x24: {  	s3 =	sadd.s32 $0x88, s3;
	s6 =	simm.s32 @!p1 $0x1082;
	[sflag:s4] =	ssyncset.s32 $0xFFFFF086  }
0x25: {  	[simem:s6], [sflag:s4] =	dma.local [hbm:s3], $0xF7A  }
0x26: {  	[smem:$0x3F96] =	sst s1;
	(tag) =	ssettag s2;
	_ =	strace s9  }
0x27: {  	s1 =	sld [smem:$0x3FA6]  }
0x28: {  	s2 =	sld [smem:$0x3FA7]  }
0x29: {  	s4 =	sld [smem:$0x3FA9]  }
0x2a: {  	p0 =	seq.s32 s5, $0x0;
	s5 =	sld [smem:$0x3FAA]  }
0x2b: {  	s6 =	sld [smem:$0x3FAB]  }
0x2c: {  	s7 =	sld [smem:$0x3FAC]  }
0x2d: {  	s3 =	simm.s32 $0x108;
	s8 =	sld [smem:$0x3FAD]  }
0x2e: {  	s3 =	simm.s32 @!p0 $0x1082;
	s9 =	sld [smem:$0x3FAE]  }
0x2f: {  	lr =	sadd.s32 s0, s3;
	s0 =	sld [smem:$0x3FA5]  }
0x30: {  	s3 =	sld [smem:$0x3FA8]  }
0x31: {  	[smem:$0x3FB1] =	sst s10  }
0x32: {  	s10 =	sld [smem:$0x3FAF];
	_ =	sdelay $0x3  }
0x33: {  	p0 =	seq.s32 s10, $0x1;
	s10 =	sld [smem:$0x3FB1];
	_ =	sdelay $0x3  }
0x34: {  	[smem:$0x3FB1] =	sst s10  }
0x35: {  	s10 =	sld [smem:$0x3FB0];
	_ =	sdelay $0x3  }
0x36: {  	p1 =	seq.s32 s10, $0x1;
	s10 =	sld [smem:$0x3FB1];
	_ =	sdelay $0x3  }
0x37: {  	[smem:$0x3FB1] =	sst s10  }
0x38: {  	s10 =	sld [smem:$0x3FB2]  }
0x39: {  	_ = 	snop;
	(pc) =	sbr.ind lr, $3  }
0x3a: {  	_ = 	snop  }
0x3b: {  	_ = 	snop  }
0x3c: {  	p2 =	seq.s32 s10, $0x1;
	s10 =	sld [smem:$0x3FB1]  }
0x3d: {  	_ =	shalt  }
0x3e: {  	_ =	shalt  }
0x3f: {  	_ =	shalt  }
0x40: {  	_ =	shalt  }
0x41: {  	_ =	shalt  }
0x42: {  	_ =	shalt  }
0x43: {  	_ =	shalt  }
0x44: {  	_ =	shalt  }
0x45: {  	_ =	shalt  }
0x46: {  	_ =	shalt  }
0x47: {  	_ =	shalt  }
0x48: {  	_ =	shalt  }
0x49: {  	_ =	shalt  }
0x4a: {  	_ =	shalt  }
0x4b: {  	_ =	shalt  }
0x4c: {  	_ =	shalt  }
0x4d: {  	_ =	shalt  }
0x4e: {  	_ =	shalt  }
0x4f: {  	_ =	shalt  }
0x50: {  	_ =	shalt  }
0x51: {  	_ =	shalt  }
0x52: {  	_ =	shalt  }
0x53: {  	_ =	shalt  }
0x54: {  	_ =	shalt  }
0x55: {  	_ =	shalt  }
0x56: {  	_ =	shalt  }
0x57: {  	_ =	shalt  }
0x58: {  	_ =	shalt  }
0x59: {  	_ =	shalt  }
0x5a: {  	_ =	shalt  }
0x5b: {  	_ =	shalt  }
0x5c: {  	_ =	shalt  }
0x5d: {  	_ =	shalt  }
0x5e: {  	_ =	shalt  }
0x5f: {  	_ =	shalt  }
0x60: {  	_ =	shalt  }
0x61: {  	_ =	shalt  }
0x62: {  	_ =	shalt  }
0x63: {  	_ =	shalt  }
0x64: {  	_ =	shalt  }
0x65: {  	_ =	shalt  }
0x66: {  	_ =	shalt  }
0x67: {  	_ =	shalt  }
0x68: {  	_ =	shalt  }
0x69: {  	_ =	shalt  }
0x6a: {  	_ =	shalt  }
0x6b: {  	_ =	shalt  }
0x6c: {  	_ =	shalt  }
0x6d: {  	_ =	shalt  }
0x6e: {  	_ =	shalt  }
0x6f: {  	_ =	shalt  }
0x70: {  	_ =	shalt  }
0x71: {  	_ =	shalt  }
0x72: {  	_ =	shalt  }
0x73: {  	_ =	shalt  }
0x74: {  	_ =	shalt  }
0x75: {  	_ =	shalt  }
0x76: {  	_ =	shalt  }
0x77: {  	_ =	shalt  }
0x78: {  	_ =	shalt  }
0x79: {  	_ =	shalt  }
0x7a: {  	_ =	shalt  }
0x7b: {  	_ =	shalt  }
0x7c: {  	_ =	shalt  }
0x7d: {  	_ =	shalt  }
0x7e: {  	_ =	shalt  }
0x7f: {  	_ =	shalt  }
0x80: {  	_ =	shalt  }
0x81: {  	_ =	shalt  }
0x82: {  	_ =	shalt  }
0x83: {  	_ =	shalt  }
0x84: {  	_ =	shalt  }
0x85: {  	_ =	shalt  }
0x86: {  	_ =	shalt  }
0x87: {  	_ =	shalt  }
.Lfunc_end0:
.L_simem_size_0:
called_computation_lowered:
.L_overlay_start_0:
0x88: {  	s2 =	sld [smem:$0x3FD9]  }
0x89: {  	s3 =	sld [smem:$0x3FFE];
	_ =	sdelay $0x1  }
0x8a: {  	s1 =	srdreg.scid  }
0x8b: {  	s0 =	sand.u32 $0x1, s1  }
0x8c: {  	s17 =	sshll.u32 s0, $0xA;
	s2 =	sadd.s32 s3, s2  }
0x8d: {  	s2 =	sadd.s32 s2, s17  }
0x8e: {  	[smem:$0x3FBD] =	sst s2  }
0x8f: {  	_ = 	snop  }
0x90: {  	s2 =	sld [smem:$0x3FC8];
	(tm) =	ssettm $0x1  }
0x91: {  	s18 =	sld [smem:$0x3FFB];
	_ =	sdelay $0x3  }
0x92: {  	_ =	strace s18  }
0x93: {  	s3 =	sld [smem:$0x3FFC];
	_ =	sdelay $0x3  }
0x94: {  	_ =	strace s3  }
0x95: {  	s3 =	sld [smem:$0x3FFD];
	_ =	sdelay $0x3  }
0x96: {  	_ =	strace s3  }
0x97: {  	_ =	strace $0x8FFFFFFF  }
0x98: {  	s19 =	sld [smem:$0x3FDB];
	_ =	sdelay $0x1  }
0x99: {  	s4 =	simm.s32 $_scs_section_size  }
0x9a: {  	s5 =	simm.s32 $_size__tile_overlayer_lowered;
	s6 =	simm.s32 $_tile_overlayer_lowered  }
0x9b: {  	s22 =	simm.s32 $0x1BFF;
	s21 =	sshll.u32 s6, $0x1;
	s3 =	sadd.s32 s4, s19  }
0x9c: {  	s7 =	simm.s32 $0x0;
	s20 =	sshll.u32 s5, $0x1;
	s5 =	sadd.s32 s21, s3  }
0x9d: {  	[timem:s7], [sflag:s22] =	dma.local [hbm:s5], s20  }
0x9e: {  	_ =	swait.ge [sflag:s22], s20  }
0x9f: {  	s4 =	ssub.s32 $0x0, s20;
	[sflag:s22] =	ssyncset.done $0x0  }
0xa0: {  	[sflag:s22] =	ssyncadd.s32 s4;
	_ =	sdelay $0x1  }
0xa1: {  	s23 =	simm.s32 $0x1B8B  }
0xa2: {  	_ =	swait.ge [sflag:s23], $0x1  }
0xa3: {  	[sflag:s23] =	ssyncset.done $0x0  }
0xa4: {  	s25 =	simm.s32 $0x1B8E;
	s24 =	sld [smem:$0x3FFE];
	[sflag:s23] =	ssyncadd.s32 $0xFFFFFFFF  }
0xa5: {  	s26 =	simm.s32 $execute0_lowered;
	[smem:$0x3FD2] =	sst s25  }
0xa6: {  	s5 =	sshll.u32 s26, $0x1;
	_ =	strace $0x80000046;
	[dreg:$0x1] =	wrdreg $0xFFFFFFFF  }
0xa7: {  	s28 =	simm.s32 $_size_execute0_lowered;
	s3 =	sadd.s32 s3, s5;
	[dreg:$0x0] =	wrdreg $0x0  }
0xa8: {  	s5 =	sshll.u32 s28, $0x1;
	[dreg:$0x2] =	wrdreg s3  }
0xa9: {  	[dreg:$0x3] =	wrdreg s5  }
0xaa: {  	[dreg:$0x4] =	wrdreg $0xC0  }
0xab: {  	_ =	task [dreg:s7], $0x5FFFF  }
0xac: {  	[dreg:$0x1] =	wrdreg $0xFFFFFFFF  }
0xad: {  	[dreg:$0x0] =	wrdreg $0x60  }
0xae: {  	[dreg:$0x2] =	wrdreg s24  }
0xaf: {  	[dreg:$0x3] =	wrdreg s2  }
0xb0: {  	[dreg:$0x4] =	wrdreg $0x9  }
0xb1: {  	_ =	task.clear_ibuf [dreg:s7], $0x5FFFF;
	_ =	strace $0x90000046  }
0xb2: {  	s29 =	simm.s32 $0x9;
	_ =	strace $0x80000048  }
0xb3: {  	_ =	swait.ge [sflag:s29], $0x1  }
0xb4: {  	[sflag:s29] =	ssyncadd.s32 $0xFFFFFFFF  }
0xb5: {  	_ =	strace $0x90000048  }
0xb6: {  	_ =	sfence  }
0xb7: {  	s30 =	sld [smem:$0x0];
	_ =	sdelay $0x2  }
0xb8: {  	s31 =	sshll.u32 s1, $0xD;
	s1 =	sshrl.u32 s1, $0x2  }
0xb9: {  	s3 =	sand.u32 $0x4000, s31;
	s1 =	sadd.s32 s1, s30  }
0xba: {  	s0 =	sor.u32 s3, s0;
	s1 =	sshll.u32 s1, $0x11  }
0xbb: {  	s0 =	sor.u32 s1, s0  }
0xbc: {  	s0 =	sadd.s32 $0x8F2B, s0  }
0xbd: {  	[sflag:s0] =	ssyncadd.remote.s32 $0x1  }
0xbe: {  	_ =	sfence.sel $0xFFFF  }
0xbf: {  	[dreg:$0x0] =	wrdreg $0xFFFFFFFF;
	(pc) =	sbr.abs _section_cstart, $3  }
0xc0: {  	[dreg:$0x1] =	wrdreg $0xFFFFFFFF  }
0xc1: {  	_ =	task.clear_ibuf [dreg:s7], $0x2FFFF;
	_ =	strace $0x9FFFFFFF  }
0xc2: {  	(tm) =	ssettm $0x7FFFFFFF  }
0xc3: {  	_ =	shalt  }
tec
execute0_lowered:
.L_overlay_start_1:
0x0: {  	(tag) =	ssettag $0x1  }
0x1: {  	s0 =	srdreg.scid;
	s12 =	stileid.u32  }
0x2: {  	s0 =	sand.u32 $0x1, s0;
	s1 =	sshll.u32 s12, $0x1  }
0x3: {  	s1 =	sor.u32 s0, s1  }
0x4: {  	s2 =	smul.u32 $0x340, s1;
	_ =	sdelay $0x1  }
0x5: {  	s3 =	sor.u32 $0x1, s2  }
0x6: {  	s5 =	sor.u32 $0x2, s2;
	s4 =	smul.u32 $0x4EC5, s3  }
0x7: {  	s7 =	sor.u32 $0x3, s2;
	s6 =	smul.u32 $0x4EC5, s5  }
0x8: {  	s25 =	sor.u32 $0x4, s2;
	s8 =	smul.u32 $0x4EC5, s7  }
0x9: {  	s28 =	sor.u32 $0x5, s2;
	s26 =	smul.u32 $0x4EC5, s25  }
0xa: {  	s30 =	sor.u32 $0x6, s2;
	s29 =	smul.u32 $0x4EC5, s28  }
0xb: {  	s31 =	smul.u32 $0x4EC5, s30;
	s4 =	sshrl.u32 s4, $0x13  }
0xc: {  	s6 =	sshrl.u32 s6, $0x13;
	s4 =	smul.u32 $0x1A, s4  }
0xd: {  	s8 =	sshrl.u32 s8, $0x13;
	s6 =	smul.u32 $0x1A, s6  }
0xe: {  	s9 =	sor.u32 $0x7, s2;
	s22 =	smul.u32 $0x1A, s8;
	s3 =	ssub.s32 s3, s4  }
0xf: {  	s15 =	sor.u32 $0x8, s2;
	s10 =	smul.u32 $0x4EC5, s9;
	s3 =	sand.u32 $0xFFFF, s3  }
0x10: {  	s5 =	ssub.s32 s5, s6;
	s4 =	ssub.s32 s7, s22;
	s3 =	smul.u32 $0x61C000, s3  }
0x11: {  	s16 =	smul.u32 $0x4EC5, s15;
	s23 =	sand.u32 $0xFFFE, s5;
	s24 =	sand.u32 $0xFFFF, s4  }
0x12: {  	s4 =	sshrl.u32 s26, $0x13;
	[dreg:$0x3] =	wrdreg s3;
	s3 =	smul.u32 $0x61C000, s23  }
0x13: {  	s4 =	smul.u32 $0x1A, s4  }
0x14: {  	s17 =	sor.u32 $0x9, s2;
	[dreg:$0x4] =	wrdreg s3;
	s3 =	smul.u32 $0x61C000, s24  }
0x15: {  	s18 =	smul.u32 $0x4EC5, s17;
	s14 =	sshrl.u32 s10, $0x13;
	s6 =	sshrl.u32 s29, $0x13  }
0x16: {  	s6 =	smul.u32 $0x1A, s6;
	[dreg:$0x5] =	wrdreg s3;
	s3 =	ssub.s32 s25, s4  }
0x17: {  	s4 =	smul.u32 $0x1A, s14;
	s3 =	sand.u32 $0xFFFE, s3  }
0x18: {  	s8 =	sshrl.u32 s31, $0x13;
	s5 =	ssub.s32 s28, s6;
	s3 =	smul.u32 $0x61C000, s3  }
0x19: {  	s8 =	smul.u32 $0x1A, s8;
	s11 =	sand.u32 $0xFFFF, s5;
	s4 =	ssub.s32 s9, s4  }
0x1a: {  	s4 =	sand.u32 $0xFFFF, s4;
	[dreg:$0x6] =	wrdreg s3;
	s3 =	smul.u32 $0x61C000, s11  }
0x1b: {  	s4 =	smul.u32 $0x61C000, s4  }
0x1c: {  	s19 =	sshrl.u32 s16, $0x13;
	s13 =	ssub.s32 s30, s8;
	[dreg:$0x7] =	wrdreg s3  }
0x1d: {  	s3 =	sand.u32 $0xFFFE, s13;
	[dreg:$0x9] =	wrdreg s4;
	s4 =	smul.u32 $0x1A, s19  }
0x1e: {  	s21 =	sor.u32 $0xA, s2;
	s3 =	smul.u32 $0x61C000, s3  }
0x1f: {  	s20 =	sshrl.u32 s18, $0x13;
	s22 =	smul.u32 $0x4EC5, s21  }
0x20: {  	s8 =	smul.u32 $0x680, s12;
	[dreg:$0x8] =	wrdreg s3;
	s3 =	ssub.s32 s15, s4  }
0x21: {  	s5 =	smul.u32 $0x1A, s20;
	s3 =	sand.u32 $0xFFFE, s3  }
0x22: {  	s23 =	sor.u32 $0xB, s2;
	s3 =	smul.u32 $0x61C000, s3  }
0x23: {  	s10 =	rddreg [dreg:$0x0];
	s24 =	sshrl.u32 s22, $0x13;
	s11 =	smul.u32 $0x4EC5, s23  }
0x24: {  	s30 =	simm.s32 $0x0;
	[dreg:$0xa] =	wrdreg s3;
	s3 =	smul.u32 $0x1A, s24  }
0x25: {  	[smem:$0x7FF] =	sst s30;
	s28 =	sor.u32 $0xC, s2;
	s26 =	sshrl.u32 s11, $0x13  }
0x26: {  	s25 =	ssub.s32 s17, s5;
	s5 =	smul.u32 $0x1A, s26;
	s3 =	ssub.s32 s21, s3  }
0x27: {  	s6 =	ssub.s32 $0x2, s0;
	s2 =	sshrl.u32 s2, $0x3;
	s3 =	sand.u32 $0xFFFE, s3  }
0x28: {  	s4 =	sand.u32 $0xFFFF, s25;
	s5 =	ssub.s32 s23, s5;
	s3 =	smul.u32 $0x61C000, s3  }
0x29: {  	s9 =	rddreg [dreg:$0x1];
	s4 =	smul.u32 $0x61C000, s4;
	s31 =	sand.u32 $0xFFFF, s5  }
0x2a: {  	s2 =	sadd.s32 s2, s10;
	[dreg:$0xc] =	wrdreg s3;
	s3 =	smul.u32 $0x61C000, s31  }
0x2b: {  	s10 =	sadd.s32 $0x2000, s10;
	s14 =	smul.u32 $0x7B600000, s12;
	[dreg:$0xb] =	wrdreg s4  }
0x2c: {  	s2 =	sadd.s32 $0x1200, s2;
	s13 =	smul.u32 $0x340, s0;
	[dreg:$0xd] =	wrdreg s3  }
0x2d: {  	s0 =	smul.u32 $0x3DB00000, s0;
	_ =	strace $0x80000047;
	[dreg:$0xe] =	wrdreg s10  }
0x2e: {  	s1 =	sshll.u32 s1, $0x5;
	s16 =	sadd.s32 s13, s8;
	[dreg:$0xf] =	wrdreg s2  }
0x2f: {  	s0 =	sadd.s32 s0, s14;
	s18 =	sor.u32 $0xD, s16;
	[dreg:$0x11] =	wrdreg s1  }
0x30: {  	s0 =	sadd.s32 $0x98BC000, s0;
	[dreg:$0x13] =	wrdreg s18  }
0x31: {  	s19 =	sor.u32 $0xE, s16;
	[dreg:$0x14] =	wrdreg s0  }
0x32: {  	s20 =	sor.u32 $0xF, s16;
	[dreg:$0x15] =	wrdreg s19  }
0x33: {  	s21 =	sor.u32 $0x10, s16;
	[dreg:$0x16] =	wrdreg s20  }
0x34: {  	s22 =	sor.u32 $0x11, s16;
	[dreg:$0x17] =	wrdreg s21  }
0x35: {  	s29 =	smul.u32 $0x4EC5, s28;
	s23 =	sor.u32 $0x12, s16;
	[dreg:$0x18] =	wrdreg s22  }
0x36: {  	s11 =	sshrl.u32 s6, $0x1;
	s24 =	sor.u32 $0x13, s16;
	[dreg:$0x19] =	wrdreg s23  }
0x37: {  	s13 =	simm.s32 $0xDD80;
	s25 =	sor.u32 $0x14, s16;
	[dreg:$0x1a] =	wrdreg s24  }
0x38: {  	s14 =	simm.s32 $0xFD80;
	s26 =	sor.u32 $0x15, s16;
	[dreg:$0x1b] =	wrdreg s25  }
0x39: {  	s5 =	sshrl.u32 s29, $0x13;
	s29 =	sor.u32 $0x17, s16;
	[dreg:$0x1c] =	wrdreg s26  }
0x3a: {  	s30 =	sor.u32 $0x18, s16;
	s3 =	smul.u32 $0x1A, s5;
	[dreg:$0x1e] =	wrdreg s29  }
0x3b: {  	s31 =	sor.u32 $0x19, s16;
	s5 =	ssub.s32 s6, s11;
	[dreg:$0x1f] =	wrdreg s30  }
0x3c: {  	s17 =	smax.u32 s5, $0x1;
	[smem:$0x7FD] =	sst s31;
	s3 =	ssub.s32 s28, s3  }
0x3d: {  	v0 =	vlaneseq.u32;
	s19 =	simm.s32 $0x15D80;
	s20 =	simm.s32 $0x17D80;
	s15 =	sand.u32 $0xFFFE, s3  }
0x3e: {  	v0 =	vmul.u32 $0x80, v0;
	[dreg:$0x12] =	wrdreg s17;
	s28 =	sor.u32 $0x16, s16;
	s2 =	smul.u32 $0x61C000, s15  }
0x3f: {  	s21 =	simm.s32 $0x19D80;
	s16 =	simm.s32 $0x11D80;
	[dreg:$0x1d] =	wrdreg s28  }
0x40: {  	v1 =	vor.u32 $0x800, v0;
	v2 =	vor.u32 $0x1000, v0;
	v3 =	vor.u32 $0x1800, v0;
	s17 =	simm.s32 $0x13D80;
	[dreg:$0x10] =	wrdreg s2;
	s2 =	simm.s32 $0x0  }
.LBB2_1:
0x41: {  	[smem:$0x7FC] =	sst s2  }
0x42: {  	s0 =	simm.s32 $0x0;
	s1 =	rddreg [dreg:$0xf];
	s4 =	simm.s32 $0xF  }
0x43: {  	[tilespmem:s0], [sflag:$0xF] =	stream.linear.gather [hbm4b:s1+s0], $0x340, $0x38;
	[tilespmem:$0x1BD80] =	vst v63  }
0x44: {  	_ =	swait.ge [sflag:s4], $0x340  }
0x45: {  	[sflag:s4] =	ssyncset.done $0x0  }
0x46: {  	[sflag:s4] =	ssyncadd.s32 $0xFFFFFCC0  }
0x47: {  	v4 =	vld [tilespmem:$0x0];
	_ =	sdelay $0x4  }
0x48: {  	(v2sf) =	vpush v4, $0x0;
	_ =	sdelay $0xe  }
0x49: {  	s5 =	spop (v2sf)  }
0x4a: {  	s2 =	simm.s32 $0x400;
	s0 =	sand.u32 $0xFFFFF80, s5  }
0x4b: {  	s3 =	simm.s32 $0xC3800;
	s6 =	simm.s32 $0x1D80;
	s0 =	sadd.s32 s9, s0  }
0x4c: {  	[tilespmem:s6], [sflag:$0x2] =	stream.strided.gather [hbm4b:s0+s2], $0x2000, s3, s2, $0x38;
	[tilespmem:$0x1BD80] =	vst v63  }
0x4d: {  	v4 =	vld [tilespmem:$0x1];
	_ =	sdelay $0x4  }
0x4e: {  	(v2sf) =	vpush v4, $0x0;
	_ =	sdelay $0xe  }
0x4f: {  	s7 =	spop (v2sf)  }
0x50: {  	s0 =	sshll.u32 s7, $0x3  }
0x51: {  	s8 =	rddreg [dreg:$0x3];
	s0 =	sand.u32 $0x7FFFFC00, s0  }
0x52: {  	s0 =	sadd.s32 s8, s0  }
0x53: {  	s0 =	sshrl.u32 s0, $0x3  }
0x54: {  	s10 =	simm.s32 $0x3D80;
	s0 =	sadd.s32 s9, s0  }
0x55: {  	[tilespmem:s10], [sflag:$0x3] =	stream.strided.gather [hbm4b:s0+s2], $0x2000, s3, s2, $0x38;
	[tilespmem:$0x1BD80] =	vst v63  }
0x56: {  	v4 =	vld [tilespmem:$0x2];
	_ =	sdelay $0x4  }
0x57: {  	(v2sf) =	vpush v4, $0x0;
	_ =	sdelay $0xe  }
0x58: {  	s11 =	spop (v2sf)  }
0x59: {  	s0 =	sshll.u32 s11, $0x3  }
0x5a: {  	s12 =	rddreg [dreg:$0x4];
	s0 =	sand.u32 $0x7FFFFC00, s0  }
0x5b: {  	s0 =	sadd.s32 s12, s0  }
0x5c: {  	s0 =	sshrl.u32 s0, $0x3  }
0x5d: {  	s15 =	simm.s32 $0x5D80;
	s0 =	sadd.s32 s9, s0  }
0x5e: {  	[tilespmem:s15], [sflag:$0x4] =	stream.strided.gather [hbm4b:s0+s2], $0x2000, s3, s2, $0x38;
	[tilespmem:$0x1BD80] =	vst v63  }
0x5f: {  	v4 =	vld [tilespmem:$0x3];
	_ =	sdelay $0x4  }
0x60: {  	(v2sf) =	vpush v4, $0x0;
	_ =	sdelay $0xe  }
0x61: {  	s18 =	spop (v2sf)  }
0x62: {  	s0 =	sshll.u32 s18, $0x3  }
0x63: {  	s22 =	rddreg [dreg:$0x5];
	s0 =	sand.u32 $0x7FFFFC00, s0  }
0x64: {  	s0 =	sadd.s32 s22, s0  }
0x65: {  	s0 =	sshrl.u32 s0, $0x3  }
0x66: {  	s23 =	simm.s32 $0x7D80;
	s0 =	sadd.s32 s9, s0  }
0x67: {  	[tilespmem:s23], [sflag:$0x5] =	stream.strided.gather [hbm4b:s0+s2], $0x2000, s3, s2, $0x38;
	[tilespmem:$0x1BD80] =	vst v63  }
0x68: {  	v4 =	vld [tilespmem:$0x4];
	_ =	sdelay $0x4  }
0x69: {  	(v2sf) =	vpush v4, $0x0;
	_ =	sdelay $0xe  }
0x6a: {  	s24 =	spop (v2sf)  }
0x6b: {  	s0 =	sshll.u32 s24, $0x3  }
0x6c: {  	s25 =	rddreg [dreg:$0x6];
	s0 =	sand.u32 $0x7FFFFC00, s0  }
0x6d: {  	s0 =	sadd.s32 s25, s0  }
0x6e: {  	s0 =	sshrl.u32 s0, $0x3  }
0x6f: {  	s26 =	simm.s32 $0x9D80;
	s0 =	sadd.s32 s9, s0  }
0x70: {  	[tilespmem:s26], [sflag:$0x6] =	stream.strided.gather [hbm4b:s0+s2], $0x2000, s3, s2, $0x38;
	[tilespmem:$0x1BD80] =	vst v63  }
0x71: {  	v4 =	vld [tilespmem:$0x5];
	_ =	sdelay $0x4  }
0x72: {  	(v2sf) =	vpush v4, $0x0;
	_ =	sdelay $0xe  }
0x73: {  	s1 =	spop (v2sf)  }
0x74: {  	s0 =	sshll.u32 s1, $0x3  }
0x75: {  	s4 =	rddreg [dreg:$0x7];
	s0 =	sand.u32 $0x7FFFFC00, s0  }
0x76: {  	s0 =	sadd.s32 s4, s0  }
0x77: {  	s0 =	sshrl.u32 s0, $0x3  }
0x78: {  	s5 =	simm.s32 $0xBD80;
	s0 =	sadd.s32 s9, s0  }
0x79: {  	[tilespmem:s5], [sflag:$0x7] =	stream.strided.gather [hbm4b:s0+s2], $0x2000, s3, s2, $0x38;
	[tilespmem:$0x1BD80] =	vst v63  }
0x7a: {  	v4 =	vld [tilespmem:$0x6];
	_ =	sdelay $0x4  }
0x7b: {  	(v2sf) =	vpush v4, $0x0;
	_ =	sdelay $0xe  }
0x7c: {  	s6 =	spop (v2sf)  }
0x7d: {  	s0 =	sshll.u32 s6, $0x3  }
0x7e: {  	s7 =	rddreg [dreg:$0x8];
	s0 =	sand.u32 $0x7FFFFC00, s0  }
0x7f: {  	s0 =	sadd.s32 s7, s0  }
0x80: {  	s0 =	sshrl.u32 s0, $0x3  }
0x81: {  	s0 =	sadd.s32 s9, s0  }
0x82: {  	[tilespmem:s13], [sflag:$0x8] =	stream.strided.gather [hbm4b:s0+s2], $0x2000, s3, s2, $0x38;
	[tilespmem:$0x1BD80] =	vst v63  }
0x83: {  	v4 =	vld [tilespmem:$0x7];
	_ =	sdelay $0x4  }
0x84: {  	(v2sf) =	vpush v4, $0x0;
	_ =	sdelay $0xe  }
0x85: {  	s8 =	spop (v2sf)  }
0x86: {  	s0 =	sshll.u32 s8, $0x3  }
0x87: {  	s10 =	rddreg [dreg:$0x9];
	s0 =	sand.u32 $0x7FFFFC00, s0  }
0x88: {  	s0 =	sadd.s32 s10, s0  }
0x89: {  	s0 =	sshrl.u32 s0, $0x3  }
0x8a: {  	s0 =	sadd.s32 s9, s0  }
0x8b: {  	[tilespmem:s14], [sflag:$0x9] =	stream.strided.gather [hbm4b:s0+s2], $0x2000, s3, s2, $0x38;
	[tilespmem:$0x1BD80] =	vst v63  }
0x8c: {  	v4 =	vld [tilespmem:$0x8];
	_ =	sdelay $0x4  }
0x8d: {  	(v2sf) =	vpush v4, $0x0;
	_ =	sdelay $0xe  }
0x8e: {  	s11 =	spop (v2sf)  }
0x8f: {  	s0 =	sshll.u32 s11, $0x3  }
0x90: {  	s12 =	rddreg [dreg:$0xa];
	s0 =	sand.u32 $0x7FFFFC00, s0  }
0x91: {  	s0 =	sadd.s32 s12, s0  }
0x92: {  	s0 =	sshrl.u32 s0, $0x3  }
0x93: {  	s0 =	sadd.s32 s9, s0  }
0x94: {  	[tilespmem:s16], [sflag:$0xA] =	stream.strided.gather [hbm4b:s0+s2], $0x2000, s3, s2, $0x38;
	[tilespmem:$0x1BD80] =	vst v63  }
0x95: {  	v4 =	vld [tilespmem:$0x9];
	_ =	sdelay $0x4  }
0x96: {  	(v2sf) =	vpush v4, $0x0;
	_ =	sdelay $0xe  }
0x97: {  	s13 =	spop (v2sf)  }
0x98: {  	s0 =	sshll.u32 s13, $0x3  }
0x99: {  	s15 =	rddreg [dreg:$0xb];
	s0 =	sand.u32 $0x7FFFFC00, s0  }
0x9a: {  	s0 =	sadd.s32 s15, s0  }
0x9b: {  	s0 =	sshrl.u32 s0, $0x3  }
0x9c: {  	s0 =	sadd.s32 s9, s0  }
0x9d: {  	[tilespmem:s17], [sflag:$0xB] =	stream.strided.gather [hbm4b:s0+s2], $0x2000, s3, s2, $0x38;
	[tilespmem:$0x1BD80] =	vst v63  }
0x9e: {  	v4 =	vld [tilespmem:$0xA];
	_ =	sdelay $0x4  }
0x9f: {  	(v2sf) =	vpush v4, $0x0;
	_ =	sdelay $0xe  }
0xa0: {  	s18 =	spop (v2sf)  }
0xa1: {  	s0 =	sshll.u32 s18, $0x3  }
0xa2: {  	s22 =	rddreg [dreg:$0xc];
	s0 =	sand.u32 $0x7FFFFC00, s0  }
0xa3: {  	s0 =	sadd.s32 s22, s0  }
0xa4: {  	s0 =	sshrl.u32 s0, $0x3  }
0xa5: {  	s0 =	sadd.s32 s9, s0  }
0xa6: {  	[tilespmem:s19], [sflag:$0xC] =	stream.strided.gather [hbm4b:s0+s2], $0x2000, s3, s2, $0x38;
	[tilespmem:$0x1BD80] =	vst v63  }
0xa7: {  	v4 =	vld [tilespmem:$0xB];
	_ =	sdelay $0x4  }
0xa8: {  	(v2sf) =	vpush v4, $0x0;
	_ =	sdelay $0xe  }
0xa9: {  	s23 =	spop (v2sf)  }
0xaa: {  	s0 =	sshll.u32 s23, $0x3  }
0xab: {  	s24 =	rddreg [dreg:$0xd];
	s0 =	sand.u32 $0x7FFFFC00, s0  }
0xac: {  	s0 =	sadd.s32 s24, s0  }
0xad: {  	s0 =	sshrl.u32 s0, $0x3  }
0xae: {  	s0 =	sadd.s32 s9, s0  }
0xaf: {  	[tilespmem:s20], [sflag:$0xD] =	stream.strided.gather [hbm4b:s0+s2], $0x2000, s3, s2, $0x38;
	[tilespmem:$0x1BD80] =	vst v63  }
0xb0: {  	v4 =	vld [tilespmem:$0xC];
	_ =	sdelay $0x4  }
0xb1: {  	(v2sf) =	vpush v4, $0x0;
	_ =	sdelay $0x7  }
0xb2: {  	s28 =	rddreg [dreg:$0x18]  }
0xb3: {  	s29 =	rddreg [dreg:$0x17]  }
0xb4: {  	s30 =	rddreg [dreg:$0x16]  }
0xb5: {  	s31 =	rddreg [dreg:$0x15]  }
0xb6: {  	s26 =	rddreg [dreg:$0x10]  }
0xb7: {  	s8 =	rddreg [dreg:$0x14]  }
0xb8: {  	s15 =	rddreg [dreg:$0x1f]  }
0xb9: {  	s18 =	rddreg [dreg:$0x1e];
	s25 =	spop (v2sf)  }
0xba: {  	s22 =	rddreg [dreg:$0x1d];
	s0 =	sshll.u32 s25, $0x3  }
0xbb: {  	s23 =	rddreg [dreg:$0x1c];
	s0 =	sand.u32 $0x7FFFFC00, s0  }
0xbc: {  	s24 =	rddreg [dreg:$0x1b];
	s0 =	sadd.s32 s26, s0  }
0xbd: {  	s25 =	rddreg [dreg:$0x1a];
	s0 =	sshrl.u32 s0, $0x3  }
0xbe: {  	s26 =	rddreg [dreg:$0x19];
	s0 =	sadd.s32 s9, s0  }
0xbf: {  	[tilespmem:s21], [sflag:$0xE] =	stream.strided.gather [hbm4b:s0+s2], $0x2000, s3, s2, $0x38;
	[tilespmem:$0x1BD80] =	vst v63  }
0xc0: {  	s2 =	sld [smem:$0x7FD]  }
0xc1: {  	s12 =	simm.s32 $0x0;
	s3 =	simm.s32 $0xD;
	s0 =	rddreg [dreg:$0x13]  }
.LBB2_2:
0xc2: {  	s1 =	sand.u32 $0x1, s12;
	p0 =	slt.u32 s12, $0x8  }
0xc3: {  	p1 =	sne.s32 @!p0 s1, $0x0  }
0xc4: {  	p0 =	por p1, p0  }
0xc5: {  	s4 =	simm.s32 @!p0 $0x1  }
0xc6: {  	_ =	swait.ge @!p0 [sflag:s4], $0x680  }
0xc7: {  	[sflag:s4] =	ssyncset.done @!p0 $0x0  }
0xc8: {  	s6 =	simm.s32 $0x2;
	[sflag:s4] =	ssyncadd.s32 @!p0 $0xFFFFF980  }
0xc9: {  	_ =	swait.ge [sflag:s6], $0x2000  }
0xca: {  	[sflag:s6] =	ssyncset.done $0x0  }
0xcb: {  	[sflag:s6] =	ssyncadd.s32 $0xFFFFE000  }
0xcc: {  	v4 =	vld [tilespmem:s3+$0xFFFFFFF3];
	_ =	sdelay $0x4  }
0xcd: {  	(v2sf) =	vpush v4, $0x0;
	_ =	sdelay $0xe  }
0xce: {  	s7 =	spop (v2sf)  }
0xcf: {  	s5 =	sand.u32 $0x7F, s7  }
0xd0: {  	v4 =	vor.u32 s5, v0;
	_ =	sdelay $0x1  }
0xd1: {  	s10 =	sshrl.u32 s12, $0x1  }
0xd2: {  	s4 =	sand.u32 $0x3, s10  }
0xd3: {  	s11 =	simm.s32 $0x1D80;
	s4 =	smul.u32 $0x680, s4  }
0xd4: {  	s6 =	smul.u32 $0x340, s1;
	v4 =	vld.idx.msk [tilespmem:v4+s11+$0x0], $0xffff  }
0xd5: {  	v5 =	vor.u32 s5, v1  }
0xd6: {  	s4 =	sadd.s32 s6, s4  }
0xd7: {  	s10 =	sand.u32 $0x40, s6;
	s7 =	sand.u32 $0x3F80, s4  }
0xd8: {  	s6 =	sor.u32 s10, s7  }
0xd9: {  	[tilespmem:s6+$0x380] =	vst v4  }
0xda: {  	v4 =	vld.idx.msk [tilespmem:v5+s11+$0x0], $0xffff  }
0xdb: {  	v5 =	vor.u32 s5, v2;
	_ =	sdelay $0x3  }
0xdc: {  	[tilespmem:s6+$0x390] =	vst v4  }
0xdd: {  	v4 =	vld.idx.msk [tilespmem:v5+s11+$0x0], $0xffff  }
0xde: {  	v5 =	vor.u32 s5, v3;
	_ =	sdelay $0x3  }
0xdf: {  	[tilespmem:s6+$0x3A0] =	vst v4  }
0xe0: {  	v4 =	vld.idx.msk [tilespmem:v5+s11+$0x0], $0xffff;
	_ =	sdelay $0x4  }
0xe1: {  	p0 =	seq.s32 s12, $0x3F;
	[tilespmem:s6+$0x3B0] =	vst v4  }
0xe2: {  	v4 =	vld @!p0 [tilespmem:s3+$0x0];
	_ =	sdelay $0x4  }
0xe3: {  	(v2sf) =	vpush @!p0 v4, $0x0;
	_ =	sdelay $0xd  }
0xe4: {  	s11 =	smulhi.u32 $0x4EC4EC4F, s0  }
0xe5: {  	s6 =	spop @!p0 (v2sf)  }
0xe6: {  	s5 =	sshrl.u32 s11, $0x3;
	s6 =	sshll.u32 @!p0 s6, $0x3  }
0xe7: {  	s5 =	smul.u32 $0xF6128000, s5;
	s6 =	sand.u32 @!p0 $0x7FFFFC00, s6  }
0xe8: {  	s6 =	sadd.s32 @!p0 s6, s8  }
0xe9: {  	s5 =	sadd.s32 @!p0 s5, s6  }
0xea: {  	s5 =	sadd.s32 @!p0 $0xFB6B0000, s5  }
0xeb: {  	s13 =	simm.s32 @!p0 $0x1D80;
	s5 =	sshrl.u32 @!p0 s5, $0x3  }
0xec: {  	s6 =	simm.s32 @!p0 $0xC3800;
	s11 =	sadd.s32 @!p0 s9, s5;
	s5 =	simm.s32 @!p0 $0x400  }
0xed: {  	[tilespmem:s13], [sflag:$0x2] =	stream.strided.gather @!p0 [hbm4b:s11+s5], $0x2000, s6, s5, $0x38;
	[tilespmem:$0x1BD80] =	vst v63  }
0xee: {  	s13 =	simm.s32 $0x3  }
0xef: {  	_ =	swait.ge [sflag:s13], $0x2000  }
0xf0: {  	[sflag:s13] =	ssyncset.done $0x0  }
0xf1: {  	[sflag:s13] =	ssyncadd.s32 $0xFFFFE000  }
0xf2: {  	v4 =	vld [tilespmem:s3+$0xFFFFFFF4];
	_ =	sdelay $0x4  }
0xf3: {  	(v2sf) =	vpush v4, $0x0;
	_ =	sdelay $0xe  }
0xf4: {  	s13 =	spop (v2sf)  }
0xf5: {  	s11 =	sand.u32 $0x7F, s13  }
0xf6: {  	v4 =	vor.u32 s11, v0;
	_ =	sdelay $0x3  }
0xf7: {  	s13 =	simm.s32 $0x3D80  }
0xf8: {  	v4 =	vld.idx.msk [tilespmem:v4+s13+$0x0], $0xffff  }
0xf9: {  	v5 =	vor.u32 s11, v1;
	_ =	sdelay $0x3  }
0xfa: {  	[tilespmem:s4+$0x3C0] =	vst v4  }
0xfb: {  	v4 =	vld.idx.msk [tilespmem:v5+s13+$0x0], $0xffff  }
0xfc: {  	v5 =	vor.u32 s11, v2;
	_ =	sdelay $0x3  }
0xfd: {  	[tilespmem:s4+$0x3D0] =	vst v4  }
0xfe: {  	v4 =	vld.idx.msk [tilespmem:v5+s13+$0x0], $0xffff  }
0xff: {  	v5 =	vor.u32 s11, v3;
	_ =	sdelay $0x3  }
0x100: {  	[tilespmem:s4+$0x3E0] =	vst v4  }
0x101: {  	v4 =	vld.idx.msk [tilespmem:v5+s13+$0x0], $0xffff;
	_ =	sdelay $0x4  }
0x102: {  	[tilespmem:s4+$0x3F0] =	vst v4  }
0x103: {  	v4 =	vld @!p0 [tilespmem:s3+$0x1];
	_ =	sdelay $0x4  }
0x104: {  	(v2sf) =	vpush @!p0 v4, $0x0;
	_ =	sdelay $0xd  }
0x105: {  	s11 =	smulhi.u32 $0x4EC4EC4F, s31  }
0x106: {  	s13 =	spop @!p0 (v2sf)  }
0x107: {  	s11 =	sshrl.u32 s11, $0x3;
	s13 =	sshll.u32 @!p0 s13, $0x3  }
0x108: {  	s11 =	smul.u32 $0xF6128000, s11;
	s13 =	sand.u32 @!p0 $0x7FFFFC00, s13  }
0x109: {  	s13 =	sadd.s32 @!p0 s13, s8  }
0x10a: {  	s11 =	sadd.s32 @!p0 s11, s13  }
0x10b: {  	s11 =	sadd.s32 @!p0 $0xFBCCC000, s11  }
0x10c: {  	s11 =	sshrl.u32 @!p0 s11, $0x3  }
0x10d: {  	s13 =	simm.s32 @!p0 $0x3D80;
	s11 =	sadd.s32 @!p0 s9, s11  }
0x10e: {  	[tilespmem:s13], [sflag:$0x3] =	stream.strided.gather @!p0 [hbm4b:s11+s5], $0x2000, s6, s5, $0x38;
	[tilespmem:$0x1BD80] =	vst v63  }
0x10f: {  	s13 =	simm.s32 $0x4  }
0x110: {  	_ =	swait.ge [sflag:s13], $0x2000  }
0x111: {  	[sflag:s13] =	ssyncset.done $0x0  }
0x112: {  	[sflag:s13] =	ssyncadd.s32 $0xFFFFE000  }
0x113: {  	v4 =	vld [tilespmem:s3+$0xFFFFFFF5];
	_ =	sdelay $0x4  }
0x114: {  	(v2sf) =	vpush v4, $0x0;
	_ =	sdelay $0xe  }
0x115: {  	s13 =	spop (v2sf)  }
0x116: {  	s11 =	sand.u32 $0x7F, s13  }
0x117: {  	v4 =	vor.u32 s11, v0;
	_ =	sdelay $0x3  }
0x118: {  	s13 =	simm.s32 $0x5D80  }
0x119: {  	v4 =	vld.idx.msk [tilespmem:v4+s13+$0x0], $0xffff  }
0x11a: {  	v5 =	vor.u32 s11, v1;
	_ =	sdelay $0x2  }
0x11b: {  	s7 =	sadd.s32 s10, s7  }
0x11c: {  	[tilespmem:s7+$0x400] =	vst v4  }
0x11d: {  	v4 =	vld.idx.msk [tilespmem:v5+s13+$0x0], $0xffff  }
0x11e: {  	v5 =	vor.u32 s11, v2;
	_ =	sdelay $0x3  }
0x11f: {  	[tilespmem:s4+$0x410] =	vst v4  }
0x120: {  	v4 =	vld.idx.msk [tilespmem:v5+s13+$0x0], $0xffff  }
0x121: {  	v5 =	vor.u32 s11, v3;
	_ =	sdelay $0x3  }
0x122: {  	[tilespmem:s4+$0x420] =	vst v4  }
0x123: {  	v4 =	vld.idx.msk [tilespmem:v5+s13+$0x0], $0xffff;
	_ =	sdelay $0x4  }
0x124: {  	[tilespmem:s4+$0x430] =	vst v4  }
0x125: {  	v4 =	vld @!p0 [tilespmem:s3+$0x2];
	_ =	sdelay $0x4  }
0x126: {  	(v2sf) =	vpush @!p0 v4, $0x0;
	_ =	sdelay $0xd  }
0x127: {  	s13 =	smulhi.u32 $0x4EC4EC4F, s30  }
0x128: {  	s11 =	spop @!p0 (v2sf)  }
0x129: {  	s10 =	sshrl.u32 s13, $0x3;
	s11 =	sshll.u32 @!p0 s11, $0x3  }
0x12a: {  	s10 =	smul.u32 $0xF6128000, s10;
	s11 =	sand.u32 @!p0 $0x7FFFFC00, s11  }
0x12b: {  	s11 =	sadd.s32 @!p0 s11, s8  }
0x12c: {  	s10 =	sadd.s32 @!p0 s10, s11  }
0x12d: {  	s10 =	sadd.s32 @!p0 $0xFC2E8000, s10  }
0x12e: {  	s10 =	sshrl.u32 @!p0 s10, $0x3  }
0x12f: {  	s13 =	simm.s32 $0x5;
	s11 =	simm.s32 @!p0 $0x5D80;
	s10 =	sadd.s32 @!p0 s9, s10  }
0x130: {  	[tilespmem:s11], [sflag:$0x4] =	stream.strided.gather @!p0 [hbm4b:s10+s5], $0x2000, s6, s5, $0x38;
	[tilespmem:$0x1BD80] =	vst v63  }
0x131: {  	_ =	swait.ge [sflag:s13], $0x2000  }
0x132: {  	[sflag:s13] =	ssyncset.done $0x0  }
0x133: {  	[sflag:s13] =	ssyncadd.s32 $0xFFFFE000  }
0x134: {  	v4 =	vld [tilespmem:s3+$0xFFFFFFF6];
	_ =	sdelay $0x4  }
0x135: {  	(v2sf) =	vpush v4, $0x0;
	_ =	sdelay $0xe  }
0x136: {  	s11 =	spop (v2sf)  }
0x137: {  	s10 =	sand.u32 $0x7F, s11  }
0x138: {  	v4 =	vor.u32 s10, v0;
	_ =	sdelay $0x3  }
0x139: {  	s13 =	simm.s32 $0x7D80  }
0x13a: {  	v4 =	vld.idx.msk [tilespmem:v4+s13+$0x0], $0xffff  }
0x13b: {  	v5 =	vor.u32 s10, v1;
	_ =	sdelay $0x3  }
0x13c: {  	[tilespmem:s4+$0x440] =	vst v4  }
0x13d: {  	v4 =	vld.idx.msk [tilespmem:v5+s13+$0x0], $0xffff  }
0x13e: {  	v5 =	vor.u32 s10, v2;
	_ =	sdelay $0x3  }
0x13f: {  	[tilespmem:s4+$0x450] =	vst v4  }
0x140: {  	v4 =	vld.idx.msk [tilespmem:v5+s13+$0x0], $0xffff  }
0x141: {  	v5 =	vor.u32 s10, v3;
	_ =	sdelay $0x3  }
0x142: {  	[tilespmem:s4+$0x460] =	vst v4  }
0x143: {  	v4 =	vld.idx.msk [tilespmem:v5+s13+$0x0], $0xffff;
	_ =	sdelay $0x4  }
0x144: {  	[tilespmem:s4+$0x470] =	vst v4  }
0x145: {  	v4 =	vld @!p0 [tilespmem:s3+$0x3];
	_ =	sdelay $0x4  }
0x146: {  	(v2sf) =	vpush @!p0 v4, $0x0;
	_ =	sdelay $0xd  }
0x147: {  	s13 =	smulhi.u32 $0x4EC4EC4F, s29  }
0x148: {  	s11 =	spop @!p0 (v2sf)  }
0x149: {  	s10 =	sshrl.u32 s13, $0x3;
	s11 =	sshll.u32 @!p0 s11, $0x3  }
0x14a: {  	s10 =	smul.u32 $0xF6128000, s10;
	s11 =	sand.u32 @!p0 $0x7FFFFC00, s11  }
0x14b: {  	s11 =	sadd.s32 @!p0 s11, s8  }
0x14c: {  	s10 =	sadd.s32 @!p0 s10, s11  }
0x14d: {  	s10 =	sadd.s32 @!p0 $0xFC904000, s10  }
0x14e: {  	s10 =	sshrl.u32 @!p0 s10, $0x3  }
0x14f: {  	s13 =	simm.s32 $0x6;
	s11 =	simm.s32 @!p0 $0x7D80;
	s10 =	sadd.s32 @!p0 s9, s10  }
0x150: {  	[tilespmem:s11], [sflag:$0x5] =	stream.strided.gather @!p0 [hbm4b:s10+s5], $0x2000, s6, s5, $0x38;
	[tilespmem:$0x1BD80] =	vst v63  }
0x151: {  	_ =	swait.ge [sflag:s13], $0x2000  }
0x152: {  	[sflag:s13] =	ssyncset.done $0x0  }
0x153: {  	[sflag:s13] =	ssyncadd.s32 $0xFFFFE000  }
0x154: {  	v4 =	vld [tilespmem:s3+$0xFFFFFFF7];
	_ =	sdelay $0x4  }
0x155: {  	(v2sf) =	vpush v4, $0x0;
	_ =	sdelay $0xe  }
0x156: {  	s11 =	spop (v2sf)  }
0x157: {  	s10 =	sand.u32 $0x7F, s11  }
0x158: {  	v4 =	vor.u32 s10, v0;
	_ =	sdelay $0x3  }
0x159: {  	s13 =	simm.s32 $0x9D80  }
0x15a: {  	v4 =	vld.idx.msk [tilespmem:v4+s13+$0x0], $0xffff  }
0x15b: {  	v5 =	vor.u32 s10, v1;
	_ =	sdelay $0x3  }
0x15c: {  	[tilespmem:s7+$0x480] =	vst v4  }
0x15d: {  	v4 =	vld.idx.msk [tilespmem:v5+s13+$0x0], $0xffff  }
0x15e: {  	v5 =	vor.u32 s10, v2;
	_ =	sdelay $0x3  }
0x15f: {  	[tilespmem:s4+$0x490] =	vst v4  }
0x160: {  	v4 =	vld.idx.msk [tilespmem:v5+s13+$0x0], $0xffff  }
0x161: {  	v5 =	vor.u32 s10, v3;
	_ =	sdelay $0x3  }
0x162: {  	[tilespmem:s4+$0x4A0] =	vst v4  }
0x163: {  	v4 =	vld.idx.msk [tilespmem:v5+s13+$0x0], $0xffff;
	_ =	sdelay $0x4  }
0x164: {  	[tilespmem:s4+$0x4B0] =	vst v4  }
0x165: {  	v4 =	vld @!p0 [tilespmem:s3+$0x4];
	_ =	sdelay $0x4  }
0x166: {  	(v2sf) =	vpush @!p0 v4, $0x0;
	_ =	sdelay $0xd  }
0x167: {  	s13 =	smulhi.u32 $0x4EC4EC4F, s28  }
0x168: {  	s11 =	spop @!p0 (v2sf)  }
0x169: {  	s10 =	sshrl.u32 s13, $0x3;
	s11 =	sshll.u32 @!p0 s11, $0x3  }
0x16a: {  	s10 =	smul.u32 $0xF6128000, s10;
	s11 =	sand.u32 @!p0 $0x7FFFFC00, s11  }
0x16b: {  	s11 =	sadd.s32 @!p0 s11, s8  }
0x16c: {  	s10 =	sadd.s32 @!p0 s10, s11  }
0x16d: {  	s10 =	sadd.s32 @!p0 $0xFCF20000, s10  }
0x16e: {  	s10 =	sshrl.u32 @!p0 s10, $0x3  }
0x16f: {  	s13 =	simm.s32 $0x7;
	s11 =	simm.s32 @!p0 $0x9D80;
	s10 =	sadd.s32 @!p0 s9, s10  }
0x170: {  	[tilespmem:s11], [sflag:$0x6] =	stream.strided.gather @!p0 [hbm4b:s10+s5], $0x2000, s6, s5, $0x38;
	[tilespmem:$0x1BD80] =	vst v63  }
0x171: {  	_ =	swait.ge [sflag:s13], $0x2000  }
0x172: {  	[sflag:s13] =	ssyncset.done $0x0  }
0x173: {  	[sflag:s13] =	ssyncadd.s32 $0xFFFFE000  }
0x174: {  	v4 =	vld [tilespmem:s3+$0xFFFFFFF8];
	_ =	sdelay $0x4  }
0x175: {  	(v2sf) =	vpush v4, $0x0;
	_ =	sdelay $0xe  }
0x176: {  	s11 =	spop (v2sf)  }
0x177: {  	s10 =	sand.u32 $0x7F, s11  }
0x178: {  	v4 =	vor.u32 s10, v0;
	_ =	sdelay $0x3  }
0x179: {  	s13 =	simm.s32 $0xBD80  }
0x17a: {  	v4 =	vld.idx.msk [tilespmem:v4+s13+$0x0], $0xffff  }
0x17b: {  	v5 =	vor.u32 s10, v1;
	_ =	sdelay $0x3  }
0x17c: {  	[tilespmem:s4+$0x4C0] =	vst v4  }
0x17d: {  	v4 =	vld.idx.msk [tilespmem:v5+s13+$0x0], $0xffff  }
0x17e: {  	v5 =	vor.u32 s10, v2;
	_ =	sdelay $0x3  }
0x17f: {  	[tilespmem:s4+$0x4D0] =	vst v4  }
0x180: {  	v4 =	vld.idx.msk [tilespmem:v5+s13+$0x0], $0xffff  }
0x181: {  	v5 =	vor.u32 s10, v3;
	_ =	sdelay $0x3  }
0x182: {  	[tilespmem:s4+$0x4E0] =	vst v4  }
0x183: {  	v4 =	vld.idx.msk [tilespmem:v5+s13+$0x0], $0xffff;
	_ =	sdelay $0x4  }
0x184: {  	[tilespmem:s4+$0x4F0] =	vst v4  }
0x185: {  	v4 =	vld @!p0 [tilespmem:s3+$0x5];
	_ =	sdelay $0x4  }
0x186: {  	(v2sf) =	vpush @!p0 v4, $0x0;
	_ =	sdelay $0xd  }
0x187: {  	s13 =	smulhi.u32 $0x4EC4EC4F, s26  }
0x188: {  	s11 =	spop @!p0 (v2sf)  }
0x189: {  	s10 =	sshrl.u32 s13, $0x3;
	s11 =	sshll.u32 @!p0 s11, $0x3  }
0x18a: {  	s10 =	smul.u32 $0xF6128000, s10;
	s11 =	sand.u32 @!p0 $0x7FFFFC00, s11  }
0x18b: {  	s11 =	sadd.s32 @!p0 s11, s8  }
0x18c: {  	s10 =	sadd.s32 @!p0 s10, s11  }
0x18d: {  	s10 =	sadd.s32 @!p0 $0xFD53C000, s10  }
0x18e: {  	s10 =	sshrl.u32 @!p0 s10, $0x3  }
0x18f: {  	s11 =	simm.s32 @!p0 $0xBD80;
	s10 =	sadd.s32 @!p0 s9, s10  }
0x190: {  	[tilespmem:s11], [sflag:$0x7] =	stream.strided.gather @!p0 [hbm4b:s10+s5], $0x2000, s6, s5, $0x38;
	[tilespmem:$0x1BD80] =	vst v63  }
0x191: {  	s11 =	simm.s32 $0x8  }
0x192: {  	_ =	swait.ge [sflag:s11], $0x2000  }
0x193: {  	[sflag:s11] =	ssyncset.done $0x0  }
0x194: {  	[sflag:s11] =	ssyncadd.s32 $0xFFFFE000  }
0x195: {  	v4 =	vld [tilespmem:s3+$0xFFFFFFF9];
	_ =	sdelay $0x4  }
0x196: {  	(v2sf) =	vpush v4, $0x0;
	_ =	sdelay $0xe  }
0x197: {  	s13 =	spop (v2sf)  }
0x198: {  	s10 =	sand.u32 $0x7F, s13  }
0x199: {  	v4 =	vor.u32 s10, v0;
	_ =	sdelay $0x3  }
0x19a: {  	s11 =	simm.s32 $0xDD80  }
0x19b: {  	v4 =	vld.idx.msk [tilespmem:v4+s11+$0x0], $0xffff  }
0x19c: {  	v5 =	vor.u32 s10, v1;
	_ =	sdelay $0x3  }
0x19d: {  	[tilespmem:s7+$0x500] =	vst v4  }
0x19e: {  	v4 =	vld.idx.msk [tilespmem:v5+s11+$0x0], $0xffff  }
0x19f: {  	v5 =	vor.u32 s10, v2;
	_ =	sdelay $0x3  }
0x1a0: {  	[tilespmem:s4+$0x510] =	vst v4  }
0x1a1: {  	v4 =	vld.idx.msk [tilespmem:v5+s11+$0x0], $0xffff  }
0x1a2: {  	v5 =	vor.u32 s10, v3;
	_ =	sdelay $0x3  }
0x1a3: {  	[tilespmem:s4+$0x520] =	vst v4  }
0x1a4: {  	v4 =	vld.idx.msk [tilespmem:v5+s11+$0x0], $0xffff;
	_ =	sdelay $0x4  }
0x1a5: {  	[tilespmem:s4+$0x530] =	vst v4  }
0x1a6: {  	v4 =	vld @!p0 [tilespmem:s3+$0x6];
	_ =	sdelay $0x4  }
0x1a7: {  	(v2sf) =	vpush @!p0 v4, $0x0;
	_ =	sdelay $0xd  }
0x1a8: {  	s10 =	smulhi.u32 $0x4EC4EC4F, s25  }
0x1a9: {  	s11 =	spop @!p0 (v2sf)  }
0x1aa: {  	s10 =	sshrl.u32 s10, $0x3;
	s11 =	sshll.u32 @!p0 s11, $0x3  }
0x1ab: {  	s10 =	smul.u32 $0xF6128000, s10;
	s11 =	sand.u32 @!p0 $0x7FFFFC00, s11  }
0x1ac: {  	s11 =	sadd.s32 @!p0 s11, s8  }
0x1ad: {  	s10 =	sadd.s32 @!p0 s10, s11  }
0x1ae: {  	s10 =	sadd.s32 @!p0 $0xFDB58000, s10  }
0x1af: {  	s10 =	sshrl.u32 @!p0 s10, $0x3  }
0x1b0: {  	s11 =	simm.s32 @!p0 $0xDD80;
	s10 =	sadd.s32 @!p0 s9, s10  }
0x1b1: {  	[tilespmem:s11], [sflag:$0x8] =	stream.strided.gather @!p0 [hbm4b:s10+s5], $0x2000, s6, s5, $0x38;
	[tilespmem:$0x1BD80] =	vst v63  }
0x1b2: {  	s11 =	simm.s32 $0x9  }
0x1b3: {  	_ =	swait.ge [sflag:s11], $0x2000  }
0x1b4: {  	[sflag:s11] =	ssyncset.done $0x0  }
0x1b5: {  	[sflag:s11] =	ssyncadd.s32 $0xFFFFE000  }
0x1b6: {  	v4 =	vld [tilespmem:s3+$0xFFFFFFFA];
	_ =	sdelay $0x4  }
0x1b7: {  	(v2sf) =	vpush v4, $0x0;
	_ =	sdelay $0xe  }
0x1b8: {  	s11 =	spop (v2sf)  }
0x1b9: {  	s10 =	sand.u32 $0x7F, s11  }
0x1ba: {  	v4 =	vor.u32 s10, v0;
	_ =	sdelay $0x4  }
0x1bb: {  	v4 =	vld.idx.msk [tilespmem:v4+s14+$0x0], $0xffff  }
0x1bc: {  	v5 =	vor.u32 s10, v1;
	_ =	sdelay $0x3  }
0x1bd: {  	[tilespmem:s4+$0x540] =	vst v4  }
0x1be: {  	v4 =	vld.idx.msk [tilespmem:v5+s14+$0x0], $0xffff  }
0x1bf: {  	v5 =	vor.u32 s10, v2;
	_ =	sdelay $0x3  }
0x1c0: {  	[tilespmem:s4+$0x550] =	vst v4  }
0x1c1: {  	v4 =	vld.idx.msk [tilespmem:v5+s14+$0x0], $0xffff  }
0x1c2: {  	v5 =	vor.u32 s10, v3;
	_ =	sdelay $0x3  }
0x1c3: {  	[tilespmem:s4+$0x560] =	vst v4  }
0x1c4: {  	v4 =	vld.idx.msk [tilespmem:v5+s14+$0x0], $0xffff;
	_ =	sdelay $0x4  }
0x1c5: {  	[tilespmem:s4+$0x570] =	vst v4  }
0x1c6: {  	v4 =	vld @!p0 [tilespmem:s3+$0x7];
	_ =	sdelay $0x4  }
0x1c7: {  	(v2sf) =	vpush @!p0 v4, $0x0;
	_ =	sdelay $0xd  }
0x1c8: {  	s10 =	smulhi.u32 $0x4EC4EC4F, s24  }
0x1c9: {  	s11 =	spop @!p0 (v2sf)  }
0x1ca: {  	s10 =	sshrl.u32 s10, $0x3;
	s11 =	sshll.u32 @!p0 s11, $0x3  }
0x1cb: {  	s10 =	smul.u32 $0xF6128000, s10;
	s11 =	sand.u32 @!p0 $0x7FFFFC00, s11  }
0x1cc: {  	s11 =	sadd.s32 @!p0 s11, s8  }
0x1cd: {  	s10 =	sadd.s32 @!p0 s10, s11  }
0x1ce: {  	s10 =	sadd.s32 @!p0 $0xFE174000, s10  }
0x1cf: {  	s10 =	sshrl.u32 @!p0 s10, $0x3  }
0x1d0: {  	s11 =	simm.s32 @!p0 $0xFD80;
	s10 =	sadd.s32 @!p0 s9, s10  }
0x1d1: {  	[tilespmem:s11], [sflag:$0x9] =	stream.strided.gather @!p0 [hbm4b:s10+s5], $0x2000, s6, s5, $0x38;
	[tilespmem:$0x1BD80] =	vst v63  }
0x1d2: {  	s11 =	simm.s32 $0xA  }
0x1d3: {  	_ =	swait.ge [sflag:s11], $0x2000  }
0x1d4: {  	[sflag:s11] =	ssyncset.done $0x0  }
0x1d5: {  	[sflag:s11] =	ssyncadd.s32 $0xFFFFE000  }
0x1d6: {  	v4 =	vld [tilespmem:s3+$0xFFFFFFFB];
	_ =	sdelay $0x4  }
0x1d7: {  	(v2sf) =	vpush v4, $0x0;
	_ =	sdelay $0xe  }
0x1d8: {  	s11 =	spop (v2sf)  }
0x1d9: {  	s10 =	sand.u32 $0x7F, s11  }
0x1da: {  	v4 =	vor.u32 s10, v0;
	_ =	sdelay $0x4  }
0x1db: {  	v4 =	vld.idx.msk [tilespmem:v4+s16+$0x0], $0xffff  }
0x1dc: {  	v5 =	vor.u32 s10, v1;
	_ =	sdelay $0x3  }
0x1dd: {  	[tilespmem:s7+$0x580] =	vst v4  }
0x1de: {  	v4 =	vld.idx.msk [tilespmem:v5+s16+$0x0], $0xffff  }
0x1df: {  	v5 =	vor.u32 s10, v2;
	_ =	sdelay $0x3  }
0x1e0: {  	[tilespmem:s4+$0x590] =	vst v4  }
0x1e1: {  	v4 =	vld.idx.msk [tilespmem:v5+s16+$0x0], $0xffff  }
0x1e2: {  	v5 =	vor.u32 s10, v3;
	_ =	sdelay $0x3  }
0x1e3: {  	[tilespmem:s4+$0x5A0] =	vst v4  }
0x1e4: {  	v4 =	vld.idx.msk [tilespmem:v5+s16+$0x0], $0xffff;
	_ =	sdelay $0x4  }
0x1e5: {  	[tilespmem:s4+$0x5B0] =	vst v4  }
0x1e6: {  	v4 =	vld @!p0 [tilespmem:s3+$0x8];
	_ =	sdelay $0x4  }
0x1e7: {  	(v2sf) =	vpush @!p0 v4, $0x0;
	_ =	sdelay $0xd  }
0x1e8: {  	s10 =	smulhi.u32 $0x4EC4EC4F, s23  }
0x1e9: {  	s11 =	spop @!p0 (v2sf)  }
0x1ea: {  	s10 =	sshrl.u32 s10, $0x3;
	s11 =	sshll.u32 @!p0 s11, $0x3  }
0x1eb: {  	s10 =	smul.u32 $0xF6128000, s10;
	s11 =	sand.u32 @!p0 $0x7FFFFC00, s11  }
0x1ec: {  	s11 =	sadd.s32 @!p0 s11, s8  }
0x1ed: {  	s10 =	sadd.s32 @!p0 s10, s11  }
0x1ee: {  	s10 =	sadd.s32 @!p0 $0xFE790000, s10  }
0x1ef: {  	s10 =	sshrl.u32 @!p0 s10, $0x3  }
0x1f0: {  	s11 =	simm.s32 @!p0 $0x11D80;
	s10 =	sadd.s32 @!p0 s9, s10  }
0x1f1: {  	[tilespmem:s11], [sflag:$0xA] =	stream.strided.gather @!p0 [hbm4b:s10+s5], $0x2000, s6, s5, $0x38;
	[tilespmem:$0x1BD80] =	vst v63  }
0x1f2: {  	s11 =	simm.s32 $0xB  }
0x1f3: {  	_ =	swait.ge [sflag:s11], $0x2000  }
0x1f4: {  	[sflag:s11] =	ssyncset.done $0x0  }
0x1f5: {  	[sflag:s11] =	ssyncadd.s32 $0xFFFFE000  }
0x1f6: {  	v4 =	vld [tilespmem:s3+$0xFFFFFFFC];
	_ =	sdelay $0x4  }
0x1f7: {  	(v2sf) =	vpush v4, $0x0;
	_ =	sdelay $0xe  }
0x1f8: {  	s11 =	spop (v2sf)  }
0x1f9: {  	s10 =	sand.u32 $0x7F, s11  }
0x1fa: {  	v4 =	vor.u32 s10, v0;
	_ =	sdelay $0x4  }
0x1fb: {  	v4 =	vld.idx.msk [tilespmem:v4+s17+$0x0], $0xffff  }
0x1fc: {  	v5 =	vor.u32 s10, v1;
	_ =	sdelay $0x3  }
0x1fd: {  	[tilespmem:s4+$0x5C0] =	vst v4  }
0x1fe: {  	v4 =	vld.idx.msk [tilespmem:v5+s17+$0x0], $0xffff  }
0x1ff: {  	v5 =	vor.u32 s10, v2;
	_ =	sdelay $0x3  }
0x200: {  	[tilespmem:s4+$0x5D0] =	vst v4  }
0x201: {  	v4 =	vld.idx.msk [tilespmem:v5+s17+$0x0], $0xffff  }
0x202: {  	v5 =	vor.u32 s10, v3;
	_ =	sdelay $0x3  }
0x203: {  	[tilespmem:s4+$0x5E0] =	vst v4  }
0x204: {  	v4 =	vld.idx.msk [tilespmem:v5+s17+$0x0], $0xffff;
	_ =	sdelay $0x4  }
0x205: {  	[tilespmem:s4+$0x5F0] =	vst v4  }
0x206: {  	v4 =	vld @!p0 [tilespmem:s3+$0x9];
	_ =	sdelay $0x4  }
0x207: {  	(v2sf) =	vpush @!p0 v4, $0x0;
	_ =	sdelay $0xd  }
0x208: {  	s10 =	smulhi.u32 $0x4EC4EC4F, s22  }
0x209: {  	s11 =	spop @!p0 (v2sf)  }
0x20a: {  	s10 =	sshrl.u32 s10, $0x3;
	s11 =	sshll.u32 @!p0 s11, $0x3  }
0x20b: {  	s10 =	smul.u32 $0xF6128000, s10;
	s11 =	sand.u32 @!p0 $0x7FFFFC00, s11  }
0x20c: {  	s11 =	sadd.s32 @!p0 s11, s8  }
0x20d: {  	s10 =	sadd.s32 @!p0 s10, s11  }
0x20e: {  	s10 =	sadd.s32 @!p0 $0xFEDAC000, s10  }
0x20f: {  	s10 =	sshrl.u32 @!p0 s10, $0x3  }
0x210: {  	s11 =	simm.s32 @!p0 $0x13D80;
	s10 =	sadd.s32 @!p0 s9, s10  }
0x211: {  	[tilespmem:s11], [sflag:$0xB] =	stream.strided.gather @!p0 [hbm4b:s10+s5], $0x2000, s6, s5, $0x38;
	[tilespmem:$0x1BD80] =	vst v63  }
0x212: {  	s11 =	simm.s32 $0xC  }
0x213: {  	_ =	swait.ge [sflag:s11], $0x2000  }
0x214: {  	[sflag:s11] =	ssyncset.done $0x0  }
0x215: {  	[sflag:s11] =	ssyncadd.s32 $0xFFFFE000  }
0x216: {  	v4 =	vld [tilespmem:s3+$0xFFFFFFFD];
	_ =	sdelay $0x4  }
0x217: {  	(v2sf) =	vpush v4, $0x0;
	_ =	sdelay $0xe  }
0x218: {  	s11 =	spop (v2sf)  }
0x219: {  	s10 =	sand.u32 $0x7F, s11  }
0x21a: {  	v4 =	vor.u32 s10, v0;
	_ =	sdelay $0x4  }
0x21b: {  	v4 =	vld.idx.msk [tilespmem:v4+s19+$0x0], $0xffff  }
0x21c: {  	v5 =	vor.u32 s10, v1;
	_ =	sdelay $0x3  }
0x21d: {  	[tilespmem:s7+$0x600] =	vst v4  }
0x21e: {  	v4 =	vld.idx.msk [tilespmem:v5+s19+$0x0], $0xffff  }
0x21f: {  	v5 =	vor.u32 s10, v2;
	_ =	sdelay $0x3  }
0x220: {  	[tilespmem:s4+$0x610] =	vst v4  }
0x221: {  	v4 =	vld.idx.msk [tilespmem:v5+s19+$0x0], $0xffff  }
0x222: {  	v5 =	vor.u32 s10, v3;
	_ =	sdelay $0x3  }
0x223: {  	[tilespmem:s4+$0x620] =	vst v4  }
0x224: {  	v4 =	vld.idx.msk [tilespmem:v5+s19+$0x0], $0xffff;
	_ =	sdelay $0x4  }
0x225: {  	[tilespmem:s4+$0x630] =	vst v4  }
0x226: {  	v4 =	vld @!p0 [tilespmem:s3+$0xA];
	_ =	sdelay $0x4  }
0x227: {  	(v2sf) =	vpush @!p0 v4, $0x0;
	_ =	sdelay $0xd  }
0x228: {  	s10 =	smulhi.u32 $0x4EC4EC4F, s18  }
0x229: {  	s11 =	spop @!p0 (v2sf)  }
0x22a: {  	s10 =	sshrl.u32 s10, $0x3;
	s11 =	sshll.u32 @!p0 s11, $0x3  }
0x22b: {  	s10 =	smul.u32 $0xF6128000, s10;
	s11 =	sand.u32 @!p0 $0x7FFFFC00, s11  }
0x22c: {  	s11 =	sadd.s32 @!p0 s11, s8  }
0x22d: {  	s10 =	sadd.s32 @!p0 s10, s11  }
0x22e: {  	s10 =	sadd.s32 @!p0 $0xFF3C8000, s10  }
0x22f: {  	s10 =	sshrl.u32 @!p0 s10, $0x3  }
0x230: {  	s11 =	simm.s32 @!p0 $0x15D80;
	s10 =	sadd.s32 @!p0 s9, s10  }
0x231: {  	[tilespmem:s11], [sflag:$0xC] =	stream.strided.gather @!p0 [hbm4b:s10+s5], $0x2000, s6, s5, $0x38;
	[tilespmem:$0x1BD80] =	vst v63  }
0x232: {  	s11 =	simm.s32 $0xD  }
0x233: {  	_ =	swait.ge [sflag:s11], $0x2000  }
0x234: {  	[sflag:s11] =	ssyncset.done $0x0  }
0x235: {  	[sflag:s11] =	ssyncadd.s32 $0xFFFFE000  }
0x236: {  	v4 =	vld [tilespmem:s3+$0xFFFFFFFE];
	_ =	sdelay $0x4  }
0x237: {  	(v2sf) =	vpush v4, $0x0;
	_ =	sdelay $0xe  }
0x238: {  	s11 =	spop (v2sf)  }
0x239: {  	s10 =	sand.u32 $0x7F, s11  }
0x23a: {  	v4 =	vor.u32 s10, v0;
	_ =	sdelay $0x4  }
0x23b: {  	v4 =	vld.idx.msk [tilespmem:v4+s20+$0x0], $0xffff  }
0x23c: {  	v5 =	vor.u32 s10, v1;
	_ =	sdelay $0x3  }
0x23d: {  	[tilespmem:s4+$0x640] =	vst v4  }
0x23e: {  	v4 =	vld.idx.msk [tilespmem:v5+s20+$0x0], $0xffff  }
0x23f: {  	v5 =	vor.u32 s10, v2;
	_ =	sdelay $0x3  }
0x240: {  	[tilespmem:s4+$0x650] =	vst v4  }
0x241: {  	v4 =	vld.idx.msk [tilespmem:v5+s20+$0x0], $0xffff  }
0x242: {  	v5 =	vor.u32 s10, v3;
	_ =	sdelay $0x3  }
0x243: {  	[tilespmem:s4+$0x660] =	vst v4  }
0x244: {  	v4 =	vld.idx.msk [tilespmem:v5+s20+$0x0], $0xffff;
	_ =	sdelay $0x4  }
0x245: {  	[tilespmem:s4+$0x670] =	vst v4  }
0x246: {  	v4 =	vld @!p0 [tilespmem:s3+$0xB];
	_ =	sdelay $0x4  }
0x247: {  	(v2sf) =	vpush @!p0 v4, $0x0;
	_ =	sdelay $0xd  }
0x248: {  	s10 =	smulhi.u32 $0x4EC4EC4F, s15  }
0x249: {  	s11 =	spop @!p0 (v2sf)  }
0x24a: {  	s10 =	sshrl.u32 s10, $0x3;
	s11 =	sshll.u32 @!p0 s11, $0x3  }
0x24b: {  	s10 =	smul.u32 $0xF6128000, s10;
	s11 =	sand.u32 @!p0 $0x7FFFFC00, s11  }
0x24c: {  	s11 =	sadd.s32 @!p0 s11, s8  }
0x24d: {  	s10 =	sadd.s32 @!p0 s10, s11  }
0x24e: {  	s10 =	sadd.s32 @!p0 $0xFF9E4000, s10  }
0x24f: {  	s10 =	sshrl.u32 @!p0 s10, $0x3  }
0x250: {  	s11 =	simm.s32 @!p0 $0x17D80;
	s10 =	sadd.s32 @!p0 s9, s10  }
0x251: {  	[tilespmem:s11], [sflag:$0xD] =	stream.strided.gather @!p0 [hbm4b:s10+s5], $0x2000, s6, s5, $0x38;
	[tilespmem:$0x1BD80] =	vst v63  }
0x252: {  	s11 =	simm.s32 $0xE  }
0x253: {  	_ =	swait.ge [sflag:s11], $0x2000  }
0x254: {  	[sflag:s11] =	ssyncset.done $0x0  }
0x255: {  	[sflag:s11] =	ssyncadd.s32 $0xFFFFE000  }
0x256: {  	v4 =	vld [tilespmem:s3+$0xFFFFFFFF];
	_ =	sdelay $0x4  }
0x257: {  	(v2sf) =	vpush v4, $0x0;
	_ =	sdelay $0xe  }
0x258: {  	s11 =	spop (v2sf)  }
0x259: {  	s10 =	sand.u32 $0x7F, s11  }
0x25a: {  	v4 =	vor.u32 s10, v0;
	_ =	sdelay $0x4  }
0x25b: {  	v4 =	vld.idx.msk [tilespmem:v4+s21+$0x0], $0xffff  }
0x25c: {  	v5 =	vor.u32 s10, v1;
	_ =	sdelay $0x3  }
0x25d: {  	[tilespmem:s7+$0x680] =	vst v4  }
0x25e: {  	v4 =	vld.idx.msk [tilespmem:v5+s21+$0x0], $0xffff  }
0x25f: {  	v5 =	vor.u32 s10, v2;
	_ =	sdelay $0x3  }
0x260: {  	[tilespmem:s4+$0x690] =	vst v4  }
0x261: {  	v4 =	vld.idx.msk [tilespmem:v5+s21+$0x0], $0xffff  }
0x262: {  	v5 =	vor.u32 s10, v3;
	_ =	sdelay $0x3  }
0x263: {  	[tilespmem:s4+$0x6A0] =	vst v4  }
0x264: {  	v4 =	vld.idx.msk [tilespmem:v5+s21+$0x0], $0xffff;
	_ =	sdelay $0x4  }
0x265: {  	[tilespmem:s4+$0x6B0] =	vst v4  }
0x266: {  	v4 =	vld @!p0 [tilespmem:s3+$0xC];
	_ =	sdelay $0x4  }
0x267: {  	(v2sf) =	vpush @!p0 v4, $0x0;
	_ =	sdelay $0xd  }
0x268: {  	s11 =	smulhi.u32 $0x4EC4EC4F, s2  }
0x269: {  	s7 =	spop @!p0 (v2sf)  }
0x26a: {  	s4 =	sshrl.u32 s11, $0x3;
	s7 =	sshll.u32 @!p0 s7, $0x3  }
0x26b: {  	s4 =	smul.u32 $0xF6128000, s4;
	s7 =	sand.u32 @!p0 $0x7FFFFC00, s7  }
0x26c: {  	s7 =	sadd.s32 @!p0 s7, s8  }
0x26d: {  	s4 =	sadd.s32 @!p0 s4, s7  }
0x26e: {  	s4 =	sshrl.u32 @!p0 s4, $0x3  }
0x26f: {  	p1 =	seq.s32 @!p0 s1, $0x0;
	s7 =	simm.s32 @!p0 $0x19D80;
	s4 =	sadd.s32 @!p0 s9, s4  }
0x270: {  	[tilespmem:s7], [sflag:$0xE] =	stream.strided.gather @!p0 [hbm4b:s4+s5], $0x2000, s6, s5, $0x38;
	[tilespmem:$0x1BD80] =	vst v63  }
0x271: {  	p0 =	por p0, !p1  }
0x272: {  	s1 =	sadd.s32 @p0 $0xFFFFFFFF, s12  }
0x273: {  	s4 =	rddreg @p0 [dreg:$0x11];
	s1 =	sshrl.u32 @p0 s1, $0x1  }
0x274: {  	s4 =	sadd.s32 @p0 s4, s1  }
0x275: {  	s5 =	sshrl.u32 @p0 s4, $0x3  }
0x276: {  	s1 =	sand.u32 @p0 $0x3, s1;
	s4 =	sshll.u32 @p0 s4, $0x7;
	s5 =	smul.u32 @p0 $0x3400, s5  }
0x277: {  	s1 =	smul.u32 @p0 $0x1A00, s1;
	s4 =	sand.u32 @p0 $0x380, s4  }
0x278: {  	s6 =	simm.s32 @p0 $0x80;
	s12 =	sadd.s32 $0x1, s12;
	s4 =	sor.u32 @p0 s4, s5  }
0x279: {  	s1 =	sshrl.u32 @p0 s1, $0x2;
	s5 =	rddreg @p0 [dreg:$0xe];
	s4 =	sshrl.u32 @p0 s4, $0x3  }
0x27a: {  	s1 =	sadd.s32 @p0 $0x380, s1;
	s4 =	sadd.s32 @p0 s5, s4;
	s5 =	simm.s32 @p0 $0x400  }
0x27b: {  	[hbm4b:s4+s6] =	stream.strided.scatter @p0 [tilespmem:s1], [sflag:$0x1], $0x680, s5, s6, $0x38;
	[tilespmem:$0x1BD80] =	vst v63  }
0x27c: {  	s0 =	sadd.s32 $0xD, s0;
	s31 =	sadd.s32 $0xD, s31;
	p0 =	sne.s32 s12, $0x40  }
.Ltmp0:
0x27d: {  	s30 =	sadd.s32 $0xD, s30;
	s29 =	sadd.s32 $0xD, s29;
	(pc) =	sbr.rel @p0 .LBB2_2-.Ltmp0, $4  }
0x27e: {  	s28 =	sadd.s32 $0xD, s28;
	s26 =	sadd.s32 $0xD, s26;
	s13 =	simm.s32 $0xDD80  }
0x27f: {  	s25 =	sadd.s32 $0xD, s25;
	s24 =	sadd.s32 $0xD, s24;
	s23 =	sadd.s32 $0xD, s23  }
0x280: {  	s22 =	sadd.s32 $0xD, s22;
	s18 =	sadd.s32 $0xD, s18;
	s15 =	sadd.s32 $0xD, s15  }
0x281: {  	s2 =	sadd.s32 $0xD, s2;
	s3 =	sadd.s32 $0xD, s3;
	s8 =	sadd.s32 $0x4F6C000, s8  }
0x282: {  	s1 =	simm.s32 $0x1  }
0x283: {  	_ =	swait.ge [sflag:s1], $0x680  }
0x284: {  	[sflag:s1] =	ssyncset.done $0x0  }
0x285: {  	[sflag:s1] =	ssyncadd.s32 $0xFFFFF980  }
0x286: {  	_ =	swait.ge [sflag:s1], $0x680  }
0x287: {  	[sflag:s1] =	ssyncset.done $0x0  }
0x288: {  	[sflag:s1] =	ssyncadd.s32 $0xFFFFF980  }
0x289: {  	_ =	swait.ge [sflag:s1], $0x680  }
0x28a: {  	[sflag:s1] =	ssyncset.done $0x0  }
0x28b: {  	[sflag:s1] =	ssyncadd.s32 $0xFFFFF980  }
0x28c: {  	_ =	swait.ge [sflag:s1], $0x680  }
0x28d: {  	s2 =	sld [smem:$0x7FC];
	_ =	sdelay $0x2  }
0x28e: {  	s0 =	rddreg [dreg:$0x12];
	s2 =	sadd.s32 $0x1, s2  }
0x28f: {  	p0 =	sne.s32 s2, s0  }
.Ltmp1:
0x290: {  	_ = 	snop;
	(pc) =	sbr.rel @p0 .LBB2_1-.Ltmp1, $3  }
0x291: {  	_ =	sdelay $0x1  }
0x292: {  	[sflag:s1] =	ssyncset.done $0x0  }
0x293: {  	[sflag:s1] =	ssyncadd.s32 $0xFFFFF980  }
0x294: {  	_ =	sfence.sel $0x180000  }
0x295: {  	[bflag:$0x0] =	sbarrier.arrive $0xFFFF  }
0x296: {  	_ =	strace $0x90000047  }
0x297: {  	s0 =	stileid.u32;
	[bflag:$0x2] =	sbarrier.arrive $0xFFFF  }
0x298: {  	p0 =	sne.s32 s0, $0x0;
	s0 =	rddreg [dreg:$0x2]  }
0x299: {  	s0 =	sadd.s32 @!p0 $0x100000, s0  }
0x29a: {  	[sflag:s0] =	ssyncadd.tile.s32 @!p0 $0x1;
	_ =	shalt  }
.Lfunc_end2:
_tile_overlayer_lowered:
.L_overlay_start_2:
0x29b: {  	(tag) =	ssettag $0x2  }
0x29c: {  	s0 =	rddreg [dreg:$0x0];
	s2 =	stileid.u32  }
0x29d: {  	s1 =	rddreg [dreg:$0x1];
	p0 =	sne.s32 s2, $0x0  }
0x29e: {  	s3 =	rddreg [dreg:$0x2];
	[bflag:$0x3] =	sbarrier.arrive $0xFFFF;
	s2 =	simm.s32 @!p0 $0x1C0F  }
0x29f: {  	[timem:s3], [sflag:s2] =	dma.local @!p0 [hbm:s0], s1  }
0x2a0: {  	s0 =	simm.s32 @!p0 $0xF  }
0x2a1: {  	_ =	swait.ge @!p0 [sflag:s0], s1  }
0x2a2: {  	s1 =	ssub.s32 @!p0 $0x0, s1;
	[sflag:s0] =	ssyncset.done @!p0 $0x0  }
0x2a3: {  	[sflag:s0] =	ssyncadd.s32 @!p0 s1  }
0x2a4: {  	[bflag:$0x3] =	sbarrier.arrive $0xFFFF  }
0x2a5: {  	_ =	shalt  }

</sc_bundles>
